<compile_context>
chip_gen: v7x
topology: tpu7x:2x2x1
jax: 0.10.2.dev20260603
libtpu: 0.0.44.dev20260713+nightly
codegen_flags: <defaults>
</compile_context>

<pallas_src>
import functools

import jax
import jax.numpy as jnp
from jax import lax
from jax.experimental import pallas as pl
from jax.experimental.pallas import tpu as pltpu
from jax.experimental.pallas import tpu_sc as plsc

_B, _N, _F, _E, _H = 4, 2500, 13, 320000, 128
_BN = _B * _N
_FP = 16

_NC, _NS = 2, 16
_NW = _NC * _NS
_EB = 128
_NBATCH = 80
_GRP = 4
_E_PAD = _NW * _NBATCH * _EB
_NBT = _NW * _NBATCH
_GNB0, _GNB1 = 80, 80
_SNB0, _SNB1 = 88, 72
_ROWS_PER_TILE = _BN // _NS

_BLK_E = 4096
_BLK_N = 2000

@functools.lru_cache(maxsize=None)
def _sc_mesh():
    return plsc.VectorSubcoreMesh(
        core_axis_name="c", subcore_axis_name="s",
        num_cores=_NC, num_subcores=_NS)


def _teff_body(src_ref, tgt_ref, out_ref):
    s = src_ref[...]
    t = tgt_ref[...]
    out_ref[...] = s - lax.rem(s, _N) + lax.rem(t, _N)


def _teff_call(src_p, tgt_p):
    n_rows = _NW * _NBATCH
    return pl.pallas_call(
        _teff_body,
        grid=(1,),
        in_specs=[
            pl.BlockSpec((n_rows, _EB), lambda i: (0, 0)),
            pl.BlockSpec((n_rows, _EB), lambda i: (0, 0)),
        ],
        out_specs=pl.BlockSpec((n_rows, _EB), lambda i: (0, 0)),
        out_shape=jax.ShapeDtypeStruct((n_rows, _EB), jnp.int32),
    )(src_p, tgt_p)


def _gather_pipe(z_hbm, src_hbm, teff_hbm, zs_out, zt_out,
                 idx_s, idx_t, rows_s, rows_t, sems_g, sems_o, b0, nb):
    pltpu.sync_copy(src_hbm.at[pl.ds(b0, nb)], idx_s.at[pl.ds(0, nb)])
    pltpu.sync_copy(teff_hbm.at[pl.ds(b0, nb)], idx_t.at[pl.ds(0, nb)])
    base = b0 * _EB

    grows = _GRP * _EB
    rows_bufs = (rows_s, rows_t)
    outs = (zs_out, zt_out)

    def _fire(g, p):
        descs = []
        for j in range(_GRP):
            b = g * _GRP + j
            for idx, rows, sem in ((idx_s, rows_bufs[0], sems_g[p][0]),
                                   (idx_t, rows_bufs[1], sems_g[p][1])):
                descs.append(pltpu.async_copy(
                    z_hbm.at[idx.at[b]],
                    rows.at[pl.ds((p * _GRP + j) * _EB, _EB)], sem))
        return descs

    def _drain_out(p):
        for rows, out in zip(rows_bufs, outs):
            pltpu.make_async_copy(
                rows.at[pl.ds(p * grows, grows)],
                out.at[pl.ds(base, grows)], sems_o[p]).wait()

    def _pair(i, carry):
        descs = []
        for p in (0, 1):
            @pl.when(i > 0)
            def _():
                _drain_out(p)
            descs.append(_fire(2 * i + p, p))
        for p in (0, 1):
            for d in descs[p]:
                d.wait()
            row0 = base + (2 * i + p) * grows
            for rows, out in zip(rows_bufs, outs):
                pltpu.async_copy(rows.at[pl.ds(p * grows, grows)],
                                 out.at[pl.ds(row0, grows)], sems_o[p])
        return carry
    lax.fori_loop(0, nb // (2 * _GRP), _pair, 0)
    _drain_out(0)
    _drain_out(1)


def _gather_body(z_hbm, src_hbm, teff_hbm, zs_out, zt_out,
                 idx_s, idx_t, rows_s, rows_t, z_sp,
                 sem_s0, sem_t0, sem_s1, sem_t1, sem_o0, sem_o1):
    c = lax.axis_index("c")
    s = lax.axis_index("s")
    sems_g = ((sem_s0, sem_t0), (sem_s1, sem_t1))
    sems_o = (sem_o0, sem_o1)

    r0 = s * _ROWS_PER_TILE
    pltpu.sync_copy(z_hbm.at[pl.ds(r0, _ROWS_PER_TILE)],
                    z_sp.at[pl.ds(r0, _ROWS_PER_TILE)])
    plsc.subcore_barrier()

    @pl.when(c == 0)
    def _():
        _gather_pipe(z_sp, src_hbm, teff_hbm, zs_out, zt_out,
                     idx_s, idx_t, rows_s, rows_t, sems_g, sems_o,
                     s * _GNB0, _GNB0)

    @pl.when(c == 1)
    def _():
        _gather_pipe(z_sp, src_hbm, teff_hbm, zs_out, zt_out,
                     idx_s, idx_t, rows_s, rows_t, sems_g, sems_o,
                     _NS * _GNB0 + s * _GNB1, _GNB1)


@functools.lru_cache(maxsize=None)
def _gather_call():
    return pl.kernel(
        _gather_body,
        out_type=(
            jax.ShapeDtypeStruct((_E_PAD, _FP), jnp.float32),
            jax.ShapeDtypeStruct((_E_PAD, _FP), jnp.float32),
        ),
        mesh=_sc_mesh(),
        scratch_types=(
            pltpu.VMEM((_GNB0, _EB), jnp.int32),
            pltpu.VMEM((_GNB0, _EB), jnp.int32),
            pltpu.VMEM((2 * _GRP * _EB, _FP), jnp.float32),
            pltpu.VMEM((2 * _GRP * _EB, _FP), jnp.float32),
            pltpu.VMEM_SHARED((_BN, _FP), jnp.float32),
            pltpu.SemaphoreType.DMA,
            pltpu.SemaphoreType.DMA,
            pltpu.SemaphoreType.DMA,
            pltpu.SemaphoreType.DMA,
            pltpu.SemaphoreType.DMA,
            pltpu.SemaphoreType.DMA,
        ),
        compiler_params=pltpu.CompilerParams(use_tc_tiling_on_sc=False),
    )


def _scatter_pipe(wm_hbm, teff_hbm, idx_t, rows, acc, sem, b0, nb):
    pltpu.sync_copy(teff_hbm.at[pl.ds(b0, nb)], idx_t.at[pl.ds(0, nb)])

    def _gbody(g, carry):
        pltpu.sync_copy(
            wm_hbm.at[pl.ds(b0 * _EB + g * (_GRP * _EB), _GRP * _EB)], rows)
        descs = []
        for j in range(_GRP):
            descs.append(pltpu.async_copy(
                rows.at[pl.ds(j * _EB, _EB)], acc.at[idx_t.at[g * _GRP + j]],
                sem, add=True))
        for d in descs:
            d.wait()
        return carry
    lax.fori_loop(0, nb // _GRP, _gbody, 0)


def _scatter_body(wm_hbm, teff_hbm, zeros_hbm, out_hbm, idx_t, rows, acc, sem):
    c = lax.axis_index("c")
    s = lax.axis_index("s")
    r0 = s * _ROWS_PER_TILE

    pltpu.sync_copy(zeros_hbm.at[pl.ds(r0, _ROWS_PER_TILE)],
                    acc.at[pl.ds(r0, _ROWS_PER_TILE)])
    plsc.subcore_barrier()

    @pl.when(c == 0)
    def _():
        _scatter_pipe(wm_hbm, teff_hbm, idx_t, rows, acc, sem,
                      s * _SNB0, _SNB0)

    @pl.when(c == 1)
    def _():
        _scatter_pipe(wm_hbm, teff_hbm, idx_t, rows, acc, sem,
                      _NS * _SNB0 + s * _SNB1, _SNB1)

    plsc.subcore_barrier()
    pltpu.sync_copy(acc.at[pl.ds(r0, _ROWS_PER_TILE)],
                    out_hbm.at[pl.ds(c * _BN + r0, _ROWS_PER_TILE)])


@functools.lru_cache(maxsize=None)
def _scatter_call():
    return pl.kernel(
        _scatter_body,
        out_type=jax.ShapeDtypeStruct((_NC * _BN, _FP), jnp.float32),
        mesh=_sc_mesh(),
        scratch_types=(
            pltpu.VMEM((_SNB0, _EB), jnp.int32),
            pltpu.VMEM((_GRP * _EB, _FP), jnp.float32),
            pltpu.VMEM_SHARED((_BN, _FP), jnp.float32),
            pltpu.SemaphoreType.DMA,
        ),
        compiler_params=pltpu.CompilerParams(use_tc_tiling_on_sc=False),
    )


def _edge_body(zs_ref, zt_ref, w1_ref, b1_ref, w2_ref, b2_ref, m_ref,
               esel_ref, p1_ref, p2_ref, wm_ref):
    zp = zs_ref[...]
    zq = zt_ref[...]
    zs = jnp.concatenate([zp[:, k * _FP:(k + 1) * _FP] for k in range(8)],
                         axis=0)
    zt = jnp.concatenate([zq[:, k * _FP:(k + 1) * _FP] for k in range(8)],
                         axis=0)
    col = lax.broadcasted_iota(jnp.int32, zs.shape, 1)
    d = zs - zt
    dsq = d * d
    zz = jnp.concatenate([zs, zt], axis=1)
    rots = jnp.dot(zz, p1_ref[...], preferred_element_type=jnp.float32)
    prod = rots[:, 0:2 * _FP] * rots[:, 2 * _FP:4 * _FP]
    cross = jnp.dot(prod, p2_ref[...], preferred_element_type=jnp.float32)
    csq = cross * cross
    s2 = jnp.dot(csq, m_ref[...], preferred_element_type=jnp.float32)
    absc = jnp.sqrt(s2)
    quad = jnp.where(col == 6, absc, jnp.where(col < 3, dsq, 0.0))
    x = jnp.concatenate([zz, cross, quad], axis=1)
    h = jnp.tanh(
        jnp.dot(x, w1_ref[...], preferred_element_type=jnp.float32) + b1_ref[...])
    y = jnp.dot(h, w2_ref[...], preferred_element_type=jnp.float32) + b2_ref[...]
    w = jax.nn.sigmoid(
        jnp.dot(y, esel_ref[...], preferred_element_type=jnp.float32))
    p_row = lax.broadcasted_iota(jnp.int32, y.shape, 0)
    rows8 = _BLK_E // 8
    e_loc = 8 * (p_row % rows8) + p_row // rows8
    row = e_loc + pl.program_id(0) * _BLK_E
    wm = jnp.where((col < _F) & (row < _E), y * w, 0.0)
    wm_ref[...] = jnp.concatenate(
        [wm[k * rows8:(k + 1) * rows8, :] for k in range(8)], axis=1)


def _edge_call(zs, zt, w1, b1, w2, b2, m_mat, esel, p1, p2):
    grid = _E_PAD // _BLK_E
    return pl.pallas_call(
        _edge_body,
        grid=(grid,),
        in_specs=[
            pl.BlockSpec((_BLK_E // 8, 8 * _FP), lambda i: (i, 0)),
            pl.BlockSpec((_BLK_E // 8, 8 * _FP), lambda i: (i, 0)),
            pl.BlockSpec((4 * _FP, 2 * _H), lambda i: (0, 0)),
            pl.BlockSpec((1, 2 * _H), lambda i: (0, 0)),
            pl.BlockSpec((2 * _H, _FP), lambda i: (0, 0)),
            pl.BlockSpec((1, _FP), lambda i: (0, 0)),
            pl.BlockSpec((_FP, _FP), lambda i: (0, 0)),
            pl.BlockSpec((_FP, _FP), lambda i: (0, 0)),
            pl.BlockSpec((2 * _FP, 4 * _FP), lambda i: (0, 0)),
            pl.BlockSpec((2 * _FP, _FP), lambda i: (0, 0)),
        ],
        out_specs=pl.BlockSpec((_BLK_E // 8, 8 * _FP), lambda i: (i, 0)),
        out_shape=jax.ShapeDtypeStruct((_E_PAD // 8, 8 * _FP), jnp.float32),
        compiler_params=pltpu.CompilerParams(
            dimension_semantics=("arbitrary",)),
    )(zs, zt, w1, b1, w2, b2, m_mat, esel, p1, p2)


def _node_body(z_ref, m_ref, w1_ref, b1_ref, w2_ref, b2_ref, out_ref):
    z = z_ref[...]
    m = m_ref[0] + m_ref[1]
    x = jnp.concatenate([z[:, 0:13], m[:, 0:13]], axis=1)
    h = jnp.tanh(
        jnp.dot(x, w1_ref[...], preferred_element_type=jnp.float32) + b1_ref[...])
    out_ref[...] = (
        jnp.dot(h, w2_ref[...], preferred_element_type=jnp.float32) + b2_ref[...])


def _node_call(z_pad, m_parts, w1, b1, w2, b2):
    grid = _BN // _BLK_N
    return pl.pallas_call(
        _node_body,
        grid=(grid,),
        in_specs=[
            pl.BlockSpec((_BLK_N, _FP), lambda i: (i, 0)),
            pl.BlockSpec((_NC, _BLK_N, _FP), lambda i: (0, i, 0)),
            pl.BlockSpec((2 * _F, _H), lambda i: (0, 0)),
            pl.BlockSpec((1, _H), lambda i: (0, 0)),
            pl.BlockSpec((_H, _F), lambda i: (0, 0)),
            pl.BlockSpec((1, _F), lambda i: (0, 0)),
        ],
        out_specs=pl.BlockSpec((_BLK_N, _F), lambda i: (i, 0)),
        out_shape=jax.ShapeDtypeStruct((_BN, _F), jnp.float32),
        compiler_params=pltpu.CompilerParams(
            dimension_semantics=("arbitrary",)),
    )(z_pad, m_parts, w1, b1, w2, b2)


def kernel(z_h, edge_index_h_h, We1, be1, We2, be2, Ww1, bw1, Ww2, bw2,
           Wn1, bn1, Wn2, bn2):
    z_flat = z_h.reshape(_BN, _F)
    z_pad = jnp.pad(z_flat, ((0, 0), (0, _FP - _F)))

    src = edge_index_h_h[0].astype(jnp.int32)
    tgt = edge_index_h_h[1].astype(jnp.int32)
    src2 = jnp.pad(src, (0, _E_PAD - _E)).reshape(_NW * _NBATCH, _EB)
    tgt2 = jnp.pad(tgt, (0, _E_PAD - _E)).reshape(_NW * _NBATCH, _EB)
    teff = _teff_call(src2, tgt2)

    zs, zt = _gather_call()(z_pad, src2, teff)

    w1c = jnp.concatenate([We1, Ww1], axis=1)
    b1c = jnp.concatenate([be1, bw1])[None, :]
    w64 = jnp.zeros((4 * _FP, 2 * _H), jnp.float32)
    w64 = w64.at[0:_F].set(w1c[0:13])
    w64 = w64.at[0:3].add(w1c[26:29])
    w64 = w64.at[_FP:_FP + _F].set(w1c[13:26])
    w64 = w64.at[_FP:_FP + 3].add(-w1c[26:29])
    w64 = w64.at[2 * _FP + 3:2 * _FP + 6].set(w1c[30:33])
    w64 = w64.at[3 * _FP + 0:3 * _FP + 3].set(
        jnp.broadcast_to(w1c[29], (3, 2 * _H)))
    w64 = w64.at[3 * _FP + 6].set(w1c[33])
    w2c = jnp.zeros((2 * _H, _FP), jnp.float32)
    w2c = w2c.at[0:_H, 0:_F].set(We2)
    w2c = w2c.at[_H:2 * _H, _F:_F + 1].set(Ww2)
    b2c = jnp.zeros((_FP,), jnp.float32)
    b2c = b2c.at[0:_F].set(be2)
    b2c = b2c.at[_F].set(bw2[0])
    b2c = b2c[None, :]
    m_mat = jnp.zeros((_FP, _FP), jnp.float32).at[3:6].set(1.0)
    esel = jnp.zeros((_FP, _FP), jnp.float32).at[_F].set(1.0)
    p1 = jnp.zeros((_FP, _FP), jnp.float32)
    p1 = p1.at[4, 3].set(1.0).at[5, 4].set(1.0).at[3, 5].set(1.0)
    p2 = jnp.zeros((_FP, _FP), jnp.float32)
    p2 = p2.at[5, 3].set(1.0).at[3, 4].set(1.0).at[4, 5].set(1.0)
    rot_big = jnp.zeros((2 * _FP, 4 * _FP), jnp.float32)
    rot_big = rot_big.at[0:_FP, 0:_FP].set(p1)
    rot_big = rot_big.at[0:_FP, _FP:2 * _FP].set(p2)
    rot_big = rot_big.at[_FP:2 * _FP, 2 * _FP:3 * _FP].set(p2)
    rot_big = rot_big.at[_FP:2 * _FP, 3 * _FP:4 * _FP].set(p1)
    eye = jnp.eye(_FP, dtype=jnp.float32)
    sub_big = jnp.concatenate([eye, -eye], axis=0)

    wm_p = _edge_call(zs.reshape(_E_PAD // 8, 8 * _FP),
                      zt.reshape(_E_PAD // 8, 8 * _FP),
                      w64, b1c, w2c, b2c, m_mat, esel, rot_big, sub_big)
    wm = wm_p.reshape(_E_PAD, _FP)

    zeros_acc = jnp.zeros((_BN, _FP), jnp.float32)
    m_parts = _scatter_call()(wm, teff, zeros_acc)

    delta = _node_call(z_pad, m_parts.reshape(_NC, _BN, _FP),
                       Wn1, bn1[None, :], Wn2, bn2[None, :])
    return delta.reshape(_B, _N, _F)

# --- scband reference (transcript-rebuilt; emitter-appended) ---
"""Pipeline reference for scband-gnn-h-noworldedges-45114336477549 (READ-ONLY COPY).

The authoritative reference and input builder live on the scoring server;
editing this copy changes nothing except your own understanding.
"""

import jax, jax.numpy as jnp
import numpy as np

B, N, F, E, H = 4, 2500, 13, 320000, 128

def _mlp(x, W1, b1, W2, b2):
    return jnp.tanh(x @ W1 + b1) @ W2 + b2

def setup_inputs(seed: int = 0) -> dict:
    key = jax.random.key(seed)
    ks = jax.random.split(key, 16)
    z_h = jax.random.normal(ks[0], (B, N, F), dtype=jnp.float32)
    edge_index_h_h = jax.random.randint(ks[1], (2, E), 0, B * N)
    s = 0.1
    inp = {
        'z_h': z_h,
        'edge_index_h_h': edge_index_h_h,
        'We1': jax.random.normal(ks[2], (2 * F + 8, H), dtype=jnp.float32) * s,
        'be1': jnp.zeros((H,), dtype=jnp.float32),
        'We2': jax.random.normal(ks[3], (H, F), dtype=jnp.float32) * s,
        'be2': jnp.zeros((F,), dtype=jnp.float32),
        'Ww1': jax.random.normal(ks[4], (2 * F + 8, H), dtype=jnp.float32) * s,
        'bw1': jnp.zeros((H,), dtype=jnp.float32),
        'Ww2': jax.random.normal(ks[5], (H, 1), dtype=jnp.float32) * s,
        'bw2': jnp.zeros((1,), dtype=jnp.float32),
        'Wn1': jax.random.normal(ks[6], (2 * F, H), dtype=jnp.float32) * s,
        'bn1': jnp.zeros((H,), dtype=jnp.float32),
        'Wn2': jax.random.normal(ks[7], (H, F), dtype=jnp.float32) * s,
        'bn2': jnp.zeros((F,), dtype=jnp.float32),
    }
    return inp

def reference(z_h, edge_index_h_h, We1, be1, We2, be2, Ww1, bw1, Ww2, bw2, Wn1, bn1, Wn2, bn2):
    Bv, Nv, Fv = z_h.shape
    source = edge_index_h_h[0]
    target = edge_index_h_h[1]
    batch_idx = source // Nv
    local_source = source % Nv
    local_target = target % Nv
    z_source = z_h[batch_idx, local_source]
    z_target = z_h[batch_idx, local_target]
    # edge features: pos=0:3, vel=3:6
    pos_s = z_source[:, 0:3]
    pos_t = z_target[:, 0:3]
    vel_s = z_source[:, 3:6]
    vel_t = z_target[:, 3:6]
    diff_ij = pos_s - pos_t
    dist_ij = jnp.sum(diff_ij ** 2, axis=-1, keepdims=True)
    vel_cp = jnp.cross(vel_s, vel_t)
    abs_cp = jnp.linalg.norm(vel_cp, axis=-1, keepdims=True)
    e_h_h = jnp.concatenate([diff_ij, dist_ij, vel_cp, abs_cp], axis=-1)
    input_edge = jnp.concatenate([z_source, z_target, e_h_h], axis=-1)
    m_h_h = _mlp(input_edge, We1, be1, We2, be2)
    w_h_h = jax.nn.sigmoid(_mlp(input_edge, Ww1, bw1, Ww2, bw2))
    # scatter-add messages: global index = batch_idx * N + local_target (matches per-batch index_add_)
    flat_idx = batch_idx * Nv + local_target
    m_agg = jnp.zeros((Bv * Nv, Fv), dtype=z_h.dtype).at[flat_idx].add(w_h_h * m_h_h)
    m_agg = m_agg.reshape(Bv, Nv, Fv)
    input_node = jnp.concatenate([z_h, m_agg], axis=-1)
    delta_z_h = _mlp(input_node, Wn1, bn1, Wn2, bn2)
    return delta_z_h

if __name__ == "__main__":
    import jax
    _d = setup_inputs()
    print(jax.jit(kernel)(*tuple(_d.values())))

</pallas_src>

<mosaic_0001>
#map = affine_map<(d0, d1) -> (0, 0)>
module attributes {stable_mosaic.version = 14 : i64} {
  func.func @_scatter_body(%arg0: i32, %arg1: i32, %arg2: memref<327680x16xf32, #tpu.memory_space<hbm>>, %arg3: memref<2560x128xi32, #tpu.memory_space<hbm>>, %arg4: memref<10000x16xf32, #tpu.memory_space<hbm>>, %arg5: memref<20000x16xf32, #tpu.memory_space<hbm>>, %arg6: memref<88x128xi32, #tpu.memory_space<vmem>>, %arg7: memref<512x16xf32, #tpu.memory_space<vmem>>, %arg8: memref<10000x16xf32, #tpu.memory_space<vmem_shared>>, %arg9: memref<!tpu.dma_semaphore, #tpu.memory_space<semaphore_mem>>) attributes {dimension_semantics = [#tpu.dimension_semantics<core_parallel>, #tpu.dimension_semantics<subcore_parallel>], iteration_bounds = array<i64: 2, 16>, scalar_prefetch = 0 : i64, scratch_operands = 4 : i64, tpu.core_type = #tpu.core_type<sc_vector_subcore>, window_params = [{transform_indices = #map}, {transform_indices = #map}, {transform_indices = #map}, {transform_indices = #map}]} {
    %mul3A = arith.constant 625 : i32
    %mul3A_0 = arith.muli %arg1, %mul3A : i32
    "tpu.region"() ({
      %run_scoped3A = tpu.sem_alloc : memref<!tpu.dma_semaphore, #tpu.memory_space<semaphore_mem>>
      %dma_start3A = arith.constant 0 : i32
      %dma_start3A_11 = tpu.memref_slice %arg8[%mul3A_0, %dma_start3A] : memref<10000x16xf32, #tpu.memory_space<vmem_shared>> -> memref<625x16xf32, #tpu.memory_space<vmem_shared>>
      %dma_start3A_12 = arith.constant 0 : i32
      %dma_start3A_13 = tpu.memref_slice %arg4[%mul3A_0, %dma_start3A_12] : memref<10000x16xf32, #tpu.memory_space<hbm>> -> memref<625x16xf32, #tpu.memory_space<hbm>>
      tpu.enqueue_dma source(%dma_start3A_13 : memref<625x16xf32, #tpu.memory_space<hbm>>) target(%dma_start3A_11 : memref<625x16xf32, #tpu.memory_space<vmem_shared>>) target_semaphore(%run_scoped3A : memref<!tpu.dma_semaphore, #tpu.memory_space<semaphore_mem>>)
      %dma_wait3A = arith.constant 0 : i32
      %dma_wait3A_14 = tpu.memref_slice %arg8[%mul3A_0, %dma_wait3A] : memref<10000x16xf32, #tpu.memory_space<vmem_shared>> -> memref<625x16xf32, #tpu.memory_space<vmem_shared>>
      %dma_wait3A_15 = arith.constant 0 : i32
      %dma_wait3A_16 = tpu.memref_slice %arg4[%mul3A_0, %dma_wait3A_15] : memref<10000x16xf32, #tpu.memory_space<hbm>> -> memref<625x16xf32, #tpu.memory_space<hbm>>
      tpu.wait_dma2 semaphore(%run_scoped3A : memref<!tpu.dma_semaphore, #tpu.memory_space<semaphore_mem>>) src(%dma_wait3A_16 : memref<625x16xf32, #tpu.memory_space<hbm>>) dst(%dma_wait3A_14 : memref<625x16xf32, #tpu.memory_space<vmem_shared>>)
      tpu.yield
    }) : () -> ()
    %barrier3A = arith.constant 0 : index
    tpu.barrier barrier_id(%barrier3A)
    %eq3A = arith.constant 0 : i32
    %eq3A_1 = arith.cmpi eq, %arg0, %eq3A : i32
    %convert_element_type3A = arith.extui %eq3A_1 : i1 to i32
    %cond3A = arith.constant 0 : i32
    %cond3A_2 = arith.cmpi ne, %convert_element_type3A, %cond3A : i32
    scf.if %cond3A_2 {
      %mul3A_11 = arith.constant 88 : i32
      %mul3A_12 = arith.muli %arg1, %mul3A_11 : i32
      "tpu.region"() ({
        %run_scoped3A = tpu.sem_alloc : memref<!tpu.dma_semaphore, #tpu.memory_space<semaphore_mem>>
        %dma_start3A = arith.constant 0 : i32
        %dma_start3A_18 = arith.constant 0 : i32
        %dma_start3A_19 = tpu.memref_slice %arg6[%dma_start3A, %dma_start3A_18] : memref<88x128xi32, #tpu.memory_space<vmem>> -> memref<88x128xi32, #tpu.memory_space<vmem>>
        %dma_start3A_20 = arith.constant 0 : i32
        %dma_start3A_21 = tpu.memref_slice %arg3[%mul3A_12, %dma_start3A_20] : memref<2560x128xi32, #tpu.memory_space<hbm>> -> memref<88x128xi32, #tpu.memory_space<hbm>>
        %dma_start3A_22 = arith.constant 0 : i32
        %dma_start3A_23 = arith.constant 0 : i32
        %dma_start3A_24 = tpu.memref_slice %arg6[%dma_start3A_22, %dma_start3A_23] : memref<88x128xi32, #tpu.memory_space<vmem>> -> memref<88x128xi32, #tpu.memory_space<vmem>>
        %dma_start3A_25 = arith.constant 0 : i32
        %dma_start3A_26 = tpu.memref_slice %arg3[%mul3A_12, %dma_start3A_25] : memref<2560x128xi32, #tpu.memory_space<hbm>> -> memref<88x128xi32, #tpu.memory_space<hbm>>
        tpu.enqueue_dma source(%dma_start3A_26 : memref<88x128xi32, #tpu.memory_space<hbm>>) target(%dma_start3A_24 : memref<88x128xi32, #tpu.memory_space<vmem>>) target_semaphore(%run_scoped3A : memref<!tpu.dma_semaphore, #tpu.memory_space<semaphore_mem>>)
        %dma_wait3A = arith.constant 0 : i32
        %dma_wait3A_27 = arith.constant 0 : i32
        %dma_wait3A_28 = tpu.memref_slice %arg6[%dma_wait3A, %dma_wait3A_27] : memref<88x128xi32, #tpu.memory_space<vmem>> -> memref<88x128xi32, #tpu.memory_space<vmem>>
        %dma_wait3A_29 = arith.constant 0 : i32
        %dma_wait3A_30 = tpu.memref_slice %arg3[%mul3A_12, %dma_wait3A_29] : memref<2560x128xi32, #tpu.memory_space<hbm>> -> memref<88x128xi32, #tpu.memory_space<hbm>>
        %dma_wait3A_31 = arith.constant 0 : i32
        %dma_wait3A_32 = arith.constant 0 : i32
        %dma_wait3A_33 = tpu.memref_slice %arg6[%dma_wait3A_31, %dma_wait3A_32] : memref<88x128xi32, #tpu.memory_space<vmem>> -> memref<88x128xi32, #tpu.memory_space<vmem>>
        %dma_wait3A_34 = arith.constant 0 : i32
        %dma_wait3A_35 = tpu.memref_slice %arg3[%mul3A_12, %dma_wait3A_34] : memref<2560x128xi32, #tpu.memory_space<hbm>> -> memref<88x128xi32, #tpu.memory_space<hbm>>
        tpu.wait_dma2 semaphore(%run_scoped3A : memref<!tpu.dma_semaphore, #tpu.memory_space<semaphore_mem>>) src(%dma_wait3A_35 : memref<88x128xi32, #tpu.memory_space<hbm>>) dst(%dma_wait3A_33 : memref<88x128xi32, #tpu.memory_space<vmem>>)
        tpu.yield
      }) : () -> ()
      %scan3A = arith.constant 0 : i32
      %scan3A_13 = arith.constant 0 : i32
      %scan3A_14 = arith.constant 22 : i32
      %scan3A_15 = arith.addi %scan3A_13, %scan3A_14 : i32
      %scan3A_16 = arith.constant 1 : i32
      scf.for %scan3A_18 = %scan3A_13 to %scan3A_15 step %scan3A_16  : i32 {
        %mul3A_19 = arith.constant 128 : i32
        %mul3A_20 = arith.muli %mul3A_12, %mul3A_19 : i32
        %mul3A_21 = arith.constant 512 : i32
        %mul3A_22 = arith.muli %scan3A_18, %mul3A_21 : i32
        %add3A_23 = arith.addi %mul3A_20, %mul3A_22 : i32
        "tpu.region"() ({
          %run_scoped3A = tpu.sem_alloc : memref<!tpu.dma_semaphore, #tpu.memory_space<semaphore_mem>>
          %dma_start3A_110 = arith.constant 0 : i32
          %dma_start3A_111 = tpu.memref_slice %arg2[%add3A_23, %dma_start3A_110] : memref<327680x16xf32, #tpu.memory_space<hbm>> -> memref<512x16xf32, #tpu.memory_space<hbm>>
          %dma_start3A_112 = arith.constant 0 : i32
          %dma_start3A_113 = tpu.memref_slice %arg2[%add3A_23, %dma_start3A_112] : memref<327680x16xf32, #tpu.memory_space<hbm>> -> memref<512x16xf32, #tpu.memory_space<hbm>>
          tpu.enqueue_dma source(%dma_start3A_113 : memref<512x16xf32, #tpu.memory_space<hbm>>) target(%arg7 : memref<512x16xf32, #tpu.memory_space<vmem>>) target_semaphore(%run_scoped3A : memref<!tpu.dma_semaphore, #tpu.memory_space<semaphore_mem>>)
          %dma_wait3A_114 = arith.constant 0 : i32
          %dma_wait3A_115 = tpu.memref_slice %arg2[%add3A_23, %dma_wait3A_114] : memref<327680x16xf32, #tpu.memory_space<hbm>> -> memref<512x16xf32, #tpu.memory_space<hbm>>
          %dma_wait3A_116 = arith.constant 0 : i32
          %dma_wait3A_117 = tpu.memref_slice %arg2[%add3A_23, %dma_wait3A_116] : memref<327680x16xf32, #tpu.memory_space<hbm>> -> memref<512x16xf32, #tpu.memory_space<hbm>>
          tpu.wait_dma2 semaphore(%run_scoped3A : memref<!tpu.dma_semaphore, #tpu.memory_space<semaphore_mem>>) src(%dma_wait3A_117 : memref<512x16xf32, #tpu.memory_space<hbm>>) dst(%arg7 : memref<512x16xf32, #tpu.memory_space<vmem>>)
          tpu.yield
        }) : () -> ()
        %mul3A_24 = arith.constant 4 : i32
        %mul3A_25 = arith.muli %scan3A_18, %mul3A_24 : i32
        %add3A_26 = arith.constant 0 : i32
        %add3A_27 = arith.addi %mul3A_25, %add3A_26 : i32
        %dma_start3A = arith.constant 0 : i32
        %dma_start3A_28 = arith.constant 0 : i32
        %dma_start3A_29 = tpu.memref_slice %arg7[%dma_start3A, %dma_start3A_28] : memref<512x16xf32, #tpu.memory_space<vmem>> -> memref<128x16xf32, #tpu.memory_space<vmem>>
        %dma_start3A_30 = arith.constant 0 : i32
        %dma_start3A_31 = tpu.memref_slice %arg6[%add3A_27, %dma_start3A_30] : memref<88x128xi32, #tpu.memory_space<vmem>> -> memref<1x128xi32, #tpu.memory_space<vmem>>
        %dma_start3A_32 = tpu.memref_squeeze %dma_start3A_31 : memref<1x128xi32, #tpu.memory_space<vmem>> -> memref<128xi32, #tpu.memory_space<vmem>>
        %dma_start3A_33 = arith.constant 0 : i32
        %dma_start3A_34 = arith.constant 0 : i32
        %dma_start3A_35 = tpu.memref_slice %arg8[%dma_start3A_33, %dma_start3A_34] : memref<10000x16xf32, #tpu.memory_space<vmem_shared>> -> memref<10000x16xf32, #tpu.memory_space<vmem_shared>>
        tpu.enqueue_indirect_dma source(%dma_start3A_29 : memref<128x16xf32, #tpu.memory_space<vmem>>) target(%dma_start3A_35 : memref<10000x16xf32, #tpu.memory_space<vmem_shared>>) offsets(%dma_start3A_32 : memref<128xi32, #tpu.memory_space<vmem>>) semaphore(%arg9 : memref<!tpu.dma_semaphore, #tpu.memory_space<semaphore_mem>>) {add = true}
        %mul3A_36 = arith.constant 4 : i32
        %mul3A_37 = arith.muli %scan3A_18, %mul3A_36 : i32
        %add3A_38 = arith.constant 1 : i32
        %add3A_39 = arith.addi %mul3A_37, %add3A_38 : i32
        %dma_start3A_40 = arith.constant 128 : i32
        %dma_start3A_41 = arith.constant 0 : i32
        %dma_start3A_42 = tpu.memref_slice %arg7[%dma_start3A_40, %dma_start3A_41] : memref<512x16xf32, #tpu.memory_space<vmem>> -> memref<128x16xf32, #tpu.memory_space<vmem>>
        %dma_start3A_43 = arith.constant 0 : i32
        %dma_start3A_44 = tpu.memref_slice %arg6[%add3A_39, %dma_start3A_43] : memref<88x128xi32, #tpu.memory_space<vmem>> -> memref<1x128xi32, #tpu.memory_space<vmem>>
        %dma_start3A_45 = tpu.memref_squeeze %dma_start3A_44 : memref<1x128xi32, #tpu.memory_space<vmem>> -> memref<128xi32, #tpu.memory_space<vmem>>
        %dma_start3A_46 = arith.constant 0 : i32
        %dma_start3A_47 = arith.constant 0 : i32
        %dma_start3A_48 = tpu.memref_slice %arg8[%dma_start3A_46, %dma_start3A_47] : memref<10000x16xf32, #tpu.memory_space<vmem_shared>> -> memref<10000x16xf32, #tpu.memory_space<vmem_shared>>
        tpu.enqueue_indirect_dma source(%dma_start3A_42 : memref<128x16xf32, #tpu.memory_space<vmem>>) target(%dma_start3A_48 : memref<10000x16xf32, #tpu.memory_space<vmem_shared>>) offsets(%dma_start3A_45 : memref<128xi32, #tpu.memory_space<vmem>>) semaphore(%arg9 : memref<!tpu.dma_semaphore, #tpu.memory_space<semaphore_mem>>) {add = true}
        %mul3A_49 = arith.constant 4 : i32
        %mul3A_50 = arith.muli %scan3A_18, %mul3A_49 : i32
        %add3A_51 = arith.constant 2 : i32
        %add3A_52 = arith.addi %mul3A_50, %add3A_51 : i32
        %dma_start3A_53 = arith.constant 256 : i32
        %dma_start3A_54 = arith.constant 0 : i32
        %dma_start3A_55 = tpu.memref_slice %arg7[%dma_start3A_53, %dma_start3A_54] : memref<512x16xf32, #tpu.memory_space<vmem>> -> memref<128x16xf32, #tpu.memory_space<vmem>>
        %dma_start3A_56 = arith.constant 0 : i32
        %dma_start3A_57 = tpu.memref_slice %arg6[%add3A_52, %dma_start3A_56] : memref<88x128xi32, #tpu.memory_space<vmem>> -> memref<1x128xi32, #tpu.memory_space<vmem>>
        %dma_start3A_58 = tpu.memref_squeeze %dma_start3A_57 : memref<1x128xi32, #tpu.memory_space<vmem>> -> memref<128xi32, #tpu.memory_space<vmem>>
        %dma_start3A_59 = arith.constant 0 : i32
        %dma_start3A_60 = arith.constant 0 : i32
        %dma_start3A_61 = tpu.memref_slice %arg8[%dma_start3A_59, %dma_start3A_60] : memref<10000x16xf32, #tpu.memory_space<vmem_shared>> -> memref<10000x16xf32, #tpu.memory_space<vmem_shared>>
        tpu.enqueue_indirect_dma source(%dma_start3A_55 : memref<128x16xf32, #tpu.memory_space<vmem>>) target(%dma_start3A_61 : memref<10000x16xf32, #tpu.memory_space<vmem_shared>>) offsets(%dma_start3A_58 : memref<128xi32, #tpu.memory_space<vmem>>) semaphore(%arg9 : memref<!tpu.dma_semaphore, #tpu.memory_space<semaphore_mem>>) {add = true}
        %mul3A_62 = arith.constant 4 : i32
        %mul3A_63 = arith.muli %scan3A_18, %mul3A_62 : i32
        %add3A_64 = arith.constant 3 : i32
        %add3A_65 = arith.addi %mul3A_63, %add3A_64 : i32
        %dma_start3A_66 = arith.constant 384 : i32
        %dma_start3A_67 = arith.constant 0 : i32
        %dma_start3A_68 = tpu.memref_slice %arg7[%dma_start3A_66, %dma_start3A_67] : memref<512x16xf32, #tpu.memory_space<vmem>> -> memref<128x16xf32, #tpu.memory_space<vmem>>
        %dma_start3A_69 = arith.constant 0 : i32
        %dma_start3A_70 = tpu.memref_slice %arg6[%add3A_65, %dma_start3A_69] : memref<88x128xi32, #tpu.memory_space<vmem>> -> memref<1x128xi32, #tpu.memory_space<vmem>>
        %dma_start3A_71 = tpu.memref_squeeze %dma_start3A_70 : memref<1x128xi32, #tpu.memory_space<vmem>> -> memref<128xi32, #tpu.memory_space<vmem>>
        %dma_start3A_72 = arith.constant 0 : i32
        %dma_start3A_73 = arith.constant 0 : i32
        %dma_start3A_74 = tpu.memref_slice %arg8[%dma_start3A_72, %dma_start3A_73] : memref<10000x16xf32, #tpu.memory_space<vmem_shared>> -> memref<10000x16xf32, #tpu.memory_space<vmem_shared>>
        tpu.enqueue_indirect_dma source(%dma_start3A_68 : memref<128x16xf32, #tpu.memory_space<vmem>>) target(%dma_start3A_74 : memref<10000x16xf32, #tpu.memory_space<vmem_shared>>) offsets(%dma_start3A_71 : memref<128xi32, #tpu.memory_space<vmem>>) semaphore(%arg9 : memref<!tpu.dma_semaphore, #tpu.memory_space<semaphore_mem>>) {add = true}
        %dma_wait3A = arith.constant 0 : i32
        %dma_wait3A_75 = arith.constant 0 : i32
        %dma_wait3A_76 = tpu.memref_slice %arg7[%dma_wait3A, %dma_wait3A_75] : memref<512x16xf32, #tpu.memory_space<vmem>> -> memref<128x16xf32, #tpu.memory_space<vmem>>
        %dma_wait3A_77 = arith.constant 0 : i32
        %dma_wait3A_78 = tpu.memref_slice %arg6[%add3A_27, %dma_wait3A_77] : memref<88x128xi32, #tpu.memory_space<vmem>> -> memref<1x128xi32, #tpu.memory_space<vmem>>
        %dma_wait3A_79 = tpu.memref_squeeze %dma_wait3A_78 : memref<1x128xi32, #tpu.memory_space<vmem>> -> memref<128xi32, #tpu.memory_space<vmem>>
        %dma_wait3A_80 = arith.constant 0 : i32
        %dma_wait3A_81 = arith.constant 0 : i32
        %dma_wait3A_82 = tpu.memref_slice %arg8[%dma_wait3A_80, %dma_wait3A_81] : memref<10000x16xf32, #tpu.memory_space<vmem_shared>> -> memref<10000x16xf32, #tpu.memory_space<vmem_shared>>
        tpu.wait_indirect_dma semaphore(%arg9 : memref<!tpu.dma_semaphore, #tpu.memory_space<semaphore_mem>>) src(%dma_wait3A_76 : memref<128x16xf32, #tpu.memory_space<vmem>>) dst(%dma_wait3A_82 : memref<10000x16xf32, #tpu.memory_space<vmem_shared>>)
        %dma_wait3A_83 = arith.constant 128 : i32
        %dma_wait3A_84 = arith.constant 0 : i32
        %dma_wait3A_85 = tpu.memref_slice %arg7[%dma_wait3A_83, %dma_wait3A_84] : memref<512x16xf32, #tpu.memory_space<vmem>> -> memref<128x16xf32, #tpu.memory_space<vmem>>
        %dma_wait3A_86 = arith.constant 0 : i32
        %dma_wait3A_87 = tpu.memref_slice %arg6[%add3A_39, %dma_wait3A_86] : memref<88x128xi32, #tpu.memory_space<vmem>> -> memref<1x128xi32, #tpu.memory_space<vmem>>
        %dma_wait3A_88 = tpu.memref_squeeze %dma_wait3A_87 : memref<1x128xi32, #tpu.memory_space<vmem>> -> memref<128xi32, #tpu.memory_space<vmem>>
        %dma_wait3A_89 = arith.constant 0 : i32
        %dma_wait3A_90 = arith.constant 0 : i32
        %dma_wait3A_91 = tpu.memref_slice %arg8[%dma_wait3A_89, %dma_wait3A_90] : memref<10000x16xf32, #tpu.memory_space<vmem_shared>> -> memref<10000x16xf32, #tpu.memory_space<vmem_shared>>
        tpu.wait_indirect_dma semaphore(%arg9 : memref<!tpu.dma_semaphore, #tpu.memory_space<semaphore_mem>>) src(%dma_wait3A_85 : memref<128x16xf32, #tpu.memory_space<vmem>>) dst(%dma_wait3A_91 : memref<10000x16xf32, #tpu.memory_space<vmem_shared>>)
        %dma_wait3A_92 = arith.constant 256 : i32
        %dma_wait3A_93 = arith.constant 0 : i32
        %dma_wait3A_94 = tpu.memref_slice %arg7[%dma_wait3A_92, %dma_wait3A_93] : memref<512x16xf32, #tpu.memory_space<vmem>> -> memref<128x16xf32, #tpu.memory_space<vmem>>
        %dma_wait3A_95 = arith.constant 0 : i32
        %dma_wait3A_96 = tpu.memref_slice %arg6[%add3A_52, %dma_wait3A_95] : memref<88x128xi32, #tpu.memory_space<vmem>> -> memref<1x128xi32, #tpu.memory_space<vmem>>
        %dma_wait3A_97 = tpu.memref_squeeze %dma_wait3A_96 : memref<1x128xi32, #tpu.memory_space<vmem>> -> memref<128xi32, #tpu.memory_space<vmem>>
        %dma_wait3A_98 = arith.constant 0 : i32
        %dma_wait3A_99 = arith.constant 0 : i32
        %dma_wait3A_100 = tpu.memref_slice %arg8[%dma_wait3A_98, %dma_wait3A_99] : memref<10000x16xf32, #tpu.memory_space<vmem_shared>> -> memref<10000x16xf32, #tpu.memory_space<vmem_shared>>
        tpu.wait_indirect_dma semaphore(%arg9 : memref<!tpu.dma_semaphore, #tpu.memory_space<semaphore_mem>>) src(%dma_wait3A_94 : memref<128x16xf32, #tpu.memory_space<vmem>>) dst(%dma_wait3A_100 : memref<10000x16xf32, #tpu.memory_space<vmem_shared>>)
        %dma_wait3A_101 = arith.constant 384 : i32
        %dma_wait3A_102 = arith.constant 0 : i32
        %dma_wait3A_103 = tpu.memref_slice %arg7[%dma_wait3A_101, %dma_wait3A_102] : memref<512x16xf32, #tpu.memory_space<vmem>> -> memref<128x16xf32, #tpu.memory_space<vmem>>
        %dma_wait3A_104 = arith.constant 0 : i32
        %dma_wait3A_105 = tpu.memref_slice %arg6[%add3A_65, %dma_wait3A_104] : memref<88x128xi32, #tpu.memory_space<vmem>> -> memref<1x128xi32, #tpu.memory_space<vmem>>
        %dma_wait3A_106 = tpu.memref_squeeze %dma_wait3A_105 : memref<1x128xi32, #tpu.memory_space<vmem>> -> memref<128xi32, #tpu.memory_space<vmem>>
        %dma_wait3A_107 = arith.constant 0 : i32
        %dma_wait3A_108 = arith.constant 0 : i32
        %dma_wait3A_109 = tpu.memref_slice %arg8[%dma_wait3A_107, %dma_wait3A_108] : memref<10000x16xf32, #tpu.memory_space<vmem_shared>> -> memref<10000x16xf32, #tpu.memory_space<vmem_shared>>
        tpu.wait_indirect_dma semaphore(%arg9 : memref<!tpu.dma_semaphore, #tpu.memory_space<semaphore_mem>>) src(%dma_wait3A_103 : memref<128x16xf32, #tpu.memory_space<vmem>>) dst(%dma_wait3A_109 : memref<10000x16xf32, #tpu.memory_space<vmem_shared>>)
      }
      %scan3A_17 = arith.constant 22 : i32
    } else {
    }
    %eq3A_3 = arith.constant 1 : i32
    %eq3A_4 = arith.cmpi eq, %arg0, %eq3A_3 : i32
    %convert_element_type3A_5 = arith.extui %eq3A_4 : i1 to i32
    %cond3A_6 = arith.constant 0 : i32
    %cond3A_7 = arith.cmpi ne, %convert_element_type3A_5, %cond3A_6 : i32
    scf.if %cond3A_7 {
      %mul3A_11 = arith.constant 72 : i32
      %mul3A_12 = arith.muli %arg1, %mul3A_11 : i32
      %add3A_13 = arith.constant 1408 : i32
      %add3A_14 = arith.addi %add3A_13, %mul3A_12 : i32
      "tpu.region"() ({
        %run_scoped3A = tpu.sem_alloc : memref<!tpu.dma_semaphore, #tpu.memory_space<semaphore_mem>>
        %dma_start3A = arith.constant 0 : i32
        %dma_start3A_20 = arith.constant 0 : i32
        %dma_start3A_21 = tpu.memref_slice %arg6[%dma_start3A, %dma_start3A_20] : memref<88x128xi32, #tpu.memory_space<vmem>> -> memref<72x128xi32, #tpu.memory_space<vmem>>
        %dma_start3A_22 = arith.constant 0 : i32
        %dma_start3A_23 = tpu.memref_slice %arg3[%add3A_14, %dma_start3A_22] : memref<2560x128xi32, #tpu.memory_space<hbm>> -> memref<72x128xi32, #tpu.memory_space<hbm>>
        %dma_start3A_24 = arith.constant 0 : i32
        %dma_start3A_25 = arith.constant 0 : i32
        %dma_start3A_26 = tpu.memref_slice %arg6[%dma_start3A_24, %dma_start3A_25] : memref<88x128xi32, #tpu.memory_space<vmem>> -> memref<72x128xi32, #tpu.memory_space<vmem>>
        %dma_start3A_27 = arith.constant 0 : i32
        %dma_start3A_28 = tpu.memref_slice %arg3[%add3A_14, %dma_start3A_27] : memref<2560x128xi32, #tpu.memory_space<hbm>> -> memref<72x128xi32, #tpu.memory_space<hbm>>
        tpu.enqueue_dma source(%dma_start3A_28 : memref<72x128xi32, #tpu.memory_space<hbm>>) target(%dma_start3A_26 : memref<72x128xi32, #tpu.memory_space<vmem>>) target_semaphore(%run_scoped3A : memref<!tpu.dma_semaphore, #tpu.memory_space<semaphore_mem>>)
        %dma_wait3A = arith.constant 0 : i32
        %dma_wait3A_29 = arith.constant 0 : i32
        %dma_wait3A_30 = tpu.memref_slice %arg6[%dma_wait3A, %dma_wait3A_29] : memref<88x128xi32, #tpu.memory_space<vmem>> -> memref<72x128xi32, #tpu.memory_space<vmem>>
        %dma_wait3A_31 = arith.constant 0 : i32
        %dma_wait3A_32 = tpu.memref_slice %arg3[%add3A_14, %dma_wait3A_31] : memref<2560x128xi32, #tpu.memory_space<hbm>> -> memref<72x128xi32, #tpu.memory_space<hbm>>
        %dma_wait3A_33 = arith.constant 0 : i32
        %dma_wait3A_34 = arith.constant 0 : i32
        %dma_wait3A_35 = tpu.memref_slice %arg6[%dma_wait3A_33, %dma_wait3A_34] : memref<88x128xi32, #tpu.memory_space<vmem>> -> memref<72x128xi32, #tpu.memory_space<vmem>>
        %dma_wait3A_36 = arith.constant 0 : i32
        %dma_wait3A_37 = tpu.memref_slice %arg3[%add3A_14, %dma_wait3A_36] : memref<2560x128xi32, #tpu.memory_space<hbm>> -> memref<72x128xi32, #tpu.memory_space<hbm>>
        tpu.wait_dma2 semaphore(%run_scoped3A : memref<!tpu.dma_semaphore, #tpu.memory_space<semaphore_mem>>) src(%dma_wait3A_37 : memref<72x128xi32, #tpu.memory_space<hbm>>) dst(%dma_wait3A_35 : memref<72x128xi32, #tpu.memory_space<vmem>>)
        tpu.yield
      }) : () -> ()
      %scan3A = arith.constant 0 : i32
      %scan3A_15 = arith.constant 0 : i32
      %scan3A_16 = arith.constant 18 : i32
      %scan3A_17 = arith.addi %scan3A_15, %scan3A_16 : i32
      %scan3A_18 = arith.constant 1 : i32
      scf.for %scan3A_20 = %scan3A_15 to %scan3A_17 step %scan3A_18  : i32 {
        %mul3A_21 = arith.constant 128 : i32
        %mul3A_22 = arith.muli %add3A_14, %mul3A_21 : i32
        %mul3A_23 = arith.constant 512 : i32
        %mul3A_24 = arith.muli %scan3A_20, %mul3A_23 : i32
        %add3A_25 = arith.addi %mul3A_22, %mul3A_24 : i32
        "tpu.region"() ({
          %run_scoped3A = tpu.sem_alloc : memref<!tpu.dma_semaphore, #tpu.memory_space<semaphore_mem>>
          %dma_start3A_112 = arith.constant 0 : i32
          %dma_start3A_113 = tpu.memref_slice %arg2[%add3A_25, %dma_start3A_112] : memref<327680x16xf32, #tpu.memory_space<hbm>> -> memref<512x16xf32, #tpu.memory_space<hbm>>
          %dma_start3A_114 = arith.constant 0 : i32
          %dma_start3A_115 = tpu.memref_slice %arg2[%add3A_25, %dma_start3A_114] : memref<327680x16xf32, #tpu.memory_space<hbm>> -> memref<512x16xf32, #tpu.memory_space<hbm>>
          tpu.enqueue_dma source(%dma_start3A_115 : memref<512x16xf32, #tpu.memory_space<hbm>>) target(%arg7 : memref<512x16xf32, #tpu.memory_space<vmem>>) target_semaphore(%run_scoped3A : memref<!tpu.dma_semaphore, #tpu.memory_space<semaphore_mem>>)
          %dma_wait3A_116 = arith.constant 0 : i32
          %dma_wait3A_117 = tpu.memref_slice %arg2[%add3A_25, %dma_wait3A_116] : memref<327680x16xf32, #tpu.memory_space<hbm>> -> memref<512x16xf32, #tpu.memory_space<hbm>>
          %dma_wait3A_118 = arith.constant 0 : i32
          %dma_wait3A_119 = tpu.memref_slice %arg2[%add3A_25, %dma_wait3A_118] : memref<327680x16xf32, #tpu.memory_space<hbm>> -> memref<512x16xf32, #tpu.memory_space<hbm>>
          tpu.wait_dma2 semaphore(%run_scoped3A : memref<!tpu.dma_semaphore, #tpu.memory_space<semaphore_mem>>) src(%dma_wait3A_119 : memref<512x16xf32, #tpu.memory_space<hbm>>) dst(%arg7 : memref<512x16xf32, #tpu.memory_space<vmem>>)
          tpu.yield
        }) : () -> ()
        %mul3A_26 = arith.constant 4 : i32
        %mul3A_27 = arith.muli %scan3A_20, %mul3A_26 : i32
        %add3A_28 = arith.constant 0 : i32
        %add3A_29 = arith.addi %mul3A_27, %add3A_28 : i32
        %dma_start3A = arith.constant 0 : i32
        %dma_start3A_30 = arith.constant 0 : i32
        %dma_start3A_31 = tpu.memref_slice %arg7[%dma_start3A, %dma_start3A_30] : memref<512x16xf32, #tpu.memory_space<vmem>> -> memref<128x16xf32, #tpu.memory_space<vmem>>
        %dma_start3A_32 = arith.constant 0 : i32
        %dma_start3A_33 = tpu.memref_slice %arg6[%add3A_29, %dma_start3A_32] : memref<88x128xi32, #tpu.memory_space<vmem>> -> memref<1x128xi32, #tpu.memory_space<vmem>>
        %dma_start3A_34 = tpu.memref_squeeze %dma_start3A_33 : memref<1x128xi32, #tpu.memory_space<vmem>> -> memref<128xi32, #tpu.memory_space<vmem>>
        %dma_start3A_35 = arith.constant 0 : i32
        %dma_start3A_36 = arith.constant 0 : i32
        %dma_start3A_37 = tpu.memref_slice %arg8[%dma_start3A_35, %dma_start3A_36] : memref<10000x16xf32, #tpu.memory_space<vmem_shared>> -> memref<10000x16xf32, #tpu.memory_space<vmem_shared>>
        tpu.enqueue_indirect_dma source(%dma_start3A_31 : memref<128x16xf32, #tpu.memory_space<vmem>>) target(%dma_start3A_37 : memref<10000x16xf32, #tpu.memory_space<vmem_shared>>) offsets(%dma_start3A_34 : memref<128xi32, #tpu.memory_space<vmem>>) semaphore(%arg9 : memref<!tpu.dma_semaphore, #tpu.memory_space<semaphore_mem>>) {add = true}
        %mul3A_38 = arith.constant 4 : i32
        %mul3A_39 = arith.muli %scan3A_20, %mul3A_38 : i32
        %add3A_40 = arith.constant 1 : i32
        %add3A_41 = arith.addi %mul3A_39, %add3A_40 : i32
        %dma_start3A_42 = arith.constant 128 : i32
        %dma_start3A_43 = arith.constant 0 : i32
        %dma_start3A_44 = tpu.memref_slice %arg7[%dma_start3A_42, %dma_start3A_43] : memref<512x16xf32, #tpu.memory_space<vmem>> -> memref<128x16xf32, #tpu.memory_space<vmem>>
        %dma_start3A_45 = arith.constant 0 : i32
        %dma_start3A_46 = tpu.memref_slice %arg6[%add3A_41, %dma_start3A_45] : memref<88x128xi32, #tpu.memory_space<vmem>> -> memref<1x128xi32, #tpu.memory_space<vmem>>
        %dma_start3A_47 = tpu.memref_squeeze %dma_start3A_46 : memref<1x128xi32, #tpu.memory_space<vmem>> -> memref<128xi32, #tpu.memory_space<vmem>>
        %dma_start3A_48 = arith.constant 0 : i32
        %dma_start3A_49 = arith.constant 0 : i32
        %dma_start3A_50 = tpu.memref_slice %arg8[%dma_start3A_48, %dma_start3A_49] : memref<10000x16xf32, #tpu.memory_space<vmem_shared>> -> memref<10000x16xf32, #tpu.memory_space<vmem_shared>>
        tpu.enqueue_indirect_dma source(%dma_start3A_44 : memref<128x16xf32, #tpu.memory_space<vmem>>) target(%dma_start3A_50 : memref<10000x16xf32, #tpu.memory_space<vmem_shared>>) offsets(%dma_start3A_47 : memref<128xi32, #tpu.memory_space<vmem>>) semaphore(%arg9 : memref<!tpu.dma_semaphore, #tpu.memory_space<semaphore_mem>>) {add = true}
        %mul3A_51 = arith.constant 4 : i32
        %mul3A_52 = arith.muli %scan3A_20, %mul3A_51 : i32
        %add3A_53 = arith.constant 2 : i32
        %add3A_54 = arith.addi %mul3A_52, %add3A_53 : i32
        %dma_start3A_55 = arith.constant 256 : i32
        %dma_start3A_56 = arith.constant 0 : i32
        %dma_start3A_57 = tpu.memref_slice %arg7[%dma_start3A_55, %dma_start3A_56] : memref<512x16xf32, #tpu.memory_space<vmem>> -> memref<128x16xf32, #tpu.memory_space<vmem>>
        %dma_start3A_58 = arith.constant 0 : i32
        %dma_start3A_59 = tpu.memref_slice %arg6[%add3A_54, %dma_start3A_58] : memref<88x128xi32, #tpu.memory_space<vmem>> -> memref<1x128xi32, #tpu.memory_space<vmem>>
        %dma_start3A_60 = tpu.memref_squeeze %dma_start3A_59 : memref<1x128xi32, #tpu.memory_space<vmem>> -> memref<128xi32, #tpu.memory_space<vmem>>
        %dma_start3A_61 = arith.constant 0 : i32
        %dma_start3A_62 = arith.constant 0 : i32
        %dma_start3A_63 = tpu.memref_slice %arg8[%dma_start3A_61, %dma_start3A_62] : memref<10000x16xf32, #tpu.memory_space<vmem_shared>> -> memref<10000x16xf32, #tpu.memory_space<vmem_shared>>
        tpu.enqueue_indirect_dma source(%dma_start3A_57 : memref<128x16xf32, #tpu.memory_space<vmem>>) target(%dma_start3A_63 : memref<10000x16xf32, #tpu.memory_space<vmem_shared>>) offsets(%dma_start3A_60 : memref<128xi32, #tpu.memory_space<vmem>>) semaphore(%arg9 : memref<!tpu.dma_semaphore, #tpu.memory_space<semaphore_mem>>) {add = true}
        %mul3A_64 = arith.constant 4 : i32
        %mul3A_65 = arith.muli %scan3A_20, %mul3A_64 : i32
        %add3A_66 = arith.constant 3 : i32
        %add3A_67 = arith.addi %mul3A_65, %add3A_66 : i32
        %dma_start3A_68 = arith.constant 384 : i32
        %dma_start3A_69 = arith.constant 0 : i32
        %dma_start3A_70 = tpu.memref_slice %arg7[%dma_start3A_68, %dma_start3A_69] : memref<512x16xf32, #tpu.memory_space<vmem>> -> memref<128x16xf32, #tpu.memory_space<vmem>>
        %dma_start3A_71 = arith.constant 0 : i32
        %dma_start3A_72 = tpu.memref_slice %arg6[%add3A_67, %dma_start3A_71] : memref<88x128xi32, #tpu.memory_space<vmem>> -> memref<1x128xi32, #tpu.memory_space<vmem>>
        %dma_start3A_73 = tpu.memref_squeeze %dma_start3A_72 : memref<1x128xi32, #tpu.memory_space<vmem>> -> memref<128xi32, #tpu.memory_space<vmem>>
        %dma_start3A_74 = arith.constant 0 : i32
        %dma_start3A_75 = arith.constant 0 : i32
        %dma_start3A_76 = tpu.memref_slice %arg8[%dma_start3A_74, %dma_start3A_75] : memref<10000x16xf32, #tpu.memory_space<vmem_shared>> -> memref<10000x16xf32, #tpu.memory_space<vmem_shared>>
        tpu.enqueue_indirect_dma source(%dma_start3A_70 : memref<128x16xf32, #tpu.memory_space<vmem>>) target(%dma_start3A_76 : memref<10000x16xf32, #tpu.memory_space<vmem_shared>>) offsets(%dma_start3A_73 : memref<128xi32, #tpu.memory_space<vmem>>) semaphore(%arg9 : memref<!tpu.dma_semaphore, #tpu.memory_space<semaphore_mem>>) {add = true}
        %dma_wait3A = arith.constant 0 : i32
        %dma_wait3A_77 = arith.constant 0 : i32
        %dma_wait3A_78 = tpu.memref_slice %arg7[%dma_wait3A, %dma_wait3A_77] : memref<512x16xf32, #tpu.memory_space<vmem>> -> memref<128x16xf32, #tpu.memory_space<vmem>>
        %dma_wait3A_79 = arith.constant 0 : i32
        %dma_wait3A_80 = tpu.memref_slice %arg6[%add3A_29, %dma_wait3A_79] : memref<88x128xi32, #tpu.memory_space<vmem>> -> memref<1x128xi32, #tpu.memory_space<vmem>>
        %dma_wait3A_81 = tpu.memref_squeeze %dma_wait3A_80 : memref<1x128xi32, #tpu.memory_space<vmem>> -> memref<128xi32, #tpu.memory_space<vmem>>
        %dma_wait3A_82 = arith.constant 0 : i32
        %dma_wait3A_83 = arith.constant 0 : i32
        %dma_wait3A_84 = tpu.memref_slice %arg8[%dma_wait3A_82, %dma_wait3A_83] : memref<10000x16xf32, #tpu.memory_space<vmem_shared>> -> memref<10000x16xf32, #tpu.memory_space<vmem_shared>>
        tpu.wait_indirect_dma semaphore(%arg9 : memref<!tpu.dma_semaphore, #tpu.memory_space<semaphore_mem>>) src(%dma_wait3A_78 : memref<128x16xf32, #tpu.memory_space<vmem>>) dst(%dma_wait3A_84 : memref<10000x16xf32, #tpu.memory_space<vmem_shared>>)
        %dma_wait3A_85 = arith.constant 128 : i32
        %dma_wait3A_86 = arith.constant 0 : i32
        %dma_wait3A_87 = tpu.memref_slice %arg7[%dma_wait3A_85, %dma_wait3A_86] : memref<512x16xf32, #tpu.memory_space<vmem>> -> memref<128x16xf32, #tpu.memory_space<vmem>>
        %dma_wait3A_88 = arith.constant 0 : i32
        %dma_wait3A_89 = tpu.memref_slice %arg6[%add3A_41, %dma_wait3A_88] : memref<88x128xi32, #tpu.memory_space<vmem>> -> memref<1x128xi32, #tpu.memory_space<vmem>>
        %dma_wait3A_90 = tpu.memref_squeeze %dma_wait3A_89 : memref<1x128xi32, #tpu.memory_space<vmem>> -> memref<128xi32, #tpu.memory_space<vmem>>
        %dma_wait3A_91 = arith.constant 0 : i32
        %dma_wait3A_92 = arith.constant 0 : i32
        %dma_wait3A_93 = tpu.memref_slice %arg8[%dma_wait3A_91, %dma_wait3A_92] : memref<10000x16xf32, #tpu.memory_space<vmem_shared>> -> memref<10000x16xf32, #tpu.memory_space<vmem_shared>>
        tpu.wait_indirect_dma semaphore(%arg9 : memref<!tpu.dma_semaphore, #tpu.memory_space<semaphore_mem>>) src(%dma_wait3A_87 : memref<128x16xf32, #tpu.memory_space<vmem>>) dst(%dma_wait3A_93 : memref<10000x16xf32, #tpu.memory_space<vmem_shared>>)
        %dma_wait3A_94 = arith.constant 256 : i32
        %dma_wait3A_95 = arith.constant 0 : i32
        %dma_wait3A_96 = tpu.memref_slice %arg7[%dma_wait3A_94, %dma_wait3A_95] : memref<512x16xf32, #tpu.memory_space<vmem>> -> memref<128x16xf32, #tpu.memory_space<vmem>>
        %dma_wait3A_97 = arith.constant 0 : i32
        %dma_wait3A_98 = tpu.memref_slice %arg6[%add3A_54, %dma_wait3A_97] : memref<88x128xi32, #tpu.memory_space<vmem>> -> memref<1x128xi32, #tpu.memory_space<vmem>>
        %dma_wait3A_99 = tpu.memref_squeeze %dma_wait3A_98 : memref<1x128xi32, #tpu.memory_space<vmem>> -> memref<128xi32, #tpu.memory_space<vmem>>
        %dma_wait3A_100 = arith.constant 0 : i32
        %dma_wait3A_101 = arith.constant 0 : i32
        %dma_wait3A_102 = tpu.memref_slice %arg8[%dma_wait3A_100, %dma_wait3A_101] : memref<10000x16xf32, #tpu.memory_space<vmem_shared>> -> memref<10000x16xf32, #tpu.memory_space<vmem_shared>>
        tpu.wait_indirect_dma semaphore(%arg9 : memref<!tpu.dma_semaphore, #tpu.memory_space<semaphore_mem>>) src(%dma_wait3A_96 : memref<128x16xf32, #tpu.memory_space<vmem>>) dst(%dma_wait3A_102 : memref<10000x16xf32, #tpu.memory_space<vmem_shared>>)
        %dma_wait3A_103 = arith.constant 384 : i32
        %dma_wait3A_104 = arith.constant 0 : i32
        %dma_wait3A_105 = tpu.memref_slice %arg7[%dma_wait3A_103, %dma_wait3A_104] : memref<512x16xf32, #tpu.memory_space<vmem>> -> memref<128x16xf32, #tpu.memory_space<vmem>>
        %dma_wait3A_106 = arith.constant 0 : i32
        %dma_wait3A_107 = tpu.memref_slice %arg6[%add3A_67, %dma_wait3A_106] : memref<88x128xi32, #tpu.memory_space<vmem>> -> memref<1x128xi32, #tpu.memory_space<vmem>>
        %dma_wait3A_108 = tpu.memref_squeeze %dma_wait3A_107 : memref<1x128xi32, #tpu.memory_space<vmem>> -> memref<128xi32, #tpu.memory_space<vmem>>
        %dma_wait3A_109 = arith.constant 0 : i32
        %dma_wait3A_110 = arith.constant 0 : i32
        %dma_wait3A_111 = tpu.memref_slice %arg8[%dma_wait3A_109, %dma_wait3A_110] : memref<10000x16xf32, #tpu.memory_space<vmem_shared>> -> memref<10000x16xf32, #tpu.memory_space<vmem_shared>>
        tpu.wait_indirect_dma semaphore(%arg9 : memref<!tpu.dma_semaphore, #tpu.memory_space<semaphore_mem>>) src(%dma_wait3A_105 : memref<128x16xf32, #tpu.memory_space<vmem>>) dst(%dma_wait3A_111 : memref<10000x16xf32, #tpu.memory_space<vmem_shared>>)
      }
      %scan3A_19 = arith.constant 18 : i32
    } else {
    }
    %barrier3A_8 = arith.constant 0 : index
    tpu.barrier barrier_id(%barrier3A_8)
    %mul3A_9 = arith.constant 10000 : i32
    %mul3A_10 = arith.muli %arg0, %mul3A_9 : i32
    %add3A = arith.addi %mul3A_10, %mul3A_0 : i32
    "tpu.region"() ({
      %run_scoped3A = tpu.sem_alloc : memref<!tpu.dma_semaphore, #tpu.memory_space<semaphore_mem>>
      %dma_start3A = arith.constant 0 : i32
      %dma_start3A_11 = tpu.memref_slice %arg5[%add3A, %dma_start3A] : memref<20000x16xf32, #tpu.memory_space<hbm>> -> memref<625x16xf32, #tpu.memory_space<hbm>>
      %dma_start3A_12 = arith.constant 0 : i32
      %dma_start3A_13 = tpu.memref_slice %arg8[%mul3A_0, %dma_start3A_12] : memref<10000x16xf32, #tpu.memory_space<vmem_shared>> -> memref<625x16xf32, #tpu.memory_space<vmem_shared>>
      tpu.enqueue_dma source(%dma_start3A_13 : memref<625x16xf32, #tpu.memory_space<vmem_shared>>) target(%dma_start3A_11 : memref<625x16xf32, #tpu.memory_space<hbm>>) target_semaphore(%run_scoped3A : memref<!tpu.dma_semaphore, #tpu.memory_space<semaphore_mem>>)
      %dma_wait3A = arith.constant 0 : i32
      %dma_wait3A_14 = tpu.memref_slice %arg5[%add3A, %dma_wait3A] : memref<20000x16xf32, #tpu.memory_space<hbm>> -> memref<625x16xf32, #tpu.memory_space<hbm>>
      %dma_wait3A_15 = arith.constant 0 : i32
      %dma_wait3A_16 = tpu.memref_slice %arg8[%mul3A_0, %dma_wait3A_15] : memref<10000x16xf32, #tpu.memory_space<vmem_shared>> -> memref<625x16xf32, #tpu.memory_space<vmem_shared>>
      tpu.wait_dma2 semaphore(%run_scoped3A : memref<!tpu.dma_semaphore, #tpu.memory_space<semaphore_mem>>) src(%dma_wait3A_16 : memref<625x16xf32, #tpu.memory_space<vmem_shared>>) dst(%dma_wait3A_14 : memref<625x16xf32, #tpu.memory_space<hbm>>)
      tpu.yield
    }) : () -> ()
    return
  }
}

#map = affine_map<(d0, d1) -> (0, 0)>
module attributes {stable_mosaic.version = 14 : i64} {
  func.func @_gather_body(%arg0: i32, %arg1: i32, %arg2: memref<10000x16xf32, #tpu.memory_space<hbm>>, %arg3: memref<2560x128xi32, #tpu.memory_space<hbm>>, %arg4: memref<2560x128xi32, #tpu.memory_space<hbm>>, %arg5: memref<327680x16xf32, #tpu.memory_space<hbm>>, %arg6: memref<327680x16xf32, #tpu.memory_space<hbm>>, %arg7: memref<80x128xi32, #tpu.memory_space<vmem>>, %arg8: memref<80x128xi32, #tpu.memory_space<vmem>>, %arg9: memref<1024x16xf32, #tpu.memory_space<vmem>>, %arg10: memref<1024x16xf32, #tpu.memory_space<vmem>>, %arg11: memref<10000x16xf32, #tpu.memory_space<vmem_shared>>, %arg12: memref<!tpu.dma_semaphore, #tpu.memory_space<semaphore_mem>>, %arg13: memref<!tpu.dma_semaphore, #tpu.memory_space<semaphore_mem>>, %arg14: memref<!tpu.dma_semaphore, #tpu.memory_space<semaphore_mem>>, %arg15: memref<!tpu.dma_semaphore, #tpu.memory_space<semaphore_mem>>, %arg16: memref<!tpu.dma_semaphore, #tpu.memory_space<semaphore_mem>>, %arg17: memref<!tpu.dma_semaphore, #tpu.memory_space<semaphore_mem>>) attributes {dimension_semantics = [#tpu.dimension_semantics<core_parallel>, #tpu.dimension_semantics<subcore_parallel>], iteration_bounds = array<i64: 2, 16>, scalar_prefetch = 0 : i64, scratch_operands = 11 : i64, tpu.core_type = #tpu.core_type<sc_vector_subcore>, window_params = [{transform_indices = #map}, {transform_indices = #map}, {transform_indices = #map}, {transform_indices = #map}, {transform_indices = #map}]} {
    %mul3A = arith.constant 625 : i32
    %mul3A_0 = arith.muli %arg1, %mul3A : i32
    "tpu.region"() ({
      %run_scoped3A = tpu.sem_alloc : memref<!tpu.dma_semaphore, #tpu.memory_space<semaphore_mem>>
      %dma_start3A = arith.constant 0 : i32
      %dma_start3A_8 = tpu.memref_slice %arg11[%mul3A_0, %dma_start3A] : memref<10000x16xf32, #tpu.memory_space<vmem_shared>> -> memref<625x16xf32, #tpu.memory_space<vmem_shared>>
      %dma_start3A_9 = arith.constant 0 : i32
      %dma_start3A_10 = tpu.memref_slice %arg2[%mul3A_0, %dma_start3A_9] : memref<10000x16xf32, #tpu.memory_space<hbm>> -> memref<625x16xf32, #tpu.memory_space<hbm>>
      tpu.enqueue_dma source(%dma_start3A_10 : memref<625x16xf32, #tpu.memory_space<hbm>>) target(%dma_start3A_8 : memref<625x16xf32, #tpu.memory_space<vmem_shared>>) target_semaphore(%run_scoped3A : memref<!tpu.dma_semaphore, #tpu.memory_space<semaphore_mem>>)
      %dma_wait3A = arith.constant 0 : i32
      %dma_wait3A_11 = tpu.memref_slice %arg11[%mul3A_0, %dma_wait3A] : memref<10000x16xf32, #tpu.memory_space<vmem_shared>> -> memref<625x16xf32, #tpu.memory_space<vmem_shared>>
      %dma_wait3A_12 = arith.constant 0 : i32
      %dma_wait3A_13 = tpu.memref_slice %arg2[%mul3A_0, %dma_wait3A_12] : memref<10000x16xf32, #tpu.memory_space<hbm>> -> memref<625x16xf32, #tpu.memory_space<hbm>>
      tpu.wait_dma2 semaphore(%run_scoped3A : memref<!tpu.dma_semaphore, #tpu.memory_space<semaphore_mem>>) src(%dma_wait3A_13 : memref<625x16xf32, #tpu.memory_space<hbm>>) dst(%dma_wait3A_11 : memref<625x16xf32, #tpu.memory_space<vmem_shared>>)
      tpu.yield
    }) : () -> ()
    %barrier3A = arith.constant 0 : index
    tpu.barrier barrier_id(%barrier3A)
    %eq3A = arith.constant 0 : i32
    %eq3A_1 = arith.cmpi eq, %arg0, %eq3A : i32
    %convert_element_type3A = arith.extui %eq3A_1 : i1 to i32
    %cond3A = arith.constant 0 : i32
    %cond3A_2 = arith.cmpi ne, %convert_element_type3A, %cond3A : i32
    scf.if %cond3A_2 {
      %mul3A_8 = arith.constant 80 : i32
      %mul3A_9 = arith.muli %arg1, %mul3A_8 : i32
      "tpu.region"() ({
        %run_scoped3A = tpu.sem_alloc : memref<!tpu.dma_semaphore, #tpu.memory_space<semaphore_mem>>
        %dma_start3A = arith.constant 0 : i32
        %dma_start3A_56 = arith.constant 0 : i32
        %dma_start3A_57 = tpu.memref_slice %arg7[%dma_start3A, %dma_start3A_56] : memref<80x128xi32, #tpu.memory_space<vmem>> -> memref<80x128xi32, #tpu.memory_space<vmem>>
        %dma_start3A_58 = arith.constant 0 : i32
        %dma_start3A_59 = tpu.memref_slice %arg3[%mul3A_9, %dma_start3A_58] : memref<2560x128xi32, #tpu.memory_space<hbm>> -> memref<80x128xi32, #tpu.memory_space<hbm>>
        %dma_start3A_60 = arith.constant 0 : i32
        %dma_start3A_61 = arith.constant 0 : i32
        %dma_start3A_62 = tpu.memref_slice %arg7[%dma_start3A_60, %dma_start3A_61] : memref<80x128xi32, #tpu.memory_space<vmem>> -> memref<80x128xi32, #tpu.memory_space<vmem>>
        %dma_start3A_63 = arith.constant 0 : i32
        %dma_start3A_64 = tpu.memref_slice %arg3[%mul3A_9, %dma_start3A_63] : memref<2560x128xi32, #tpu.memory_space<hbm>> -> memref<80x128xi32, #tpu.memory_space<hbm>>
        tpu.enqueue_dma source(%dma_start3A_64 : memref<80x128xi32, #tpu.memory_space<hbm>>) target(%dma_start3A_62 : memref<80x128xi32, #tpu.memory_space<vmem>>) target_semaphore(%run_scoped3A : memref<!tpu.dma_semaphore, #tpu.memory_space<semaphore_mem>>)
        %dma_wait3A_65 = arith.constant 0 : i32
        %dma_wait3A_66 = arith.constant 0 : i32
        %dma_wait3A_67 = tpu.memref_slice %arg7[%dma_wait3A_65, %dma_wait3A_66] : memref<80x128xi32, #tpu.memory_space<vmem>> -> memref<80x128xi32, #tpu.memory_space<vmem>>
        %dma_wait3A_68 = arith.constant 0 : i32
        %dma_wait3A_69 = tpu.memref_slice %arg3[%mul3A_9, %dma_wait3A_68] : memref<2560x128xi32, #tpu.memory_space<hbm>> -> memref<80x128xi32, #tpu.memory_space<hbm>>
        %dma_wait3A_70 = arith.constant 0 : i32
        %dma_wait3A_71 = arith.constant 0 : i32
        %dma_wait3A_72 = tpu.memref_slice %arg7[%dma_wait3A_70, %dma_wait3A_71] : memref<80x128xi32, #tpu.memory_space<vmem>> -> memref<80x128xi32, #tpu.memory_space<vmem>>
        %dma_wait3A_73 = arith.constant 0 : i32
        %dma_wait3A_74 = tpu.memref_slice %arg3[%mul3A_9, %dma_wait3A_73] : memref<2560x128xi32, #tpu.memory_space<hbm>> -> memref<80x128xi32, #tpu.memory_space<hbm>>
        tpu.wait_dma2 semaphore(%run_scoped3A : memref<!tpu.dma_semaphore, #tpu.memory_space<semaphore_mem>>) src(%dma_wait3A_74 : memref<80x128xi32, #tpu.memory_space<hbm>>) dst(%dma_wait3A_72 : memref<80x128xi32, #tpu.memory_space<vmem>>)
        tpu.yield
      }) : () -> ()
      "tpu.region"() ({
        %run_scoped3A = tpu.sem_alloc : memref<!tpu.dma_semaphore, #tpu.memory_space<semaphore_mem>>
        %dma_start3A = arith.constant 0 : i32
        %dma_start3A_56 = arith.constant 0 : i32
        %dma_start3A_57 = tpu.memref_slice %arg8[%dma_start3A, %dma_start3A_56] : memref<80x128xi32, #tpu.memory_space<vmem>> -> memref<80x128xi32, #tpu.memory_space<vmem>>
        %dma_start3A_58 = arith.constant 0 : i32
        %dma_start3A_59 = tpu.memref_slice %arg4[%mul3A_9, %dma_start3A_58] : memref<2560x128xi32, #tpu.memory_space<hbm>> -> memref<80x128xi32, #tpu.memory_space<hbm>>
        %dma_start3A_60 = arith.constant 0 : i32
        %dma_start3A_61 = arith.constant 0 : i32
        %dma_start3A_62 = tpu.memref_slice %arg8[%dma_start3A_60, %dma_start3A_61] : memref<80x128xi32, #tpu.memory_space<vmem>> -> memref<80x128xi32, #tpu.memory_space<vmem>>
        %dma_start3A_63 = arith.constant 0 : i32
        %dma_start3A_64 = tpu.memref_slice %arg4[%mul3A_9, %dma_start3A_63] : memref<2560x128xi32, #tpu.memory_space<hbm>> -> memref<80x128xi32, #tpu.memory_space<hbm>>
        tpu.enqueue_dma source(%dma_start3A_64 : memref<80x128xi32, #tpu.memory_space<hbm>>) target(%dma_start3A_62 : memref<80x128xi32, #tpu.memory_space<vmem>>) target_semaphore(%run_scoped3A : memref<!tpu.dma_semaphore, #tpu.memory_space<semaphore_mem>>)
        %dma_wait3A_65 = arith.constant 0 : i32
        %dma_wait3A_66 = arith.constant 0 : i32
        %dma_wait3A_67 = tpu.memref_slice %arg8[%dma_wait3A_65, %dma_wait3A_66] : memref<80x128xi32, #tpu.memory_space<vmem>> -> memref<80x128xi32, #tpu.memory_space<vmem>>
        %dma_wait3A_68 = arith.constant 0 : i32
        %dma_wait3A_69 = tpu.memref_slice %arg4[%mul3A_9, %dma_wait3A_68] : memref<2560x128xi32, #tpu.memory_space<hbm>> -> memref<80x128xi32, #tpu.memory_space<hbm>>
        %dma_wait3A_70 = arith.constant 0 : i32
        %dma_wait3A_71 = arith.constant 0 : i32
        %dma_wait3A_72 = tpu.memref_slice %arg8[%dma_wait3A_70, %dma_wait3A_71] : memref<80x128xi32, #tpu.memory_space<vmem>> -> memref<80x128xi32, #tpu.memory_space<vmem>>
        %dma_wait3A_73 = arith.constant 0 : i32
        %dma_wait3A_74 = tpu.memref_slice %arg4[%mul3A_9, %dma_wait3A_73] : memref<2560x128xi32, #tpu.memory_space<hbm>> -> memref<80x128xi32, #tpu.memory_space<hbm>>
        tpu.wait_dma2 semaphore(%run_scoped3A : memref<!tpu.dma_semaphore, #tpu.memory_space<semaphore_mem>>) src(%dma_wait3A_74 : memref<80x128xi32, #tpu.memory_space<hbm>>) dst(%dma_wait3A_72 : memref<80x128xi32, #tpu.memory_space<vmem>>)
        tpu.yield
      }) : () -> ()
      %mul3A_10 = arith.constant 128 : i32
      %mul3A_11 = arith.muli %mul3A_9, %mul3A_10 : i32
      %scan3A = arith.constant 0 : i32
      %scan3A_12 = arith.constant 0 : i32
      %scan3A_13 = arith.constant 10 : i32
      %scan3A_14 = arith.addi %scan3A_12, %scan3A_13 : i32
      %scan3A_15 = arith.constant 1 : i32
      scf.for %scan3A_56 = %scan3A_12 to %scan3A_14 step %scan3A_15  : i32 {
        %gt3A = arith.constant 0 : i32
        %gt3A_57 = arith.cmpi sgt, %scan3A_56, %gt3A : i32
        %convert_element_type3A_58 = arith.extui %gt3A_57 : i1 to i32
        %cond3A_59 = arith.constant 0 : i32
        %cond3A_60 = arith.cmpi ne, %convert_element_type3A_58, %cond3A_59 : i32
        scf.if %cond3A_60 {
          %dma_wait3A_446 = arith.constant 0 : i32
          %dma_wait3A_447 = arith.constant 0 : i32
          %dma_wait3A_448 = tpu.memref_slice %arg9[%dma_wait3A_446, %dma_wait3A_447] : memref<1024x16xf32, #tpu.memory_space<vmem>> -> memref<512x16xf32, #tpu.memory_space<vmem>>
          %dma_wait3A_449 = arith.constant 0 : i32
          %dma_wait3A_450 = tpu.memref_slice %arg5[%mul3A_11, %dma_wait3A_449] : memref<327680x16xf32, #tpu.memory_space<hbm>> -> memref<512x16xf32, #tpu.memory_space<hbm>>
          %dma_wait3A_451 = arith.constant 0 : i32
          %dma_wait3A_452 = tpu.memref_slice %arg5[%mul3A_11, %dma_wait3A_451] : memref<327680x16xf32, #tpu.memory_space<hbm>> -> memref<512x16xf32, #tpu.memory_space<hbm>>
          %dma_wait3A_453 = arith.constant 0 : i32
          %dma_wait3A_454 = arith.constant 0 : i32
          %dma_wait3A_455 = tpu.memref_slice %arg9[%dma_wait3A_453, %dma_wait3A_454] : memref<1024x16xf32, #tpu.memory_space<vmem>> -> memref<512x16xf32, #tpu.memory_space<vmem>>
          tpu.wait_dma2 semaphore(%arg16 : memref<!tpu.dma_semaphore, #tpu.memory_space<semaphore_mem>>) src(%dma_wait3A_455 : memref<512x16xf32, #tpu.memory_space<vmem>>) dst(%dma_wait3A_452 : memref<512x16xf32, #tpu.memory_space<hbm>>)
          %dma_wait3A_456 = arith.constant 0 : i32
          %dma_wait3A_457 = arith.constant 0 : i32
          %dma_wait3A_458 = tpu.memref_slice %arg10[%dma_wait3A_456, %dma_wait3A_457] : memref<1024x16xf32, #tpu.memory_space<vmem>> -> memref<512x16xf32, #tpu.memory_space<vmem>>
          %dma_wait3A_459 = arith.constant 0 : i32
          %dma_wait3A_460 = tpu.memref_slice %arg6[%mul3A_11, %dma_wait3A_459] : memref<327680x16xf32, #tpu.memory_space<hbm>> -> memref<512x16xf32, #tpu.memory_space<hbm>>
          %dma_wait3A_461 = arith.constant 0 : i32
          %dma_wait3A_462 = tpu.memref_slice %arg6[%mul3A_11, %dma_wait3A_461] : memref<327680x16xf32, #tpu.memory_space<hbm>> -> memref<512x16xf32, #tpu.memory_space<hbm>>
          %dma_wait3A_463 = arith.constant 0 : i32
          %dma_wait3A_464 = arith.constant 0 : i32
          %dma_wait3A_465 = tpu.memref_slice %arg10[%dma_wait3A_463, %dma_wait3A_464] : memref<1024x16xf32, #tpu.memory_space<vmem>> -> memref<512x16xf32, #tpu.memory_space<vmem>>
          tpu.wait_dma2 semaphore(%arg16 : memref<!tpu.dma_semaphore, #tpu.memory_space<semaphore_mem>>) src(%dma_wait3A_465 : memref<512x16xf32, #tpu.memory_space<vmem>>) dst(%dma_wait3A_462 : memref<512x16xf32, #tpu.memory_space<hbm>>)
        } else {
        }
        %mul3A_61 = arith.constant 2 : i32
        %mul3A_62 = arith.muli %mul3A_61, %scan3A_56 : i32
        %add3A = arith.constant 0 : i32
        %add3A_63 = arith.addi %mul3A_62, %add3A : i32
        %mul3A_64 = arith.constant 4 : i32
        %mul3A_65 = arith.muli %add3A_63, %mul3A_64 : i32
        %add3A_66 = arith.constant 0 : i32
        %add3A_67 = arith.addi %mul3A_65, %add3A_66 : i32
        %dma_start3A = arith.constant 0 : i32
        %dma_start3A_68 = arith.constant 0 : i32
        %dma_start3A_69 = tpu.memref_slice %arg9[%dma_start3A, %dma_start3A_68] : memref<1024x16xf32, #tpu.memory_space<vmem>> -> memref<128x16xf32, #tpu.memory_space<vmem>>
        %dma_start3A_70 = arith.constant 0 : i32
        %dma_start3A_71 = tpu.memref_slice %arg7[%add3A_67, %dma_start3A_70] : memref<80x128xi32, #tpu.memory_space<vmem>> -> memref<1x128xi32, #tpu.memory_space<vmem>>
        %dma_start3A_72 = tpu.memref_squeeze %dma_start3A_71 : memref<1x128xi32, #tpu.memory_space<vmem>> -> memref<128xi32, #tpu.memory_space<vmem>>
        %dma_start3A_73 = arith.constant 0 : i32
        %dma_start3A_74 = arith.constant 0 : i32
        %dma_start3A_75 = tpu.memref_slice %arg11[%dma_start3A_73, %dma_start3A_74] : memref<10000x16xf32, #tpu.memory_space<vmem_shared>> -> memref<10000x16xf32, #tpu.memory_space<vmem_shared>>
        tpu.enqueue_indirect_dma source(%dma_start3A_75 : memref<10000x16xf32, #tpu.memory_space<vmem_shared>>) target(%dma_start3A_69 : memref<128x16xf32, #tpu.memory_space<vmem>>) offsets(%dma_start3A_72 : memref<128xi32, #tpu.memory_space<vmem>>) semaphore(%arg12 : memref<!tpu.dma_semaphore, #tpu.memory_space<semaphore_mem>>)
        %dma_start3A_76 = arith.constant 0 : i32
        %dma_start3A_77 = arith.constant 0 : i32
        %dma_start3A_78 = tpu.memref_slice %arg10[%dma_start3A_76, %dma_start3A_77] : memref<1024x16xf32, #tpu.memory_space<vmem>> -> memref<128x16xf32, #tpu.memory_space<vmem>>
        %dma_start3A_79 = arith.constant 0 : i32
        %dma_start3A_80 = tpu.memref_slice %arg8[%add3A_67, %dma_start3A_79] : memref<80x128xi32, #tpu.memory_space<vmem>> -> memref<1x128xi32, #tpu.memory_space<vmem>>
        %dma_start3A_81 = tpu.memref_squeeze %dma_start3A_80 : memref<1x128xi32, #tpu.memory_space<vmem>> -> memref<128xi32, #tpu.memory_space<vmem>>
        %dma_start3A_82 = arith.constant 0 : i32
        %dma_start3A_83 = arith.constant 0 : i32
        %dma_start3A_84 = tpu.memref_slice %arg11[%dma_start3A_82, %dma_start3A_83] : memref<10000x16xf32, #tpu.memory_space<vmem_shared>> -> memref<10000x16xf32, #tpu.memory_space<vmem_shared>>
        tpu.enqueue_indirect_dma source(%dma_start3A_84 : memref<10000x16xf32, #tpu.memory_space<vmem_shared>>) target(%dma_start3A_78 : memref<128x16xf32, #tpu.memory_space<vmem>>) offsets(%dma_start3A_81 : memref<128xi32, #tpu.memory_space<vmem>>) semaphore(%arg13 : memref<!tpu.dma_semaphore, #tpu.memory_space<semaphore_mem>>)
        %mul3A_85 = arith.constant 4 : i32
        %mul3A_86 = arith.muli %add3A_63, %mul3A_85 : i32
        %add3A_87 = arith.constant 1 : i32
        %add3A_88 = arith.addi %mul3A_86, %add3A_87 : i32
        %dma_start3A_89 = arith.constant 128 : i32
        %dma_start3A_90 = arith.constant 0 : i32
        %dma_start3A_91 = tpu.memref_slice %arg9[%dma_start3A_89, %dma_start3A_90] : memref<1024x16xf32, #tpu.memory_space<vmem>> -> memref<128x16xf32, #tpu.memory_space<vmem>>
        %dma_start3A_92 = arith.constant 0 : i32
        %dma_start3A_93 = tpu.memref_slice %arg7[%add3A_88, %dma_start3A_92] : memref<80x128xi32, #tpu.memory_space<vmem>> -> memref<1x128xi32, #tpu.memory_space<vmem>>
        %dma_start3A_94 = tpu.memref_squeeze %dma_start3A_93 : memref<1x128xi32, #tpu.memory_space<vmem>> -> memref<128xi32, #tpu.memory_space<vmem>>
        %dma_start3A_95 = arith.constant 0 : i32
        %dma_start3A_96 = arith.constant 0 : i32
        %dma_start3A_97 = tpu.memref_slice %arg11[%dma_start3A_95, %dma_start3A_96] : memref<10000x16xf32, #tpu.memory_space<vmem_shared>> -> memref<10000x16xf32, #tpu.memory_space<vmem_shared>>
        tpu.enqueue_indirect_dma source(%dma_start3A_97 : memref<10000x16xf32, #tpu.memory_space<vmem_shared>>) target(%dma_start3A_91 : memref<128x16xf32, #tpu.memory_space<vmem>>) offsets(%dma_start3A_94 : memref<128xi32, #tpu.memory_space<vmem>>) semaphore(%arg12 : memref<!tpu.dma_semaphore, #tpu.memory_space<semaphore_mem>>)
        %dma_start3A_98 = arith.constant 128 : i32
        %dma_start3A_99 = arith.constant 0 : i32
        %dma_start3A_100 = tpu.memref_slice %arg10[%dma_start3A_98, %dma_start3A_99] : memref<1024x16xf32, #tpu.memory_space<vmem>> -> memref<128x16xf32, #tpu.memory_space<vmem>>
        %dma_start3A_101 = arith.constant 0 : i32
        %dma_start3A_102 = tpu.memref_slice %arg8[%add3A_88, %dma_start3A_101] : memref<80x128xi32, #tpu.memory_space<vmem>> -> memref<1x128xi32, #tpu.memory_space<vmem>>
        %dma_start3A_103 = tpu.memref_squeeze %dma_start3A_102 : memref<1x128xi32, #tpu.memory_space<vmem>> -> memref<128xi32, #tpu.memory_space<vmem>>
        %dma_start3A_104 = arith.constant 0 : i32
        %dma_start3A_105 = arith.constant 0 : i32
        %dma_start3A_106 = tpu.memref_slice %arg11[%dma_start3A_104, %dma_start3A_105] : memref<10000x16xf32, #tpu.memory_space<vmem_shared>> -> memref<10000x16xf32, #tpu.memory_space<vmem_shared>>
        tpu.enqueue_indirect_dma source(%dma_start3A_106 : memref<10000x16xf32, #tpu.memory_space<vmem_shared>>) target(%dma_start3A_100 : memref<128x16xf32, #tpu.memory_space<vmem>>) offsets(%dma_start3A_103 : memref<128xi32, #tpu.memory_space<vmem>>) semaphore(%arg13 : memref<!tpu.dma_semaphore, #tpu.memory_space<semaphore_mem>>)
        %mul3A_107 = arith.constant 4 : i32
        %mul3A_108 = arith.muli %add3A_63, %mul3A_107 : i32
        %add3A_109 = arith.constant 2 : i32
        %add3A_110 = arith.addi %mul3A_108, %add3A_109 : i32
        %dma_start3A_111 = arith.constant 256 : i32
        %dma_start3A_112 = arith.constant 0 : i32
        %dma_start3A_113 = tpu.memref_slice %arg9[%dma_start3A_111, %dma_start3A_112] : memref<1024x16xf32, #tpu.memory_space<vmem>> -> memref<128x16xf32, #tpu.memory_space<vmem>>
        %dma_start3A_114 = arith.constant 0 : i32
        %dma_start3A_115 = tpu.memref_slice %arg7[%add3A_110, %dma_start3A_114] : memref<80x128xi32, #tpu.memory_space<vmem>> -> memref<1x128xi32, #tpu.memory_space<vmem>>
        %dma_start3A_116 = tpu.memref_squeeze %dma_start3A_115 : memref<1x128xi32, #tpu.memory_space<vmem>> -> memref<128xi32, #tpu.memory_space<vmem>>
        %dma_start3A_117 = arith.constant 0 : i32
        %dma_start3A_118 = arith.constant 0 : i32
        %dma_start3A_119 = tpu.memref_slice %arg11[%dma_start3A_117, %dma_start3A_118] : memref<10000x16xf32, #tpu.memory_space<vmem_shared>> -> memref<10000x16xf32, #tpu.memory_space<vmem_shared>>
        tpu.enqueue_indirect_dma source(%dma_start3A_119 : memref<10000x16xf32, #tpu.memory_space<vmem_shared>>) target(%dma_start3A_113 : memref<128x16xf32, #tpu.memory_space<vmem>>) offsets(%dma_start3A_116 : memref<128xi32, #tpu.memory_space<vmem>>) semaphore(%arg12 : memref<!tpu.dma_semaphore, #tpu.memory_space<semaphore_mem>>)
        %dma_start3A_120 = arith.constant 256 : i32
        %dma_start3A_121 = arith.constant 0 : i32
        %dma_start3A_122 = tpu.memref_slice %arg10[%dma_start3A_120, %dma_start3A_121] : memref<1024x16xf32, #tpu.memory_space<vmem>> -> memref<128x16xf32, #tpu.memory_space<vmem>>
        %dma_start3A_123 = arith.constant 0 : i32
        %dma_start3A_124 = tpu.memref_slice %arg8[%add3A_110, %dma_start3A_123] : memref<80x128xi32, #tpu.memory_space<vmem>> -> memref<1x128xi32, #tpu.memory_space<vmem>>
        %dma_start3A_125 = tpu.memref_squeeze %dma_start3A_124 : memref<1x128xi32, #tpu.memory_space<vmem>> -> memref<128xi32, #tpu.memory_space<vmem>>
        %dma_start3A_126 = arith.constant 0 : i32
        %dma_start3A_127 = arith.constant 0 : i32
        %dma_start3A_128 = tpu.memref_slice %arg11[%dma_start3A_126, %dma_start3A_127] : memref<10000x16xf32, #tpu.memory_space<vmem_shared>> -> memref<10000x16xf32, #tpu.memory_space<vmem_shared>>
        tpu.enqueue_indirect_dma source(%dma_start3A_128 : memref<10000x16xf32, #tpu.memory_space<vmem_shared>>) target(%dma_start3A_122 : memref<128x16xf32, #tpu.memory_space<vmem>>) offsets(%dma_start3A_125 : memref<128xi32, #tpu.memory_space<vmem>>) semaphore(%arg13 : memref<!tpu.dma_semaphore, #tpu.memory_space<semaphore_mem>>)
        %mul3A_129 = arith.constant 4 : i32
        %mul3A_130 = arith.muli %add3A_63, %mul3A_129 : i32
        %add3A_131 = arith.constant 3 : i32
        %add3A_132 = arith.addi %mul3A_130, %add3A_131 : i32
        %dma_start3A_133 = arith.constant 384 : i32
        %dma_start3A_134 = arith.constant 0 : i32
        %dma_start3A_135 = tpu.memref_slice %arg9[%dma_start3A_133, %dma_start3A_134] : memref<1024x16xf32, #tpu.memory_space<vmem>> -> memref<128x16xf32, #tpu.memory_space<vmem>>
        %dma_start3A_136 = arith.constant 0 : i32
        %dma_start3A_137 = tpu.memref_slice %arg7[%add3A_132, %dma_start3A_136] : memref<80x128xi32, #tpu.memory_space<vmem>> -> memref<1x128xi32, #tpu.memory_space<vmem>>
        %dma_start3A_138 = tpu.memref_squeeze %dma_start3A_137 : memref<1x128xi32, #tpu.memory_space<vmem>> -> memref<128xi32, #tpu.memory_space<vmem>>
        %dma_start3A_139 = arith.constant 0 : i32
        %dma_start3A_140 = arith.constant 0 : i32
        %dma_start3A_141 = tpu.memref_slice %arg11[%dma_start3A_139, %dma_start3A_140] : memref<10000x16xf32, #tpu.memory_space<vmem_shared>> -> memref<10000x16xf32, #tpu.memory_space<vmem_shared>>
        tpu.enqueue_indirect_dma source(%dma_start3A_141 : memref<10000x16xf32, #tpu.memory_space<vmem_shared>>) target(%dma_start3A_135 : memref<128x16xf32, #tpu.memory_space<vmem>>) offsets(%dma_start3A_138 : memref<128xi32, #tpu.memory_space<vmem>>) semaphore(%arg12 : memref<!tpu.dma_semaphore, #tpu.memory_space<semaphore_mem>>)
        %dma_start3A_142 = arith.constant 384 : i32
        %dma_start3A_143 = arith.constant 0 : i32
        %dma_start3A_144 = tpu.memref_slice %arg10[%dma_start3A_142, %dma_start3A_143] : memref<1024x16xf32, #tpu.memory_space<vmem>> -> memref<128x16xf32, #tpu.memory_space<vmem>>
        %dma_start3A_145 = arith.constant 0 : i32
        %dma_start3A_146 = tpu.memref_slice %arg8[%add3A_132, %dma_start3A_145] : memref<80x128xi32, #tpu.memory_space<vmem>> -> memref<1x128xi32, #tpu.memory_space<vmem>>
        %dma_start3A_147 = tpu.memref_squeeze %dma_start3A_146 : memref<1x128xi32, #tpu.memory_space<vmem>> -> memref<128xi32, #tpu.memory_space<vmem>>
        %dma_start3A_148 = arith.constant 0 : i32
        %dma_start3A_149 = arith.constant 0 : i32
        %dma_start3A_150 = tpu.memref_slice %arg11[%dma_start3A_148, %dma_start3A_149] : memref<10000x16xf32, #tpu.memory_space<vmem_shared>> -> memref<10000x16xf32, #tpu.memory_space<vmem_shared>>
        tpu.enqueue_indirect_dma source(%dma_start3A_150 : memref<10000x16xf32, #tpu.memory_space<vmem_shared>>) target(%dma_start3A_144 : memref<128x16xf32, #tpu.memory_space<vmem>>) offsets(%dma_start3A_147 : memref<128xi32, #tpu.memory_space<vmem>>) semaphore(%arg13 : memref<!tpu.dma_semaphore, #tpu.memory_space<semaphore_mem>>)
        %gt3A_151 = arith.constant 0 : i32
        %gt3A_152 = arith.cmpi sgt, %scan3A_56, %gt3A_151 : i32
        %convert_element_type3A_153 = arith.extui %gt3A_152 : i1 to i32
        %cond3A_154 = arith.constant 0 : i32
        %cond3A_155 = arith.cmpi ne, %convert_element_type3A_153, %cond3A_154 : i32
        scf.if %cond3A_155 {
          %dma_wait3A_446 = arith.constant 512 : i32
          %dma_wait3A_447 = arith.constant 0 : i32
          %dma_wait3A_448 = tpu.memref_slice %arg9[%dma_wait3A_446, %dma_wait3A_447] : memref<1024x16xf32, #tpu.memory_space<vmem>> -> memref<512x16xf32, #tpu.memory_space<vmem>>
          %dma_wait3A_449 = arith.constant 0 : i32
          %dma_wait3A_450 = tpu.memref_slice %arg5[%mul3A_11, %dma_wait3A_449] : memref<327680x16xf32, #tpu.memory_space<hbm>> -> memref<512x16xf32, #tpu.memory_space<hbm>>
          %dma_wait3A_451 = arith.constant 0 : i32
          %dma_wait3A_452 = tpu.memref_slice %arg5[%mul3A_11, %dma_wait3A_451] : memref<327680x16xf32, #tpu.memory_space<hbm>> -> memref<512x16xf32, #tpu.memory_space<hbm>>
          %dma_wait3A_453 = arith.constant 512 : i32
          %dma_wait3A_454 = arith.constant 0 : i32
          %dma_wait3A_455 = tpu.memref_slice %arg9[%dma_wait3A_453, %dma_wait3A_454] : memref<1024x16xf32, #tpu.memory_space<vmem>> -> memref<512x16xf32, #tpu.memory_space<vmem>>
          tpu.wait_dma2 semaphore(%arg17 : memref<!tpu.dma_semaphore, #tpu.memory_space<semaphore_mem>>) src(%dma_wait3A_455 : memref<512x16xf32, #tpu.memory_space<vmem>>) dst(%dma_wait3A_452 : memref<512x16xf32, #tpu.memory_space<hbm>>)
          %dma_wait3A_456 = arith.constant 512 : i32
          %dma_wait3A_457 = arith.constant 0 : i32
          %dma_wait3A_458 = tpu.memref_slice %arg10[%dma_wait3A_456, %dma_wait3A_457] : memref<1024x16xf32, #tpu.memory_space<vmem>> -> memref<512x16xf32, #tpu.memory_space<vmem>>
          %dma_wait3A_459 = arith.constant 0 : i32
          %dma_wait3A_460 = tpu.memref_slice %arg6[%mul3A_11, %dma_wait3A_459] : memref<327680x16xf32, #tpu.memory_space<hbm>> -> memref<512x16xf32, #tpu.memory_space<hbm>>
          %dma_wait3A_461 = arith.constant 0 : i32
          %dma_wait3A_462 = tpu.memref_slice %arg6[%mul3A_11, %dma_wait3A_461] : memref<327680x16xf32, #tpu.memory_space<hbm>> -> memref<512x16xf32, #tpu.memory_space<hbm>>
          %dma_wait3A_463 = arith.constant 512 : i32
          %dma_wait3A_464 = arith.constant 0 : i32
          %dma_wait3A_465 = tpu.memref_slice %arg10[%dma_wait3A_463, %dma_wait3A_464] : memref<1024x16xf32, #tpu.memory_space<vmem>> -> memref<512x16xf32, #tpu.memory_space<vmem>>
          tpu.wait_dma2 semaphore(%arg17 : memref<!tpu.dma_semaphore, #tpu.memory_space<semaphore_mem>>) src(%dma_wait3A_465 : memref<512x16xf32, #tpu.memory_space<vmem>>) dst(%dma_wait3A_462 : memref<512x16xf32, #tpu.memory_space<hbm>>)
        } else {
        }
        %mul3A_156 = arith.constant 2 : i32
        %mul3A_157 = arith.muli %mul3A_156, %scan3A_56 : i32
        %add3A_158 = arith.constant 1 : i32
        %add3A_159 = arith.addi %mul3A_157, %add3A_158 : i32
        %mul3A_160 = arith.constant 4 : i32
        %mul3A_161 = arith.muli %add3A_159, %mul3A_160 : i32
        %add3A_162 = arith.constant 0 : i32
        %add3A_163 = arith.addi %mul3A_161, %add3A_162 : i32
        %dma_start3A_164 = arith.constant 512 : i32
        %dma_start3A_165 = arith.constant 0 : i32
        %dma_start3A_166 = tpu.memref_slice %arg9[%dma_start3A_164, %dma_start3A_165] : memref<1024x16xf32, #tpu.memory_space<vmem>> -> memref<128x16xf32, #tpu.memory_space<vmem>>
        %dma_start3A_167 = arith.constant 0 : i32
        %dma_start3A_168 = tpu.memref_slice %arg7[%add3A_163, %dma_start3A_167] : memref<80x128xi32, #tpu.memory_space<vmem>> -> memref<1x128xi32, #tpu.memory_space<vmem>>
        %dma_start3A_169 = tpu.memref_squeeze %dma_start3A_168 : memref<1x128xi32, #tpu.memory_space<vmem>> -> memref<128xi32, #tpu.memory_space<vmem>>
        %dma_start3A_170 = arith.constant 0 : i32
        %dma_start3A_171 = arith.constant 0 : i32
        %dma_start3A_172 = tpu.memref_slice %arg11[%dma_start3A_170, %dma_start3A_171] : memref<10000x16xf32, #tpu.memory_space<vmem_shared>> -> memref<10000x16xf32, #tpu.memory_space<vmem_shared>>
        tpu.enqueue_indirect_dma source(%dma_start3A_172 : memref<10000x16xf32, #tpu.memory_space<vmem_shared>>) target(%dma_start3A_166 : memref<128x16xf32, #tpu.memory_space<vmem>>) offsets(%dma_start3A_169 : memref<128xi32, #tpu.memory_space<vmem>>) semaphore(%arg14 : memref<!tpu.dma_semaphore, #tpu.memory_space<semaphore_mem>>)
        %dma_start3A_173 = arith.constant 512 : i32
        %dma_start3A_174 = arith.constant 0 : i32
        %dma_start3A_175 = tpu.memref_slice %arg10[%dma_start3A_173, %dma_start3A_174] : memref<1024x16xf32, #tpu.memory_space<vmem>> -> memref<128x16xf32, #tpu.memory_space<vmem>>
        %dma_start3A_176 = arith.constant 0 : i32
        %dma_start3A_177 = tpu.memref_slice %arg8[%add3A_163, %dma_start3A_176] : memref<80x128xi32, #tpu.memory_space<vmem>> -> memref<1x128xi32, #tpu.memory_space<vmem>>
        %dma_start3A_178 = tpu.memref_squeeze %dma_start3A_177 : memref<1x128xi32, #tpu.memory_space<vmem>> -> memref<128xi32, #tpu.memory_space<vmem>>
        %dma_start3A_179 = arith.constant 0 : i32
        %dma_start3A_180 = arith.constant 0 : i32
        %dma_start3A_181 = tpu.memref_slice %arg11[%dma_start3A_179, %dma_start3A_180] : memref<10000x16xf32, #tpu.memory_space<vmem_shared>> -> memref<10000x16xf32, #tpu.memory_space<vmem_shared>>
        tpu.enqueue_indirect_dma source(%dma_start3A_181 : memref<10000x16xf32, #tpu.memory_space<vmem_shared>>) target(%dma_start3A_175 : memref<128x16xf32, #tpu.memory_space<vmem>>) offsets(%dma_start3A_178 : memref<128xi32, #tpu.memory_space<vmem>>) semaphore(%arg15 : memref<!tpu.dma_semaphore, #tpu.memory_space<semaphore_mem>>)
        %mul3A_182 = arith.constant 4 : i32
        %mul3A_183 = arith.muli %add3A_159, %mul3A_182 : i32
        %add3A_184 = arith.constant 1 : i32
        %add3A_185 = arith.addi %mul3A_183, %add3A_184 : i32
        %dma_start3A_186 = arith.constant 640 : i32
        %dma_start3A_187 = arith.constant 0 : i32
        %dma_start3A_188 = tpu.memref_slice %arg9[%dma_start3A_186, %dma_start3A_187] : memref<1024x16xf32, #tpu.memory_space<vmem>> -> memref<128x16xf32, #tpu.memory_space<vmem>>
        %dma_start3A_189 = arith.constant 0 : i32
        %dma_start3A_190 = tpu.memref_slice %arg7[%add3A_185, %dma_start3A_189] : memref<80x128xi32, #tpu.memory_space<vmem>> -> memref<1x128xi32, #tpu.memory_space<vmem>>
        %dma_start3A_191 = tpu.memref_squeeze %dma_start3A_190 : memref<1x128xi32, #tpu.memory_space<vmem>> -> memref<128xi32, #tpu.memory_space<vmem>>
        %dma_start3A_192 = arith.constant 0 : i32
        %dma_start3A_193 = arith.constant 0 : i32
        %dma_start3A_194 = tpu.memref_slice %arg11[%dma_start3A_192, %dma_start3A_193] : memref<10000x16xf32, #tpu.memory_space<vmem_shared>> -> memref<10000x16xf32, #tpu.memory_space<vmem_shared>>
        tpu.enqueue_indirect_dma source(%dma_start3A_194 : memref<10000x16xf32, #tpu.memory_space<vmem_shared>>) target(%dma_start3A_188 : memref<128x16xf32, #tpu.memory_space<vmem>>) offsets(%dma_start3A_191 : memref<128xi32, #tpu.memory_space<vmem>>) semaphore(%arg14 : memref<!tpu.dma_semaphore, #tpu.memory_space<semaphore_mem>>)
        %dma_start3A_195 = arith.constant 640 : i32
        %dma_start3A_196 = arith.constant 0 : i32
        %dma_start3A_197 = tpu.memref_slice %arg10[%dma_start3A_195, %dma_start3A_196] : memref<1024x16xf32, #tpu.memory_space<vmem>> -> memref<128x16xf32, #tpu.memory_space<vmem>>
        %dma_start3A_198 = arith.constant 0 : i32
        %dma_start3A_199 = tpu.memref_slice %arg8[%add3A_185, %dma_start3A_198] : memref<80x128xi32, #tpu.memory_space<vmem>> -> memref<1x128xi32, #tpu.memory_space<vmem>>
        %dma_start3A_200 = tpu.memref_squeeze %dma_start3A_199 : memref<1x128xi32, #tpu.memory_space<vmem>> -> memref<128xi32, #tpu.memory_space<vmem>>
        %dma_start3A_201 = arith.constant 0 : i32
        %dma_start3A_202 = arith.constant 0 : i32
        %dma_start3A_203 = tpu.memref_slice %arg11[%dma_start3A_201, %dma_start3A_202] : memref<10000x16xf32, #tpu.memory_space<vmem_shared>> -> memref<10000x16xf32, #tpu.memory_space<vmem_shared>>
        tpu.enqueue_indirect_dma source(%dma_start3A_203 : memref<10000x16xf32, #tpu.memory_space<vmem_shared>>) target(%dma_start3A_197 : memref<128x16xf32, #tpu.memory_space<vmem>>) offsets(%dma_start3A_200 : memref<128xi32, #tpu.memory_space<vmem>>) semaphore(%arg15 : memref<!tpu.dma_semaphore, #tpu.memory_space<semaphore_mem>>)
        %mul3A_204 = arith.constant 4 : i32
        %mul3A_205 = arith.muli %add3A_159, %mul3A_204 : i32
        %add3A_206 = arith.constant 2 : i32
        %add3A_207 = arith.addi %mul3A_205, %add3A_206 : i32
        %dma_start3A_208 = arith.constant 768 : i32
        %dma_start3A_209 = arith.constant 0 : i32
        %dma_start3A_210 = tpu.memref_slice %arg9[%dma_start3A_208, %dma_start3A_209] : memref<1024x16xf32, #tpu.memory_space<vmem>> -> memref<128x16xf32, #tpu.memory_space<vmem>>
        %dma_start3A_211 = arith.constant 0 : i32
        %dma_start3A_212 = tpu.memref_slice %arg7[%add3A_207, %dma_start3A_211] : memref<80x128xi32, #tpu.memory_space<vmem>> -> memref<1x128xi32, #tpu.memory_space<vmem>>
        %dma_start3A_213 = tpu.memref_squeeze %dma_start3A_212 : memref<1x128xi32, #tpu.memory_space<vmem>> -> memref<128xi32, #tpu.memory_space<vmem>>
        %dma_start3A_214 = arith.constant 0 : i32
        %dma_start3A_215 = arith.constant 0 : i32
        %dma_start3A_216 = tpu.memref_slice %arg11[%dma_start3A_214, %dma_start3A_215] : memref<10000x16xf32, #tpu.memory_space<vmem_shared>> -> memref<10000x16xf32, #tpu.memory_space<vmem_shared>>
        tpu.enqueue_indirect_dma source(%dma_start3A_216 : memref<10000x16xf32, #tpu.memory_space<vmem_shared>>) target(%dma_start3A_210 : memref<128x16xf32, #tpu.memory_space<vmem>>) offsets(%dma_start3A_213 : memref<128xi32, #tpu.memory_space<vmem>>) semaphore(%arg14 : memref<!tpu.dma_semaphore, #tpu.memory_space<semaphore_mem>>)
        %dma_start3A_217 = arith.constant 768 : i32
        %dma_start3A_218 = arith.constant 0 : i32
        %dma_start3A_219 = tpu.memref_slice %arg10[%dma_start3A_217, %dma_start3A_218] : memref<1024x16xf32, #tpu.memory_space<vmem>> -> memref<128x16xf32, #tpu.memory_space<vmem>>
        %dma_start3A_220 = arith.constant 0 : i32
        %dma_start3A_221 = tpu.memref_slice %arg8[%add3A_207, %dma_start3A_220] : memref<80x128xi32, #tpu.memory_space<vmem>> -> memref<1x128xi32, #tpu.memory_space<vmem>>
        %dma_start3A_222 = tpu.memref_squeeze %dma_start3A_221 : memref<1x128xi32, #tpu.memory_space<vmem>> -> memref<128xi32, #tpu.memory_space<vmem>>
        %dma_start3A_223 = arith.constant 0 : i32
        %dma_start3A_224 = arith.constant 0 : i32
        %dma_start3A_225 = tpu.memref_slice %arg11[%dma_start3A_223, %dma_start3A_224] : memref<10000x16xf32, #tpu.memory_space<vmem_shared>> -> memref<10000x16xf32, #tpu.memory_space<vmem_shared>>
        tpu.enqueue_indirect_dma source(%dma_start3A_225 : memref<10000x16xf32, #tpu.memory_space<vmem_shared>>) target(%dma_start3A_219 : memref<128x16xf32, #tpu.memory_space<vmem>>) offsets(%dma_start3A_222 : memref<128xi32, #tpu.memory_space<vmem>>) semaphore(%arg15 : memref<!tpu.dma_semaphore, #tpu.memory_space<semaphore_mem>>)
        %mul3A_226 = arith.constant 4 : i32
        %mul3A_227 = arith.muli %add3A_159, %mul3A_226 : i32
        %add3A_228 = arith.constant 3 : i32
        %add3A_229 = arith.addi %mul3A_227, %add3A_228 : i32
        %dma_start3A_230 = arith.constant 896 : i32
        %dma_start3A_231 = arith.constant 0 : i32
        %dma_start3A_232 = tpu.memref_slice %arg9[%dma_start3A_230, %dma_start3A_231] : memref<1024x16xf32, #tpu.memory_space<vmem>> -> memref<128x16xf32, #tpu.memory_space<vmem>>
        %dma_start3A_233 = arith.constant 0 : i32
        %dma_start3A_234 = tpu.memref_slice %arg7[%add3A_229, %dma_start3A_233] : memref<80x128xi32, #tpu.memory_space<vmem>> -> memref<1x128xi32, #tpu.memory_space<vmem>>
        %dma_start3A_235 = tpu.memref_squeeze %dma_start3A_234 : memref<1x128xi32, #tpu.memory_space<vmem>> -> memref<128xi32, #tpu.memory_space<vmem>>
        %dma_start3A_236 = arith.constant 0 : i32
        %dma_start3A_237 = arith.constant 0 : i32
        %dma_start3A_238 = tpu.memref_slice %arg11[%dma_start3A_236, %dma_start3A_237] : memref<10000x16xf32, #tpu.memory_space<vmem_shared>> -> memref<10000x16xf32, #tpu.memory_space<vmem_shared>>
        tpu.enqueue_indirect_dma source(%dma_start3A_238 : memref<10000x16xf32, #tpu.memory_space<vmem_shared>>) target(%dma_start3A_232 : memref<128x16xf32, #tpu.memory_space<vmem>>) offsets(%dma_start3A_235 : memref<128xi32, #tpu.memory_space<vmem>>) semaphore(%arg14 : memref<!tpu.dma_semaphore, #tpu.memory_space<semaphore_mem>>)
        %dma_start3A_239 = arith.constant 896 : i32
        %dma_start3A_240 = arith.constant 0 : i32
        %dma_start3A_241 = tpu.memref_slice %arg10[%dma_start3A_239, %dma_start3A_240] : memref<1024x16xf32, #tpu.memory_space<vmem>> -> memref<128x16xf32, #tpu.memory_space<vmem>>
        %dma_start3A_242 = arith.constant 0 : i32
        %dma_start3A_243 = tpu.memref_slice %arg8[%add3A_229, %dma_start3A_242] : memref<80x128xi32, #tpu.memory_space<vmem>> -> memref<1x128xi32, #tpu.memory_space<vmem>>
        %dma_start3A_244 = tpu.memref_squeeze %dma_start3A_243 : memref<1x128xi32, #tpu.memory_space<vmem>> -> memref<128xi32, #tpu.memory_space<vmem>>
        %dma_start3A_245 = arith.constant 0 : i32
        %dma_start3A_246 = arith.constant 0 : i32
        %dma_start3A_247 = tpu.memref_slice %arg11[%dma_start3A_245, %dma_start3A_246] : memref<10000x16xf32, #tpu.memory_space<vmem_shared>> -> memref<10000x16xf32, #tpu.memory_space<vmem_shared>>
        tpu.enqueue_indirect_dma source(%dma_start3A_247 : memref<10000x16xf32, #tpu.memory_space<vmem_shared>>) target(%dma_start3A_241 : memref<128x16xf32, #tpu.memory_space<vmem>>) offsets(%dma_start3A_244 : memref<128xi32, #tpu.memory_space<vmem>>) semaphore(%arg15 : memref<!tpu.dma_semaphore, #tpu.memory_space<semaphore_mem>>)
        %dma_wait3A_248 = arith.constant 0 : i32
        %dma_wait3A_249 = arith.constant 0 : i32
        %dma_wait3A_250 = tpu.memref_slice %arg9[%dma_wait3A_248, %dma_wait3A_249] : memref<1024x16xf32, #tpu.memory_space<vmem>> -> memref<128x16xf32, #tpu.memory_space<vmem>>
        %dma_wait3A_251 = arith.constant 0 : i32
        %dma_wait3A_252 = tpu.memref_slice %arg7[%add3A_67, %dma_wait3A_251] : memref<80x128xi32, #tpu.memory_space<vmem>> -> memref<1x128xi32, #tpu.memory_space<vmem>>
        %dma_wait3A_253 = tpu.memref_squeeze %dma_wait3A_252 : memref<1x128xi32, #tpu.memory_space<vmem>> -> memref<128xi32, #tpu.memory_space<vmem>>
        %dma_wait3A_254 = arith.constant 0 : i32
        %dma_wait3A_255 = arith.constant 0 : i32
        %dma_wait3A_256 = tpu.memref_slice %arg11[%dma_wait3A_254, %dma_wait3A_255] : memref<10000x16xf32, #tpu.memory_space<vmem_shared>> -> memref<10000x16xf32, #tpu.memory_space<vmem_shared>>
        tpu.wait_indirect_dma semaphore(%arg12 : memref<!tpu.dma_semaphore, #tpu.memory_space<semaphore_mem>>) src(%dma_wait3A_256 : memref<10000x16xf32, #tpu.memory_space<vmem_shared>>) dst(%dma_wait3A_250 : memref<128x16xf32, #tpu.memory_space<vmem>>)
        %dma_wait3A_257 = arith.constant 0 : i32
        %dma_wait3A_258 = arith.constant 0 : i32
        %dma_wait3A_259 = tpu.memref_slice %arg10[%dma_wait3A_257, %dma_wait3A_258] : memref<1024x16xf32, #tpu.memory_space<vmem>> -> memref<128x16xf32, #tpu.memory_space<vmem>>
        %dma_wait3A_260 = arith.constant 0 : i32
        %dma_wait3A_261 = tpu.memref_slice %arg8[%add3A_67, %dma_wait3A_260] : memref<80x128xi32, #tpu.memory_space<vmem>> -> memref<1x128xi32, #tpu.memory_space<vmem>>
        %dma_wait3A_262 = tpu.memref_squeeze %dma_wait3A_261 : memref<1x128xi32, #tpu.memory_space<vmem>> -> memref<128xi32, #tpu.memory_space<vmem>>
        %dma_wait3A_263 = arith.constant 0 : i32
        %dma_wait3A_264 = arith.constant 0 : i32
        %dma_wait3A_265 = tpu.memref_slice %arg11[%dma_wait3A_263, %dma_wait3A_264] : memref<10000x16xf32, #tpu.memory_space<vmem_shared>> -> memref<10000x16xf32, #tpu.memory_space<vmem_shared>>
        tpu.wait_indirect_dma semaphore(%arg13 : memref<!tpu.dma_semaphore, #tpu.memory_space<semaphore_mem>>) src(%dma_wait3A_265 : memref<10000x16xf32, #tpu.memory_space<vmem_shared>>) dst(%dma_wait3A_259 : memref<128x16xf32, #tpu.memory_space<vmem>>)
        %dma_wait3A_266 = arith.constant 128 : i32
        %dma_wait3A_267 = arith.constant 0 : i32
        %dma_wait3A_268 = tpu.memref_slice %arg9[%dma_wait3A_266, %dma_wait3A_267] : memref<1024x16xf32, #tpu.memory_space<vmem>> -> memref<128x16xf32, #tpu.memory_space<vmem>>
        %dma_wait3A_269 = arith.constant 0 : i32
        %dma_wait3A_270 = tpu.memref_slice %arg7[%add3A_88, %dma_wait3A_269] : memref<80x128xi32, #tpu.memory_space<vmem>> -> memref<1x128xi32, #tpu.memory_space<vmem>>
        %dma_wait3A_271 = tpu.memref_squeeze %dma_wait3A_270 : memref<1x128xi32, #tpu.memory_space<vmem>> -> memref<128xi32, #tpu.memory_space<vmem>>
        %dma_wait3A_272 = arith.constant 0 : i32
        %dma_wait3A_273 = arith.constant 0 : i32
        %dma_wait3A_274 = tpu.memref_slice %arg11[%dma_wait3A_272, %dma_wait3A_273] : memref<10000x16xf32, #tpu.memory_space<vmem_shared>> -> memref<10000x16xf32, #tpu.memory_space<vmem_shared>>
        tpu.wait_indirect_dma semaphore(%arg12 : memref<!tpu.dma_semaphore, #tpu.memory_space<semaphore_mem>>) src(%dma_wait3A_274 : memref<10000x16xf32, #tpu.memory_space<vmem_shared>>) dst(%dma_wait3A_268 : memref<128x16xf32, #tpu.memory_space<vmem>>)
        %dma_wait3A_275 = arith.constant 128 : i32
        %dma_wait3A_276 = arith.constant 0 : i32
        %dma_wait3A_277 = tpu.memref_slice %arg10[%dma_wait3A_275, %dma_wait3A_276] : memref<1024x16xf32, #tpu.memory_space<vmem>> -> memref<128x16xf32, #tpu.memory_space<vmem>>
        %dma_wait3A_278 = arith.constant 0 : i32
        %dma_wait3A_279 = tpu.memref_slice %arg8[%add3A_88, %dma_wait3A_278] : memref<80x128xi32, #tpu.memory_space<vmem>> -> memref<1x128xi32, #tpu.memory_space<vmem>>
        %dma_wait3A_280 = tpu.memref_squeeze %dma_wait3A_279 : memref<1x128xi32, #tpu.memory_space<vmem>> -> memref<128xi32, #tpu.memory_space<vmem>>
        %dma_wait3A_281 = arith.constant 0 : i32
        %dma_wait3A_282 = arith.constant 0 : i32
        %dma_wait3A_283 = tpu.memref_slice %arg11[%dma_wait3A_281, %dma_wait3A_282] : memref<10000x16xf32, #tpu.memory_space<vmem_shared>> -> memref<10000x16xf32, #tpu.memory_space<vmem_shared>>
        tpu.wait_indirect_dma semaphore(%arg13 : memref<!tpu.dma_semaphore, #tpu.memory_space<semaphore_mem>>) src(%dma_wait3A_283 : memref<10000x16xf32, #tpu.memory_space<vmem_shared>>) dst(%dma_wait3A_277 : memref<128x16xf32, #tpu.memory_space<vmem>>)
        %dma_wait3A_284 = arith.constant 256 : i32
        %dma_wait3A_285 = arith.constant 0 : i32
        %dma_wait3A_286 = tpu.memref_slice %arg9[%dma_wait3A_284, %dma_wait3A_285] : memref<1024x16xf32, #tpu.memory_space<vmem>> -> memref<128x16xf32, #tpu.memory_space<vmem>>
        %dma_wait3A_287 = arith.constant 0 : i32
        %dma_wait3A_288 = tpu.memref_slice %arg7[%add3A_110, %dma_wait3A_287] : memref<80x128xi32, #tpu.memory_space<vmem>> -> memref<1x128xi32, #tpu.memory_space<vmem>>
        %dma_wait3A_289 = tpu.memref_squeeze %dma_wait3A_288 : memref<1x128xi32, #tpu.memory_space<vmem>> -> memref<128xi32, #tpu.memory_space<vmem>>
        %dma_wait3A_290 = arith.constant 0 : i32
        %dma_wait3A_291 = arith.constant 0 : i32
        %dma_wait3A_292 = tpu.memref_slice %arg11[%dma_wait3A_290, %dma_wait3A_291] : memref<10000x16xf32, #tpu.memory_space<vmem_shared>> -> memref<10000x16xf32, #tpu.memory_space<vmem_shared>>
        tpu.wait_indirect_dma semaphore(%arg12 : memref<!tpu.dma_semaphore, #tpu.memory_space<semaphore_mem>>) src(%dma_wait3A_292 : memref<10000x16xf32, #tpu.memory_space<vmem_shared>>) dst(%dma_wait3A_286 : memref<128x16xf32, #tpu.memory_space<vmem>>)
        %dma_wait3A_293 = arith.constant 256 : i32
        %dma_wait3A_294 = arith.constant 0 : i32
        %dma_wait3A_295 = tpu.memref_slice %arg10[%dma_wait3A_293, %dma_wait3A_294] : memref<1024x16xf32, #tpu.memory_space<vmem>> -> memref<128x16xf32, #tpu.memory_space<vmem>>
        %dma_wait3A_296 = arith.constant 0 : i32
        %dma_wait3A_297 = tpu.memref_slice %arg8[%add3A_110, %dma_wait3A_296] : memref<80x128xi32, #tpu.memory_space<vmem>> -> memref<1x128xi32, #tpu.memory_space<vmem>>
        %dma_wait3A_298 = tpu.memref_squeeze %dma_wait3A_297 : memref<1x128xi32, #tpu.memory_space<vmem>> -> memref<128xi32, #tpu.memory_space<vmem>>
        %dma_wait3A_299 = arith.constant 0 : i32
        %dma_wait3A_300 = arith.constant 0 : i32
        %dma_wait3A_301 = tpu.memref_slice %arg11[%dma_wait3A_299, %dma_wait3A_300] : memref<10000x16xf32, #tpu.memory_space<vmem_shared>> -> memref<10000x16xf32, #tpu.memory_space<vmem_shared>>
        tpu.wait_indirect_dma semaphore(%arg13 : memref<!tpu.dma_semaphore, #tpu.memory_space<semaphore_mem>>) src(%dma_wait3A_301 : memref<10000x16xf32, #tpu.memory_space<vmem_shared>>) dst(%dma_wait3A_295 : memref<128x16xf32, #tpu.memory_space<vmem>>)
        %dma_wait3A_302 = arith.constant 384 : i32
        %dma_wait3A_303 = arith.constant 0 : i32
        %dma_wait3A_304 = tpu.memref_slice %arg9[%dma_wait3A_302, %dma_wait3A_303] : memref<1024x16xf32, #tpu.memory_space<vmem>> -> memref<128x16xf32, #tpu.memory_space<vmem>>
        %dma_wait3A_305 = arith.constant 0 : i32
        %dma_wait3A_306 = tpu.memref_slice %arg7[%add3A_132, %dma_wait3A_305] : memref<80x128xi32, #tpu.memory_space<vmem>> -> memref<1x128xi32, #tpu.memory_space<vmem>>
        %dma_wait3A_307 = tpu.memref_squeeze %dma_wait3A_306 : memref<1x128xi32, #tpu.memory_space<vmem>> -> memref<128xi32, #tpu.memory_space<vmem>>
        %dma_wait3A_308 = arith.constant 0 : i32
        %dma_wait3A_309 = arith.constant 0 : i32
        %dma_wait3A_310 = tpu.memref_slice %arg11[%dma_wait3A_308, %dma_wait3A_309] : memref<10000x16xf32, #tpu.memory_space<vmem_shared>> -> memref<10000x16xf32, #tpu.memory_space<vmem_shared>>
        tpu.wait_indirect_dma semaphore(%arg12 : memref<!tpu.dma_semaphore, #tpu.memory_space<semaphore_mem>>) src(%dma_wait3A_310 : memref<10000x16xf32, #tpu.memory_space<vmem_shared>>) dst(%dma_wait3A_304 : memref<128x16xf32, #tpu.memory_space<vmem>>)
        %dma_wait3A_311 = arith.constant 384 : i32
        %dma_wait3A_312 = arith.constant 0 : i32
        %dma_wait3A_313 = tpu.memref_slice %arg10[%dma_wait3A_311, %dma_wait3A_312] : memref<1024x16xf32, #tpu.memory_space<vmem>> -> memref<128x16xf32, #tpu.memory_space<vmem>>
        %dma_wait3A_314 = arith.constant 0 : i32
        %dma_wait3A_315 = tpu.memref_slice %arg8[%add3A_132, %dma_wait3A_314] : memref<80x128xi32, #tpu.memory_space<vmem>> -> memref<1x128xi32, #tpu.memory_space<vmem>>
        %dma_wait3A_316 = tpu.memref_squeeze %dma_wait3A_315 : memref<1x128xi32, #tpu.memory_space<vmem>> -> memref<128xi32, #tpu.memory_space<vmem>>
        %dma_wait3A_317 = arith.constant 0 : i32
        %dma_wait3A_318 = arith.constant 0 : i32
        %dma_wait3A_319 = tpu.memref_slice %arg11[%dma_wait3A_317, %dma_wait3A_318] : memref<10000x16xf32, #tpu.memory_space<vmem_shared>> -> memref<10000x16xf32, #tpu.memory_space<vmem_shared>>
        tpu.wait_indirect_dma semaphore(%arg13 : memref<!tpu.dma_semaphore, #tpu.memory_space<semaphore_mem>>) src(%dma_wait3A_319 : memref<10000x16xf32, #tpu.memory_space<vmem_shared>>) dst(%dma_wait3A_313 : memref<128x16xf32, #tpu.memory_space<vmem>>)
        %mul3A_320 = arith.constant 2 : i32
        %mul3A_321 = arith.muli %mul3A_320, %scan3A_56 : i32
        %add3A_322 = arith.constant 0 : i32
        %add3A_323 = arith.addi %mul3A_321, %add3A_322 : i32
        %mul3A_324 = arith.constant 512 : i32
        %mul3A_325 = arith.muli %add3A_323, %mul3A_324 : i32
        %add3A_326 = arith.addi %mul3A_11, %mul3A_325 : i32
        %dma_start3A_327 = arith.constant 0 : i32
        %dma_start3A_328 = arith.constant 0 : i32
        %dma_start3A_329 = tpu.memref_slice %arg9[%dma_start3A_327, %dma_start3A_328] : memref<1024x16xf32, #tpu.memory_space<vmem>> -> memref<512x16xf32, #tpu.memory_space<vmem>>
        %dma_start3A_330 = arith.constant 0 : i32
        %dma_start3A_331 = tpu.memref_slice %arg5[%add3A_326, %dma_start3A_330] : memref<327680x16xf32, #tpu.memory_space<hbm>> -> memref<512x16xf32, #tpu.memory_space<hbm>>
        %dma_start3A_332 = arith.constant 0 : i32
        %dma_start3A_333 = tpu.memref_slice %arg5[%add3A_326, %dma_start3A_332] : memref<327680x16xf32, #tpu.memory_space<hbm>> -> memref<512x16xf32, #tpu.memory_space<hbm>>
        %dma_start3A_334 = arith.constant 0 : i32
        %dma_start3A_335 = arith.constant 0 : i32
        %dma_start3A_336 = tpu.memref_slice %arg9[%dma_start3A_334, %dma_start3A_335] : memref<1024x16xf32, #tpu.memory_space<vmem>> -> memref<512x16xf32, #tpu.memory_space<vmem>>
        tpu.enqueue_dma source(%dma_start3A_336 : memref<512x16xf32, #tpu.memory_space<vmem>>) target(%dma_start3A_333 : memref<512x16xf32, #tpu.memory_space<hbm>>) target_semaphore(%arg16 : memref<!tpu.dma_semaphore, #tpu.memory_space<semaphore_mem>>)
        %dma_start3A_337 = arith.constant 0 : i32
        %dma_start3A_338 = arith.constant 0 : i32
        %dma_start3A_339 = tpu.memref_slice %arg10[%dma_start3A_337, %dma_start3A_338] : memref<1024x16xf32, #tpu.memory_space<vmem>> -> memref<512x16xf32, #tpu.memory_space<vmem>>
        %dma_start3A_340 = arith.constant 0 : i32
        %dma_start3A_341 = tpu.memref_slice %arg6[%add3A_326, %dma_start3A_340] : memref<327680x16xf32, #tpu.memory_space<hbm>> -> memref<512x16xf32, #tpu.memory_space<hbm>>
        %dma_start3A_342 = arith.constant 0 : i32
        %dma_start3A_343 = tpu.memref_slice %arg6[%add3A_326, %dma_start3A_342] : memref<327680x16xf32, #tpu.memory_space<hbm>> -> memref<512x16xf32, #tpu.memory_space<hbm>>
        %dma_start3A_344 = arith.constant 0 : i32
        %dma_start3A_345 = arith.constant 0 : i32
        %dma_start3A_346 = tpu.memref_slice %arg10[%dma_start3A_344, %dma_start3A_345] : memref<1024x16xf32, #tpu.memory_space<vmem>> -> memref<512x16xf32, #tpu.memory_space<vmem>>
        tpu.enqueue_dma source(%dma_start3A_346 : memref<512x16xf32, #tpu.memory_space<vmem>>) target(%dma_start3A_343 : memref<512x16xf32, #tpu.memory_space<hbm>>) target_semaphore(%arg16 : memref<!tpu.dma_semaphore, #tpu.memory_space<semaphore_mem>>)
        %dma_wait3A_347 = arith.constant 512 : i32
        %dma_wait3A_348 = arith.constant 0 : i32
        %dma_wait3A_349 = tpu.memref_slice %arg9[%dma_wait3A_347, %dma_wait3A_348] : memref<1024x16xf32, #tpu.memory_space<vmem>> -> memref<128x16xf32, #tpu.memory_space<vmem>>
        %dma_wait3A_350 = arith.constant 0 : i32
        %dma_wait3A_351 = tpu.memref_slice %arg7[%add3A_163, %dma_wait3A_350] : memref<80x128xi32, #tpu.memory_space<vmem>> -> memref<1x128xi32, #tpu.memory_space<vmem>>
        %dma_wait3A_352 = tpu.memref_squeeze %dma_wait3A_351 : memref<1x128xi32, #tpu.memory_space<vmem>> -> memref<128xi32, #tpu.memory_space<vmem>>
        %dma_wait3A_353 = arith.constant 0 : i32
        %dma_wait3A_354 = arith.constant 0 : i32
        %dma_wait3A_355 = tpu.memref_slice %arg11[%dma_wait3A_353, %dma_wait3A_354] : memref<10000x16xf32, #tpu.memory_space<vmem_shared>> -> memref<10000x16xf32, #tpu.memory_space<vmem_shared>>
        tpu.wait_indirect_dma semaphore(%arg14 : memref<!tpu.dma_semaphore, #tpu.memory_space<semaphore_mem>>) src(%dma_wait3A_355 : memref<10000x16xf32, #tpu.memory_space<vmem_shared>>) dst(%dma_wait3A_349 : memref<128x16xf32, #tpu.memory_space<vmem>>)
        %dma_wait3A_356 = arith.constant 512 : i32
        %dma_wait3A_357 = arith.constant 0 : i32
        %dma_wait3A_358 = tpu.memref_slice %arg10[%dma_wait3A_356, %dma_wait3A_357] : memref<1024x16xf32, #tpu.memory_space<vmem>> -> memref<128x16xf32, #tpu.memory_space<vmem>>
        %dma_wait3A_359 = arith.constant 0 : i32
        %dma_wait3A_360 = tpu.memref_slice %arg8[%add3A_163, %dma_wait3A_359] : memref<80x128xi32, #tpu.memory_space<vmem>> -> memref<1x128xi32, #tpu.memory_space<vmem>>
        %dma_wait3A_361 = tpu.memref_squeeze %dma_wait3A_360 : memref<1x128xi32, #tpu.memory_space<vmem>> -> memref<128xi32, #tpu.memory_space<vmem>>
        %dma_wait3A_362 = arith.constant 0 : i32
        %dma_wait3A_363 = arith.constant 0 : i32
        %dma_wait3A_364 = tpu.memref_slice %arg11[%dma_wait3A_362, %dma_wait3A_363] : memref<10000x16xf32, #tpu.memory_space<vmem_shared>> -> memref<10000x16xf32, #tpu.memory_space<vmem_shared>>
        tpu.wait_indirect_dma semaphore(%arg15 : memref<!tpu.dma_semaphore, #tpu.memory_space<semaphore_mem>>) src(%dma_wait3A_364 : memref<10000x16xf32, #tpu.memory_space<vmem_shared>>) dst(%dma_wait3A_358 : memref<128x16xf32, #tpu.memory_space<vmem>>)
        %dma_wait3A_365 = arith.constant 640 : i32
        %dma_wait3A_366 = arith.constant 0 : i32
        %dma_wait3A_367 = tpu.memref_slice %arg9[%dma_wait3A_365, %dma_wait3A_366] : memref<1024x16xf32, #tpu.memory_space<vmem>> -> memref<128x16xf32, #tpu.memory_space<vmem>>
        %dma_wait3A_368 = arith.constant 0 : i32
        %dma_wait3A_369 = tpu.memref_slice %arg7[%add3A_185, %dma_wait3A_368] : memref<80x128xi32, #tpu.memory_space<vmem>> -> memref<1x128xi32, #tpu.memory_space<vmem>>
        %dma_wait3A_370 = tpu.memref_squeeze %dma_wait3A_369 : memref<1x128xi32, #tpu.memory_space<vmem>> -> memref<128xi32, #tpu.memory_space<vmem>>
        %dma_wait3A_371 = arith.constant 0 : i32
        %dma_wait3A_372 = arith.constant 0 : i32
        %dma_wait3A_373 = tpu.memref_slice %arg11[%dma_wait3A_371, %dma_wait3A_372] : memref<10000x16xf32, #tpu.memory_space<vmem_shared>> -> memref<10000x16xf32, #tpu.memory_space<vmem_shared>>
        tpu.wait_indirect_dma semaphore(%arg14 : memref<!tpu.dma_semaphore, #tpu.memory_space<semaphore_mem>>) src(%dma_wait3A_373 : memref<10000x16xf32, #tpu.memory_space<vmem_shared>>) dst(%dma_wait3A_367 : memref<128x16xf32, #tpu.memory_space<vmem>>)
        %dma_wait3A_374 = arith.constant 640 : i32
        %dma_wait3A_375 = arith.constant 0 : i32
        %dma_wait3A_376 = tpu.memref_slice %arg10[%dma_wait3A_374, %dma_wait3A_375] : memref<1024x16xf32, #tpu.memory_space<vmem>> -> memref<128x16xf32, #tpu.memory_space<vmem>>
        %dma_wait3A_377 = arith.constant 0 : i32
        %dma_wait3A_378 = tpu.memref_slice %arg8[%add3A_185, %dma_wait3A_377] : memref<80x128xi32, #tpu.memory_space<vmem>> -> memref<1x128xi32, #tpu.memory_space<vmem>>
        %dma_wait3A_379 = tpu.memref_squeeze %dma_wait3A_378 : memref<1x128xi32, #tpu.memory_space<vmem>> -> memref<128xi32, #tpu.memory_space<vmem>>
        %dma_wait3A_380 = arith.constant 0 : i32
        %dma_wait3A_381 = arith.constant 0 : i32
        %dma_wait3A_382 = tpu.memref_slice %arg11[%dma_wait3A_380, %dma_wait3A_381] : memref<10000x16xf32, #tpu.memory_space<vmem_shared>> -> memref<10000x16xf32, #tpu.memory_space<vmem_shared>>
        tpu.wait_indirect_dma semaphore(%arg15 : memref<!tpu.dma_semaphore, #tpu.memory_space<semaphore_mem>>) src(%dma_wait3A_382 : memref<10000x16xf32, #tpu.memory_space<vmem_shared>>) dst(%dma_wait3A_376 : memref<128x16xf32, #tpu.memory_space<vmem>>)
        %dma_wait3A_383 = arith.constant 768 : i32
        %dma_wait3A_384 = arith.constant 0 : i32
        %dma_wait3A_385 = tpu.memref_slice %arg9[%dma_wait3A_383, %dma_wait3A_384] : memref<1024x16xf32, #tpu.memory_space<vmem>> -> memref<128x16xf32, #tpu.memory_space<vmem>>
        %dma_wait3A_386 = arith.constant 0 : i32
        %dma_wait3A_387 = tpu.memref_slice %arg7[%add3A_207, %dma_wait3A_386] : memref<80x128xi32, #tpu.memory_space<vmem>> -> memref<1x128xi32, #tpu.memory_space<vmem>>
        %dma_wait3A_388 = tpu.memref_squeeze %dma_wait3A_387 : memref<1x128xi32, #tpu.memory_space<vmem>> -> memref<128xi32, #tpu.memory_space<vmem>>
        %dma_wait3A_389 = arith.constant 0 : i32
        %dma_wait3A_390 = arith.constant 0 : i32
        %dma_wait3A_391 = tpu.memref_slice %arg11[%dma_wait3A_389, %dma_wait3A_390] : memref<10000x16xf32, #tpu.memory_space<vmem_shared>> -> memref<10000x16xf32, #tpu.memory_space<vmem_shared>>
        tpu.wait_indirect_dma semaphore(%arg14 : memref<!tpu.dma_semaphore, #tpu.memory_space<semaphore_mem>>) src(%dma_wait3A_391 : memref<10000x16xf32, #tpu.memory_space<vmem_shared>>) dst(%dma_wait3A_385 : memref<128x16xf32, #tpu.memory_space<vmem>>)
        %dma_wait3A_392 = arith.constant 768 : i32
        %dma_wait3A_393 = arith.constant 0 : i32
        %dma_wait3A_394 = tpu.memref_slice %arg10[%dma_wait3A_392, %dma_wait3A_393] : memref<1024x16xf32, #tpu.memory_space<vmem>> -> memref<128x16xf32, #tpu.memory_space<vmem>>
        %dma_wait3A_395 = arith.constant 0 : i32
        %dma_wait3A_396 = tpu.memref_slice %arg8[%add3A_207, %dma_wait3A_395] : memref<80x128xi32, #tpu.memory_space<vmem>> -> memref<1x128xi32, #tpu.memory_space<vmem>>
        %dma_wait3A_397 = tpu.memref_squeeze %dma_wait3A_396 : memref<1x128xi32, #tpu.memory_space<vmem>> -> memref<128xi32, #tpu.memory_space<vmem>>
        %dma_wait3A_398 = arith.constant 0 : i32
        %dma_wait3A_399 = arith.constant 0 : i32
        %dma_wait3A_400 = tpu.memref_slice %arg11[%dma_wait3A_398, %dma_wait3A_399] : memref<10000x16xf32, #tpu.memory_space<vmem_shared>> -> memref<10000x16xf32, #tpu.memory_space<vmem_shared>>
        tpu.wait_indirect_dma semaphore(%arg15 : memref<!tpu.dma_semaphore, #tpu.memory_space<semaphore_mem>>) src(%dma_wait3A_400 : memref<10000x16xf32, #tpu.memory_space<vmem_shared>>) dst(%dma_wait3A_394 : memref<128x16xf32, #tpu.memory_space<vmem>>)
        %dma_wait3A_401 = arith.constant 896 : i32
        %dma_wait3A_402 = arith.constant 0 : i32
        %dma_wait3A_403 = tpu.memref_slice %arg9[%dma_wait3A_401, %dma_wait3A_402] : memref<1024x16xf32, #tpu.memory_space<vmem>> -> memref<128x16xf32, #tpu.memory_space<vmem>>
        %dma_wait3A_404 = arith.constant 0 : i32
        %dma_wait3A_405 = tpu.memref_slice %arg7[%add3A_229, %dma_wait3A_404] : memref<80x128xi32, #tpu.memory_space<vmem>> -> memref<1x128xi32, #tpu.memory_space<vmem>>
        %dma_wait3A_406 = tpu.memref_squeeze %dma_wait3A_405 : memref<1x128xi32, #tpu.memory_space<vmem>> -> memref<128xi32, #tpu.memory_space<vmem>>
        %dma_wait3A_407 = arith.constant 0 : i32
        %dma_wait3A_408 = arith.constant 0 : i32
        %dma_wait3A_409 = tpu.memref_slice %arg11[%dma_wait3A_407, %dma_wait3A_408] : memref<10000x16xf32, #tpu.memory_space<vmem_shared>> -> memref<10000x16xf32, #tpu.memory_space<vmem_shared>>
        tpu.wait_indirect_dma semaphore(%arg14 : memref<!tpu.dma_semaphore, #tpu.memory_space<semaphore_mem>>) src(%dma_wait3A_409 : memref<10000x16xf32, #tpu.memory_space<vmem_shared>>) dst(%dma_wait3A_403 : memref<128x16xf32, #tpu.memory_space<vmem>>)
        %dma_wait3A_410 = arith.constant 896 : i32
        %dma_wait3A_411 = arith.constant 0 : i32
        %dma_wait3A_412 = tpu.memref_slice %arg10[%dma_wait3A_410, %dma_wait3A_411] : memref<1024x16xf32, #tpu.memory_space<vmem>> -> memref<128x16xf32, #tpu.memory_space<vmem>>
        %dma_wait3A_413 = arith.constant 0 : i32
        %dma_wait3A_414 = tpu.memref_slice %arg8[%add3A_229, %dma_wait3A_413] : memref<80x128xi32, #tpu.memory_space<vmem>> -> memref<1x128xi32, #tpu.memory_space<vmem>>
        %dma_wait3A_415 = tpu.memref_squeeze %dma_wait3A_414 : memref<1x128xi32, #tpu.memory_space<vmem>> -> memref<128xi32, #tpu.memory_space<vmem>>
        %dma_wait3A_416 = arith.constant 0 : i32
        %dma_wait3A_417 = arith.constant 0 : i32
        %dma_wait3A_418 = tpu.memref_slice %arg11[%dma_wait3A_416, %dma_wait3A_417] : memref<10000x16xf32, #tpu.memory_space<vmem_shared>> -> memref<10000x16xf32, #tpu.memory_space<vmem_shared>>
        tpu.wait_indirect_dma semaphore(%arg15 : memref<!tpu.dma_semaphore, #tpu.memory_space<semaphore_mem>>) src(%dma_wait3A_418 : memref<10000x16xf32, #tpu.memory_space<vmem_shared>>) dst(%dma_wait3A_412 : memref<128x16xf32, #tpu.memory_space<vmem>>)
        %mul3A_419 = arith.constant 2 : i32
        %mul3A_420 = arith.muli %mul3A_419, %scan3A_56 : i32
        %add3A_421 = arith.constant 1 : i32
        %add3A_422 = arith.addi %mul3A_420, %add3A_421 : i32
        %mul3A_423 = arith.constant 512 : i32
        %mul3A_424 = arith.muli %add3A_422, %mul3A_423 : i32
        %add3A_425 = arith.addi %mul3A_11, %mul3A_424 : i32
        %dma_start3A_426 = arith.constant 512 : i32
        %dma_start3A_427 = arith.constant 0 : i32
        %dma_start3A_428 = tpu.memref_slice %arg9[%dma_start3A_426, %dma_start3A_427] : memref<1024x16xf32, #tpu.memory_space<vmem>> -> memref<512x16xf32, #tpu.memory_space<vmem>>
        %dma_start3A_429 = arith.constant 0 : i32
        %dma_start3A_430 = tpu.memref_slice %arg5[%add3A_425, %dma_start3A_429] : memref<327680x16xf32, #tpu.memory_space<hbm>> -> memref<512x16xf32, #tpu.memory_space<hbm>>
        %dma_start3A_431 = arith.constant 0 : i32
        %dma_start3A_432 = tpu.memref_slice %arg5[%add3A_425, %dma_start3A_431] : memref<327680x16xf32, #tpu.memory_space<hbm>> -> memref<512x16xf32, #tpu.memory_space<hbm>>
        %dma_start3A_433 = arith.constant 512 : i32
        %dma_start3A_434 = arith.constant 0 : i32
        %dma_start3A_435 = tpu.memref_slice %arg9[%dma_start3A_433, %dma_start3A_434] : memref<1024x16xf32, #tpu.memory_space<vmem>> -> memref<512x16xf32, #tpu.memory_space<vmem>>
        tpu.enqueue_dma source(%dma_start3A_435 : memref<512x16xf32, #tpu.memory_space<vmem>>) target(%dma_start3A_432 : memref<512x16xf32, #tpu.memory_space<hbm>>) target_semaphore(%arg17 : memref<!tpu.dma_semaphore, #tpu.memory_space<semaphore_mem>>)
        %dma_start3A_436 = arith.constant 512 : i32
        %dma_start3A_437 = arith.constant 0 : i32
        %dma_start3A_438 = tpu.memref_slice %arg10[%dma_start3A_436, %dma_start3A_437] : memref<1024x16xf32, #tpu.memory_space<vmem>> -> memref<512x16xf32, #tpu.memory_space<vmem>>
        %dma_start3A_439 = arith.constant 0 : i32
        %dma_start3A_440 = tpu.memref_slice %arg6[%add3A_425, %dma_start3A_439] : memref<327680x16xf32, #tpu.memory_space<hbm>> -> memref<512x16xf32, #tpu.memory_space<hbm>>
        %dma_start3A_441 = arith.constant 0 : i32
        %dma_start3A_442 = tpu.memref_slice %arg6[%add3A_425, %dma_start3A_441] : memref<327680x16xf32, #tpu.memory_space<hbm>> -> memref<512x16xf32, #tpu.memory_space<hbm>>
        %dma_start3A_443 = arith.constant 512 : i32
        %dma_start3A_444 = arith.constant 0 : i32
        %dma_start3A_445 = tpu.memref_slice %arg10[%dma_start3A_443, %dma_start3A_444] : memref<1024x16xf32, #tpu.memory_space<vmem>> -> memref<512x16xf32, #tpu.memory_space<vmem>>
        tpu.enqueue_dma source(%dma_start3A_445 : memref<512x16xf32, #tpu.memory_space<vmem>>) target(%dma_start3A_442 : memref<512x16xf32, #tpu.memory_space<hbm>>) target_semaphore(%arg17 : memref<!tpu.dma_semaphore, #tpu.memory_space<semaphore_mem>>)
      }
      %scan3A_16 = arith.constant 10 : i32
      %dma_wait3A = arith.constant 0 : i32
      %dma_wait3A_17 = arith.constant 0 : i32
      %dma_wait3A_18 = tpu.memref_slice %arg9[%dma_wait3A, %dma_wait3A_17] : memref<1024x16xf32, #tpu.memory_space<vmem>> -> memref<512x16xf32, #tpu.memory_space<vmem>>
      %dma_wait3A_19 = arith.constant 0 : i32
      %dma_wait3A_20 = tpu.memref_slice %arg5[%mul3A_11, %dma_wait3A_19] : memref<327680x16xf32, #tpu.memory_space<hbm>> -> memref<512x16xf32, #tpu.memory_space<hbm>>
      %dma_wait3A_21 = arith.constant 0 : i32
      %dma_wait3A_22 = tpu.memref_slice %arg5[%mul3A_11, %dma_wait3A_21] : memref<327680x16xf32, #tpu.memory_space<hbm>> -> memref<512x16xf32, #tpu.memory_space<hbm>>
      %dma_wait3A_23 = arith.constant 0 : i32
      %dma_wait3A_24 = arith.constant 0 : i32
      %dma_wait3A_25 = tpu.memref_slice %arg9[%dma_wait3A_23, %dma_wait3A_24] : memref<1024x16xf32, #tpu.memory_space<vmem>> -> memref<512x16xf32, #tpu.memory_space<vmem>>
      tpu.wait_dma2 semaphore(%arg16 : memref<!tpu.dma_semaphore, #tpu.memory_space<semaphore_mem>>) src(%dma_wait3A_25 : memref<512x16xf32, #tpu.memory_space<vmem>>) dst(%dma_wait3A_22 : memref<512x16xf32, #tpu.memory_space<hbm>>)
      %dma_wait3A_26 = arith.constant 0 : i32
      %dma_wait3A_27 = arith.constant 0 : i32
      %dma_wait3A_28 = tpu.memref_slice %arg10[%dma_wait3A_26, %dma_wait3A_27] : memref<1024x16xf32, #tpu.memory_space<vmem>> -> memref<512x16xf32, #tpu.memory_space<vmem>>
      %dma_wait3A_29 = arith.constant 0 : i32
      %dma_wait3A_30 = tpu.memref_slice %arg6[%mul3A_11, %dma_wait3A_29] : memref<327680x16xf32, #tpu.memory_space<hbm>> -> memref<512x16xf32, #tpu.memory_space<hbm>>
      %dma_wait3A_31 = arith.constant 0 : i32
      %dma_wait3A_32 = tpu.memref_slice %arg6[%mul3A_11, %dma_wait3A_31] : memref<327680x16xf32, #tpu.memory_space<hbm>> -> memref<512x16xf32, #tpu.memory_space<hbm>>
      %dma_wait3A_33 = arith.constant 0 : i32
      %dma_wait3A_34 = arith.constant 0 : i32
      %dma_wait3A_35 = tpu.memref_slice %arg10[%dma_wait3A_33, %dma_wait3A_34] : memref<1024x16xf32, #tpu.memory_space<vmem>> -> memref<512x16xf32, #tpu.memory_space<vmem>>
      tpu.wait_dma2 semaphore(%arg16 : memref<!tpu.dma_semaphore, #tpu.memory_space<semaphore_mem>>) src(%dma_wait3A_35 : memref<512x16xf32, #tpu.memory_space<vmem>>) dst(%dma_wait3A_32 : memref<512x16xf32, #tpu.memory_space<hbm>>)
      %dma_wait3A_36 = arith.constant 512 : i32
      %dma_wait3A_37 = arith.constant 0 : i32
      %dma_wait3A_38 = tpu.memref_slice %arg9[%dma_wait3A_36, %dma_wait3A_37] : memref<1024x16xf32, #tpu.memory_space<vmem>> -> memref<512x16xf32, #tpu.memory_space<vmem>>
      %dma_wait3A_39 = arith.constant 0 : i32
      %dma_wait3A_40 = tpu.memref_slice %arg5[%mul3A_11, %dma_wait3A_39] : memref<327680x16xf32, #tpu.memory_space<hbm>> -> memref<512x16xf32, #tpu.memory_space<hbm>>
      %dma_wait3A_41 = arith.constant 0 : i32
      %dma_wait3A_42 = tpu.memref_slice %arg5[%mul3A_11, %dma_wait3A_41] : memref<327680x16xf32, #tpu.memory_space<hbm>> -> memref<512x16xf32, #tpu.memory_space<hbm>>
      %dma_wait3A_43 = arith.constant 512 : i32
      %dma_wait3A_44 = arith.constant 0 : i32
      %dma_wait3A_45 = tpu.memref_slice %arg9[%dma_wait3A_43, %dma_wait3A_44] : memref<1024x16xf32, #tpu.memory_space<vmem>> -> memref<512x16xf32, #tpu.memory_space<vmem>>
      tpu.wait_dma2 semaphore(%arg17 : memref<!tpu.dma_semaphore, #tpu.memory_space<semaphore_mem>>) src(%dma_wait3A_45 : memref<512x16xf32, #tpu.memory_space<vmem>>) dst(%dma_wait3A_42 : memref<512x16xf32, #tpu.memory_space<hbm>>)
      %dma_wait3A_46 = arith.constant 512 : i32
      %dma_wait3A_47 = arith.constant 0 : i32
      %dma_wait3A_48 = tpu.memref_slice %arg10[%dma_wait3A_46, %dma_wait3A_47] : memref<1024x16xf32, #tpu.memory_space<vmem>> -> memref<512x16xf32, #tpu.memory_space<vmem>>
      %dma_wait3A_49 = arith.constant 0 : i32
      %dma_wait3A_50 = tpu.memref_slice %arg6[%mul3A_11, %dma_wait3A_49] : memref<327680x16xf32, #tpu.memory_space<hbm>> -> memref<512x16xf32, #tpu.memory_space<hbm>>
      %dma_wait3A_51 = arith.constant 0 : i32
      %dma_wait3A_52 = tpu.memref_slice %arg6[%mul3A_11, %dma_wait3A_51] : memref<327680x16xf32, #tpu.memory_space<hbm>> -> memref<512x16xf32, #tpu.memory_space<hbm>>
      %dma_wait3A_53 = arith.constant 512 : i32
      %dma_wait3A_54 = arith.constant 0 : i32
      %dma_wait3A_55 = tpu.memref_slice %arg10[%dma_wait3A_53, %dma_wait3A_54] : memref<1024x16xf32, #tpu.memory_space<vmem>> -> memref<512x16xf32, #tpu.memory_space<vmem>>
      tpu.wait_dma2 semaphore(%arg17 : memref<!tpu.dma_semaphore, #tpu.memory_space<semaphore_mem>>) src(%dma_wait3A_55 : memref<512x16xf32, #tpu.memory_space<vmem>>) dst(%dma_wait3A_52 : memref<512x16xf32, #tpu.memory_space<hbm>>)
    } else {
    }
    %eq3A_3 = arith.constant 1 : i32
    %eq3A_4 = arith.cmpi eq, %arg0, %eq3A_3 : i32
    %convert_element_type3A_5 = arith.extui %eq3A_4 : i1 to i32
    %cond3A_6 = arith.constant 0 : i32
    %cond3A_7 = arith.cmpi ne, %convert_element_type3A_5, %cond3A_6 : i32
    scf.if %cond3A_7 {
      %mul3A_8 = arith.constant 80 : i32
      %mul3A_9 = arith.muli %arg1, %mul3A_8 : i32
      %add3A = arith.constant 1280 : i32
      %add3A_10 = arith.addi %add3A, %mul3A_9 : i32
      "tpu.region"() ({
        %run_scoped3A = tpu.sem_alloc : memref<!tpu.dma_semaphore, #tpu.memory_space<semaphore_mem>>
        %dma_start3A = arith.constant 0 : i32
        %dma_start3A_57 = arith.constant 0 : i32
        %dma_start3A_58 = tpu.memref_slice %arg7[%dma_start3A, %dma_start3A_57] : memref<80x128xi32, #tpu.memory_space<vmem>> -> memref<80x128xi32, #tpu.memory_space<vmem>>
        %dma_start3A_59 = arith.constant 0 : i32
        %dma_start3A_60 = tpu.memref_slice %arg3[%add3A_10, %dma_start3A_59] : memref<2560x128xi32, #tpu.memory_space<hbm>> -> memref<80x128xi32, #tpu.memory_space<hbm>>
        %dma_start3A_61 = arith.constant 0 : i32
        %dma_start3A_62 = arith.constant 0 : i32
        %dma_start3A_63 = tpu.memref_slice %arg7[%dma_start3A_61, %dma_start3A_62] : memref<80x128xi32, #tpu.memory_space<vmem>> -> memref<80x128xi32, #tpu.memory_space<vmem>>
        %dma_start3A_64 = arith.constant 0 : i32
        %dma_start3A_65 = tpu.memref_slice %arg3[%add3A_10, %dma_start3A_64] : memref<2560x128xi32, #tpu.memory_space<hbm>> -> memref<80x128xi32, #tpu.memory_space<hbm>>
        tpu.enqueue_dma source(%dma_start3A_65 : memref<80x128xi32, #tpu.memory_space<hbm>>) target(%dma_start3A_63 : memref<80x128xi32, #tpu.memory_space<vmem>>) target_semaphore(%run_scoped3A : memref<!tpu.dma_semaphore, #tpu.memory_space<semaphore_mem>>)
        %dma_wait3A_66 = arith.constant 0 : i32
        %dma_wait3A_67 = arith.constant 0 : i32
        %dma_wait3A_68 = tpu.memref_slice %arg7[%dma_wait3A_66, %dma_wait3A_67] : memref<80x128xi32, #tpu.memory_space<vmem>> -> memref<80x128xi32, #tpu.memory_space<vmem>>
        %dma_wait3A_69 = arith.constant 0 : i32
        %dma_wait3A_70 = tpu.memref_slice %arg3[%add3A_10, %dma_wait3A_69] : memref<2560x128xi32, #tpu.memory_space<hbm>> -> memref<80x128xi32, #tpu.memory_space<hbm>>
        %dma_wait3A_71 = arith.constant 0 : i32
        %dma_wait3A_72 = arith.constant 0 : i32
        %dma_wait3A_73 = tpu.memref_slice %arg7[%dma_wait3A_71, %dma_wait3A_72] : memref<80x128xi32, #tpu.memory_space<vmem>> -> memref<80x128xi32, #tpu.memory_space<vmem>>
        %dma_wait3A_74 = arith.constant 0 : i32
        %dma_wait3A_75 = tpu.memref_slice %arg3[%add3A_10, %dma_wait3A_74] : memref<2560x128xi32, #tpu.memory_space<hbm>> -> memref<80x128xi32, #tpu.memory_space<hbm>>
        tpu.wait_dma2 semaphore(%run_scoped3A : memref<!tpu.dma_semaphore, #tpu.memory_space<semaphore_mem>>) src(%dma_wait3A_75 : memref<80x128xi32, #tpu.memory_space<hbm>>) dst(%dma_wait3A_73 : memref<80x128xi32, #tpu.memory_space<vmem>>)
        tpu.yield
      }) : () -> ()
      "tpu.region"() ({
        %run_scoped3A = tpu.sem_alloc : memref<!tpu.dma_semaphore, #tpu.memory_space<semaphore_mem>>
        %dma_start3A = arith.constant 0 : i32
        %dma_start3A_57 = arith.constant 0 : i32
        %dma_start3A_58 = tpu.memref_slice %arg8[%dma_start3A, %dma_start3A_57] : memref<80x128xi32, #tpu.memory_space<vmem>> -> memref<80x128xi32, #tpu.memory_space<vmem>>
        %dma_start3A_59 = arith.constant 0 : i32
        %dma_start3A_60 = tpu.memref_slice %arg4[%add3A_10, %dma_start3A_59] : memref<2560x128xi32, #tpu.memory_space<hbm>> -> memref<80x128xi32, #tpu.memory_space<hbm>>
        %dma_start3A_61 = arith.constant 0 : i32
        %dma_start3A_62 = arith.constant 0 : i32
        %dma_start3A_63 = tpu.memref_slice %arg8[%dma_start3A_61, %dma_start3A_62] : memref<80x128xi32, #tpu.memory_space<vmem>> -> memref<80x128xi32, #tpu.memory_space<vmem>>
        %dma_start3A_64 = arith.constant 0 : i32
        %dma_start3A_65 = tpu.memref_slice %arg4[%add3A_10, %dma_start3A_64] : memref<2560x128xi32, #tpu.memory_space<hbm>> -> memref<80x128xi32, #tpu.memory_space<hbm>>
        tpu.enqueue_dma source(%dma_start3A_65 : memref<80x128xi32, #tpu.memory_space<hbm>>) target(%dma_start3A_63 : memref<80x128xi32, #tpu.memory_space<vmem>>) target_semaphore(%run_scoped3A : memref<!tpu.dma_semaphore, #tpu.memory_space<semaphore_mem>>)
        %dma_wait3A_66 = arith.constant 0 : i32
        %dma_wait3A_67 = arith.constant 0 : i32
        %dma_wait3A_68 = tpu.memref_slice %arg8[%dma_wait3A_66, %dma_wait3A_67] : memref<80x128xi32, #tpu.memory_space<vmem>> -> memref<80x128xi32, #tpu.memory_space<vmem>>
        %dma_wait3A_69 = arith.constant 0 : i32
        %dma_wait3A_70 = tpu.memref_slice %arg4[%add3A_10, %dma_wait3A_69] : memref<2560x128xi32, #tpu.memory_space<hbm>> -> memref<80x128xi32, #tpu.memory_space<hbm>>
        %dma_wait3A_71 = arith.constant 0 : i32
        %dma_wait3A_72 = arith.constant 0 : i32
        %dma_wait3A_73 = tpu.memref_slice %arg8[%dma_wait3A_71, %dma_wait3A_72] : memref<80x128xi32, #tpu.memory_space<vmem>> -> memref<80x128xi32, #tpu.memory_space<vmem>>
        %dma_wait3A_74 = arith.constant 0 : i32
        %dma_wait3A_75 = tpu.memref_slice %arg4[%add3A_10, %dma_wait3A_74] : memref<2560x128xi32, #tpu.memory_space<hbm>> -> memref<80x128xi32, #tpu.memory_space<hbm>>
        tpu.wait_dma2 semaphore(%run_scoped3A : memref<!tpu.dma_semaphore, #tpu.memory_space<semaphore_mem>>) src(%dma_wait3A_75 : memref<80x128xi32, #tpu.memory_space<hbm>>) dst(%dma_wait3A_73 : memref<80x128xi32, #tpu.memory_space<vmem>>)
        tpu.yield
      }) : () -> ()
      %mul3A_11 = arith.constant 128 : i32
      %mul3A_12 = arith.muli %add3A_10, %mul3A_11 : i32
      %scan3A = arith.constant 0 : i32
      %scan3A_13 = arith.constant 0 : i32
      %scan3A_14 = arith.constant 10 : i32
      %scan3A_15 = arith.addi %scan3A_13, %scan3A_14 : i32
      %scan3A_16 = arith.constant 1 : i32
      scf.for %scan3A_57 = %scan3A_13 to %scan3A_15 step %scan3A_16  : i32 {
        %gt3A = arith.constant 0 : i32
        %gt3A_58 = arith.cmpi sgt, %scan3A_57, %gt3A : i32
        %convert_element_type3A_59 = arith.extui %gt3A_58 : i1 to i32
        %cond3A_60 = arith.constant 0 : i32
        %cond3A_61 = arith.cmpi ne, %convert_element_type3A_59, %cond3A_60 : i32
        scf.if %cond3A_61 {
          %dma_wait3A_448 = arith.constant 0 : i32
          %dma_wait3A_449 = arith.constant 0 : i32
          %dma_wait3A_450 = tpu.memref_slice %arg9[%dma_wait3A_448, %dma_wait3A_449] : memref<1024x16xf32, #tpu.memory_space<vmem>> -> memref<512x16xf32, #tpu.memory_space<vmem>>
          %dma_wait3A_451 = arith.constant 0 : i32
          %dma_wait3A_452 = tpu.memref_slice %arg5[%mul3A_12, %dma_wait3A_451] : memref<327680x16xf32, #tpu.memory_space<hbm>> -> memref<512x16xf32, #tpu.memory_space<hbm>>
          %dma_wait3A_453 = arith.constant 0 : i32
          %dma_wait3A_454 = tpu.memref_slice %arg5[%mul3A_12, %dma_wait3A_453] : memref<327680x16xf32, #tpu.memory_space<hbm>> -> memref<512x16xf32, #tpu.memory_space<hbm>>
          %dma_wait3A_455 = arith.constant 0 : i32
          %dma_wait3A_456 = arith.constant 0 : i32
          %dma_wait3A_457 = tpu.memref_slice %arg9[%dma_wait3A_455, %dma_wait3A_456] : memref<1024x16xf32, #tpu.memory_space<vmem>> -> memref<512x16xf32, #tpu.memory_space<vmem>>
          tpu.wait_dma2 semaphore(%arg16 : memref<!tpu.dma_semaphore, #tpu.memory_space<semaphore_mem>>) src(%dma_wait3A_457 : memref<512x16xf32, #tpu.memory_space<vmem>>) dst(%dma_wait3A_454 : memref<512x16xf32, #tpu.memory_space<hbm>>)
          %dma_wait3A_458 = arith.constant 0 : i32
          %dma_wait3A_459 = arith.constant 0 : i32
          %dma_wait3A_460 = tpu.memref_slice %arg10[%dma_wait3A_458, %dma_wait3A_459] : memref<1024x16xf32, #tpu.memory_space<vmem>> -> memref<512x16xf32, #tpu.memory_space<vmem>>
          %dma_wait3A_461 = arith.constant 0 : i32
          %dma_wait3A_462 = tpu.memref_slice %arg6[%mul3A_12, %dma_wait3A_461] : memref<327680x16xf32, #tpu.memory_space<hbm>> -> memref<512x16xf32, #tpu.memory_space<hbm>>
          %dma_wait3A_463 = arith.constant 0 : i32
          %dma_wait3A_464 = tpu.memref_slice %arg6[%mul3A_12, %dma_wait3A_463] : memref<327680x16xf32, #tpu.memory_space<hbm>> -> memref<512x16xf32, #tpu.memory_space<hbm>>
          %dma_wait3A_465 = arith.constant 0 : i32
          %dma_wait3A_466 = arith.constant 0 : i32
          %dma_wait3A_467 = tpu.memref_slice %arg10[%dma_wait3A_465, %dma_wait3A_466] : memref<1024x16xf32, #tpu.memory_space<vmem>> -> memref<512x16xf32, #tpu.memory_space<vmem>>
          tpu.wait_dma2 semaphore(%arg16 : memref<!tpu.dma_semaphore, #tpu.memory_space<semaphore_mem>>) src(%dma_wait3A_467 : memref<512x16xf32, #tpu.memory_space<vmem>>) dst(%dma_wait3A_464 : memref<512x16xf32, #tpu.memory_space<hbm>>)
        } else {
        }
        %mul3A_62 = arith.constant 2 : i32
        %mul3A_63 = arith.muli %mul3A_62, %scan3A_57 : i32
        %add3A_64 = arith.constant 0 : i32
        %add3A_65 = arith.addi %mul3A_63, %add3A_64 : i32
        %mul3A_66 = arith.constant 4 : i32
        %mul3A_67 = arith.muli %add3A_65, %mul3A_66 : i32
        %add3A_68 = arith.constant 0 : i32
        %add3A_69 = arith.addi %mul3A_67, %add3A_68 : i32
        %dma_start3A = arith.constant 0 : i32
        %dma_start3A_70 = arith.constant 0 : i32
        %dma_start3A_71 = tpu.memref_slice %arg9[%dma_start3A, %dma_start3A_70] : memref<1024x16xf32, #tpu.memory_space<vmem>> -> memref<128x16xf32, #tpu.memory_space<vmem>>
        %dma_start3A_72 = arith.constant 0 : i32
        %dma_start3A_73 = tpu.memref_slice %arg7[%add3A_69, %dma_start3A_72] : memref<80x128xi32, #tpu.memory_space<vmem>> -> memref<1x128xi32, #tpu.memory_space<vmem>>
        %dma_start3A_74 = tpu.memref_squeeze %dma_start3A_73 : memref<1x128xi32, #tpu.memory_space<vmem>> -> memref<128xi32, #tpu.memory_space<vmem>>
        %dma_start3A_75 = arith.constant 0 : i32
        %dma_start3A_76 = arith.constant 0 : i32
        %dma_start3A_77 = tpu.memref_slice %arg11[%dma_start3A_75, %dma_start3A_76] : memref<10000x16xf32, #tpu.memory_space<vmem_shared>> -> memref<10000x16xf32, #tpu.memory_space<vmem_shared>>
        tpu.enqueue_indirect_dma source(%dma_start3A_77 : memref<10000x16xf32, #tpu.memory_space<vmem_shared>>) target(%dma_start3A_71 : memref<128x16xf32, #tpu.memory_space<vmem>>) offsets(%dma_start3A_74 : memref<128xi32, #tpu.memory_space<vmem>>) semaphore(%arg12 : memref<!tpu.dma_semaphore, #tpu.memory_space<semaphore_mem>>)
        %dma_start3A_78 = arith.constant 0 : i32
        %dma_start3A_79 = arith.constant 0 : i32
        %dma_start3A_80 = tpu.memref_slice %arg10[%dma_start3A_78, %dma_start3A_79] : memref<1024x16xf32, #tpu.memory_space<vmem>> -> memref<128x16xf32, #tpu.memory_space<vmem>>
        %dma_start3A_81 = arith.constant 0 : i32
        %dma_start3A_82 = tpu.memref_slice %arg8[%add3A_69, %dma_start3A_81] : memref<80x128xi32, #tpu.memory_space<vmem>> -> memref<1x128xi32, #tpu.memory_space<vmem>>
        %dma_start3A_83 = tpu.memref_squeeze %dma_start3A_82 : memref<1x128xi32, #tpu.memory_space<vmem>> -> memref<128xi32, #tpu.memory_space<vmem>>
        %dma_start3A_84 = arith.constant 0 : i32
        %dma_start3A_85 = arith.constant 0 : i32
        %dma_start3A_86 = tpu.memref_slice %arg11[%dma_start3A_84, %dma_start3A_85] : memref<10000x16xf32, #tpu.memory_space<vmem_shared>> -> memref<10000x16xf32, #tpu.memory_space<vmem_shared>>
        tpu.enqueue_indirect_dma source(%dma_start3A_86 : memref<10000x16xf32, #tpu.memory_space<vmem_shared>>) target(%dma_start3A_80 : memref<128x16xf32, #tpu.memory_space<vmem>>) offsets(%dma_start3A_83 : memref<128xi32, #tpu.memory_space<vmem>>) semaphore(%arg13 : memref<!tpu.dma_semaphore, #tpu.memory_space<semaphore_mem>>)
        %mul3A_87 = arith.constant 4 : i32
        %mul3A_88 = arith.muli %add3A_65, %mul3A_87 : i32
        %add3A_89 = arith.constant 1 : i32
        %add3A_90 = arith.addi %mul3A_88, %add3A_89 : i32
        %dma_start3A_91 = arith.constant 128 : i32
        %dma_start3A_92 = arith.constant 0 : i32
        %dma_start3A_93 = tpu.memref_slice %arg9[%dma_start3A_91, %dma_start3A_92] : memref<1024x16xf32, #tpu.memory_space<vmem>> -> memref<128x16xf32, #tpu.memory_space<vmem>>
        %dma_start3A_94 = arith.constant 0 : i32
        %dma_start3A_95 = tpu.memref_slice %arg7[%add3A_90, %dma_start3A_94] : memref<80x128xi32, #tpu.memory_space<vmem>> -> memref<1x128xi32, #tpu.memory_space<vmem>>
        %dma_start3A_96 = tpu.memref_squeeze %dma_start3A_95 : memref<1x128xi32, #tpu.memory_space<vmem>> -> memref<128xi32, #tpu.memory_space<vmem>>
        %dma_start3A_97 = arith.constant 0 : i32
        %dma_start3A_98 = arith.constant 0 : i32
        %dma_start3A_99 = tpu.memref_slice %arg11[%dma_start3A_97, %dma_start3A_98] : memref<10000x16xf32, #tpu.memory_space<vmem_shared>> -> memref<10000x16xf32, #tpu.memory_space<vmem_shared>>
        tpu.enqueue_indirect_dma source(%dma_start3A_99 : memref<10000x16xf32, #tpu.memory_space<vmem_shared>>) target(%dma_start3A_93 : memref<128x16xf32, #tpu.memory_space<vmem>>) offsets(%dma_start3A_96 : memref<128xi32, #tpu.memory_space<vmem>>) semaphore(%arg12 : memref<!tpu.dma_semaphore, #tpu.memory_space<semaphore_mem>>)
        %dma_start3A_100 = arith.constant 128 : i32
        %dma_start3A_101 = arith.constant 0 : i32
        %dma_start3A_102 = tpu.memref_slice %arg10[%dma_start3A_100, %dma_start3A_101] : memref<1024x16xf32, #tpu.memory_space<vmem>> -> memref<128x16xf32, #tpu.memory_space<vmem>>
        %dma_start3A_103 = arith.constant 0 : i32
        %dma_start3A_104 = tpu.memref_slice %arg8[%add3A_90, %dma_start3A_103] : memref<80x128xi32, #tpu.memory_space<vmem>> -> memref<1x128xi32, #tpu.memory_space<vmem>>
        %dma_start3A_105 = tpu.memref_squeeze %dma_start3A_104 : memref<1x128xi32, #tpu.memory_space<vmem>> -> memref<128xi32, #tpu.memory_space<vmem>>
        %dma_start3A_106 = arith.constant 0 : i32
        %dma_start3A_107 = arith.constant 0 : i32
        %dma_start3A_108 = tpu.memref_slice %arg11[%dma_start3A_106, %dma_start3A_107] : memref<10000x16xf32, #tpu.memory_space<vmem_shared>> -> memref<10000x16xf32, #tpu.memory_space<vmem_shared>>
        tpu.enqueue_indirect_dma source(%dma_start3A_108 : memref<10000x16xf32, #tpu.memory_space<vmem_shared>>) target(%dma_start3A_102 : memref<128x16xf32, #tpu.memory_space<vmem>>) offsets(%dma_start3A_105 : memref<128xi32, #tpu.memory_space<vmem>>) semaphore(%arg13 : memref<!tpu.dma_semaphore, #tpu.memory_space<semaphore_mem>>)
        %mul3A_109 = arith.constant 4 : i32
        %mul3A_110 = arith.muli %add3A_65, %mul3A_109 : i32
        %add3A_111 = arith.constant 2 : i32
        %add3A_112 = arith.addi %mul3A_110, %add3A_111 : i32
        %dma_start3A_113 = arith.constant 256 : i32
        %dma_start3A_114 = arith.constant 0 : i32
        %dma_start3A_115 = tpu.memref_slice %arg9[%dma_start3A_113, %dma_start3A_114] : memref<1024x16xf32, #tpu.memory_space<vmem>> -> memref<128x16xf32, #tpu.memory_space<vmem>>
        %dma_start3A_116 = arith.constant 0 : i32
        %dma_start3A_117 = tpu.memref_slice %arg7[%add3A_112, %dma_start3A_116] : memref<80x128xi32, #tpu.memory_space<vmem>> -> memref<1x128xi32, #tpu.memory_space<vmem>>
        %dma_start3A_118 = tpu.memref_squeeze %dma_start3A_117 : memref<1x128xi32, #tpu.memory_space<vmem>> -> memref<128xi32, #tpu.memory_space<vmem>>
        %dma_start3A_119 = arith.constant 0 : i32
        %dma_start3A_120 = arith.constant 0 : i32
        %dma_start3A_121 = tpu.memref_slice %arg11[%dma_start3A_119, %dma_start3A_120] : memref<10000x16xf32, #tpu.memory_space<vmem_shared>> -> memref<10000x16xf32, #tpu.memory_space<vmem_shared>>
        tpu.enqueue_indirect_dma source(%dma_start3A_121 : memref<10000x16xf32, #tpu.memory_space<vmem_shared>>) target(%dma_start3A_115 : memref<128x16xf32, #tpu.memory_space<vmem>>) offsets(%dma_start3A_118 : memref<128xi32, #tpu.memory_space<vmem>>) semaphore(%arg12 : memref<!tpu.dma_semaphore, #tpu.memory_space<semaphore_mem>>)
        %dma_start3A_122 = arith.constant 256 : i32
        %dma_start3A_123 = arith.constant 0 : i32
        %dma_start3A_124 = tpu.memref_slice %arg10[%dma_start3A_122, %dma_start3A_123] : memref<1024x16xf32, #tpu.memory_space<vmem>> -> memref<128x16xf32, #tpu.memory_space<vmem>>
        %dma_start3A_125 = arith.constant 0 : i32
        %dma_start3A_126 = tpu.memref_slice %arg8[%add3A_112, %dma_start3A_125] : memref<80x128xi32, #tpu.memory_space<vmem>> -> memref<1x128xi32, #tpu.memory_space<vmem>>
        %dma_start3A_127 = tpu.memref_squeeze %dma_start3A_126 : memref<1x128xi32, #tpu.memory_space<vmem>> -> memref<128xi32, #tpu.memory_space<vmem>>
        %dma_start3A_128 = arith.constant 0 : i32
        %dma_start3A_129 = arith.constant 0 : i32
        %dma_start3A_130 = tpu.memref_slice %arg11[%dma_start3A_128, %dma_start3A_129] : memref<10000x16xf32, #tpu.memory_space<vmem_shared>> -> memref<10000x16xf32, #tpu.memory_space<vmem_shared>>
        tpu.enqueue_indirect_dma source(%dma_start3A_130 : memref<10000x16xf32, #tpu.memory_space<vmem_shared>>) target(%dma_start3A_124 : memref<128x16xf32, #tpu.memory_space<vmem>>) offsets(%dma_start3A_127 : memref<128xi32, #tpu.memory_space<vmem>>) semaphore(%arg13 : memref<!tpu.dma_semaphore, #tpu.memory_space<semaphore_mem>>)
        %mul3A_131 = arith.constant 4 : i32
        %mul3A_132 = arith.muli %add3A_65, %mul3A_131 : i32
        %add3A_133 = arith.constant 3 : i32
        %add3A_134 = arith.addi %mul3A_132, %add3A_133 : i32
        %dma_start3A_135 = arith.constant 384 : i32
        %dma_start3A_136 = arith.constant 0 : i32
        %dma_start3A_137 = tpu.memref_slice %arg9[%dma_start3A_135, %dma_start3A_136] : memref<1024x16xf32, #tpu.memory_space<vmem>> -> memref<128x16xf32, #tpu.memory_space<vmem>>
        %dma_start3A_138 = arith.constant 0 : i32
        %dma_start3A_139 = tpu.memref_slice %arg7[%add3A_134, %dma_start3A_138] : memref<80x128xi32, #tpu.memory_space<vmem>> -> memref<1x128xi32, #tpu.memory_space<vmem>>
        %dma_start3A_140 = tpu.memref_squeeze %dma_start3A_139 : memref<1x128xi32, #tpu.memory_space<vmem>> -> memref<128xi32, #tpu.memory_space<vmem>>
        %dma_start3A_141 = arith.constant 0 : i32
        %dma_start3A_142 = arith.constant 0 : i32
        %dma_start3A_143 = tpu.memref_slice %arg11[%dma_start3A_141, %dma_start3A_142] : memref<10000x16xf32, #tpu.memory_space<vmem_shared>> -> memref<10000x16xf32, #tpu.memory_space<vmem_shared>>
        tpu.enqueue_indirect_dma source(%dma_start3A_143 : memref<10000x16xf32, #tpu.memory_space<vmem_shared>>) target(%dma_start3A_137 : memref<128x16xf32, #tpu.memory_space<vmem>>) offsets(%dma_start3A_140 : memref<128xi32, #tpu.memory_space<vmem>>) semaphore(%arg12 : memref<!tpu.dma_semaphore, #tpu.memory_space<semaphore_mem>>)
        %dma_start3A_144 = arith.constant 384 : i32
        %dma_start3A_145 = arith.constant 0 : i32
        %dma_start3A_146 = tpu.memref_slice %arg10[%dma_start3A_144, %dma_start3A_145] : memref<1024x16xf32, #tpu.memory_space<vmem>> -> memref<128x16xf32, #tpu.memory_space<vmem>>
        %dma_start3A_147 = arith.constant 0 : i32
        %dma_start3A_148 = tpu.memref_slice %arg8[%add3A_134, %dma_start3A_147] : memref<80x128xi32, #tpu.memory_space<vmem>> -> memref<1x128xi32, #tpu.memory_space<vmem>>
        %dma_start3A_149 = tpu.memref_squeeze %dma_start3A_148 : memref<1x128xi32, #tpu.memory_space<vmem>> -> memref<128xi32, #tpu.memory_space<vmem>>
        %dma_start3A_150 = arith.constant 0 : i32
        %dma_start3A_151 = arith.constant 0 : i32
        %dma_start3A_152 = tpu.memref_slice %arg11[%dma_start3A_150, %dma_start3A_151] : memref<10000x16xf32, #tpu.memory_space<vmem_shared>> -> memref<10000x16xf32, #tpu.memory_space<vmem_shared>>
        tpu.enqueue_indirect_dma source(%dma_start3A_152 : memref<10000x16xf32, #tpu.memory_space<vmem_shared>>) target(%dma_start3A_146 : memref<128x16xf32, #tpu.memory_space<vmem>>) offsets(%dma_start3A_149 : memref<128xi32, #tpu.memory_space<vmem>>) semaphore(%arg13 : memref<!tpu.dma_semaphore, #tpu.memory_space<semaphore_mem>>)
        %gt3A_153 = arith.constant 0 : i32
        %gt3A_154 = arith.cmpi sgt, %scan3A_57, %gt3A_153 : i32
        %convert_element_type3A_155 = arith.extui %gt3A_154 : i1 to i32
        %cond3A_156 = arith.constant 0 : i32
        %cond3A_157 = arith.cmpi ne, %convert_element_type3A_155, %cond3A_156 : i32
        scf.if %cond3A_157 {
          %dma_wait3A_448 = arith.constant 512 : i32
          %dma_wait3A_449 = arith.constant 0 : i32
          %dma_wait3A_450 = tpu.memref_slice %arg9[%dma_wait3A_448, %dma_wait3A_449] : memref<1024x16xf32, #tpu.memory_space<vmem>> -> memref<512x16xf32, #tpu.memory_space<vmem>>
          %dma_wait3A_451 = arith.constant 0 : i32
          %dma_wait3A_452 = tpu.memref_slice %arg5[%mul3A_12, %dma_wait3A_451] : memref<327680x16xf32, #tpu.memory_space<hbm>> -> memref<512x16xf32, #tpu.memory_space<hbm>>
          %dma_wait3A_453 = arith.constant 0 : i32
          %dma_wait3A_454 = tpu.memref_slice %arg5[%mul3A_12, %dma_wait3A_453] : memref<327680x16xf32, #tpu.memory_space<hbm>> -> memref<512x16xf32, #tpu.memory_space<hbm>>
          %dma_wait3A_455 = arith.constant 512 : i32
          %dma_wait3A_456 = arith.constant 0 : i32
          %dma_wait3A_457 = tpu.memref_slice %arg9[%dma_wait3A_455, %dma_wait3A_456] : memref<1024x16xf32, #tpu.memory_space<vmem>> -> memref<512x16xf32, #tpu.memory_space<vmem>>
          tpu.wait_dma2 semaphore(%arg17 : memref<!tpu.dma_semaphore, #tpu.memory_space<semaphore_mem>>) src(%dma_wait3A_457 : memref<512x16xf32, #tpu.memory_space<vmem>>) dst(%dma_wait3A_454 : memref<512x16xf32, #tpu.memory_space<hbm>>)
          %dma_wait3A_458 = arith.constant 512 : i32
          %dma_wait3A_459 = arith.constant 0 : i32
          %dma_wait3A_460 = tpu.memref_slice %arg10[%dma_wait3A_458, %dma_wait3A_459] : memref<1024x16xf32, #tpu.memory_space<vmem>> -> memref<512x16xf32, #tpu.memory_space<vmem>>
          %dma_wait3A_461 = arith.constant 0 : i32
          %dma_wait3A_462 = tpu.memref_slice %arg6[%mul3A_12, %dma_wait3A_461] : memref<327680x16xf32, #tpu.memory_space<hbm>> -> memref<512x16xf32, #tpu.memory_space<hbm>>
          %dma_wait3A_463 = arith.constant 0 : i32
          %dma_wait3A_464 = tpu.memref_slice %arg6[%mul3A_12, %dma_wait3A_463] : memref<327680x16xf32, #tpu.memory_space<hbm>> -> memref<512x16xf32, #tpu.memory_space<hbm>>
          %dma_wait3A_465 = arith.constant 512 : i32
          %dma_wait3A_466 = arith.constant 0 : i32
          %dma_wait3A_467 = tpu.memref_slice %arg10[%dma_wait3A_465, %dma_wait3A_466] : memref<1024x16xf32, #tpu.memory_space<vmem>> -> memref<512x16xf32, #tpu.memory_space<vmem>>
          tpu.wait_dma2 semaphore(%arg17 : memref<!tpu.dma_semaphore, #tpu.memory_space<semaphore_mem>>) src(%dma_wait3A_467 : memref<512x16xf32, #tpu.memory_space<vmem>>) dst(%dma_wait3A_464 : memref<512x16xf32, #tpu.memory_space<hbm>>)
        } else {
        }
        %mul3A_158 = arith.constant 2 : i32
        %mul3A_159 = arith.muli %mul3A_158, %scan3A_57 : i32
        %add3A_160 = arith.constant 1 : i32
        %add3A_161 = arith.addi %mul3A_159, %add3A_160 : i32
        %mul3A_162 = arith.constant 4 : i32
        %mul3A_163 = arith.muli %add3A_161, %mul3A_162 : i32
        %add3A_164 = arith.constant 0 : i32
        %add3A_165 = arith.addi %mul3A_163, %add3A_164 : i32
        %dma_start3A_166 = arith.constant 512 : i32
        %dma_start3A_167 = arith.constant 0 : i32
        %dma_start3A_168 = tpu.memref_slice %arg9[%dma_start3A_166, %dma_start3A_167] : memref<1024x16xf32, #tpu.memory_space<vmem>> -> memref<128x16xf32, #tpu.memory_space<vmem>>
        %dma_start3A_169 = arith.constant 0 : i32
        %dma_start3A_170 = tpu.memref_slice %arg7[%add3A_165, %dma_start3A_169] : memref<80x128xi32, #tpu.memory_space<vmem>> -> memref<1x128xi32, #tpu.memory_space<vmem>>
        %dma_start3A_171 = tpu.memref_squeeze %dma_start3A_170 : memref<1x128xi32, #tpu.memory_space<vmem>> -> memref<128xi32, #tpu.memory_space<vmem>>
        %dma_start3A_172 = arith.constant 0 : i32
        %dma_start3A_173 = arith.constant 0 : i32
        %dma_start3A_174 = tpu.memref_slice %arg11[%dma_start3A_172, %dma_start3A_173] : memref<10000x16xf32, #tpu.memory_space<vmem_shared>> -> memref<10000x16xf32, #tpu.memory_space<vmem_shared>>
        tpu.enqueue_indirect_dma source(%dma_start3A_174 : memref<10000x16xf32, #tpu.memory_space<vmem_shared>>) target(%dma_start3A_168 : memref<128x16xf32, #tpu.memory_space<vmem>>) offsets(%dma_start3A_171 : memref<128xi32, #tpu.memory_space<vmem>>) semaphore(%arg14 : memref<!tpu.dma_semaphore, #tpu.memory_space<semaphore_mem>>)
        %dma_start3A_175 = arith.constant 512 : i32
        %dma_start3A_176 = arith.constant 0 : i32
        %dma_start3A_177 = tpu.memref_slice %arg10[%dma_start3A_175, %dma_start3A_176] : memref<1024x16xf32, #tpu.memory_space<vmem>> -> memref<128x16xf32, #tpu.memory_space<vmem>>
        %dma_start3A_178 = arith.constant 0 : i32
        %dma_start3A_179 = tpu.memref_slice %arg8[%add3A_165, %dma_start3A_178] : memref<80x128xi32, #tpu.memory_space<vmem>> -> memref<1x128xi32, #tpu.memory_space<vmem>>
        %dma_start3A_180 = tpu.memref_squeeze %dma_start3A_179 : memref<1x128xi32, #tpu.memory_space<vmem>> -> memref<128xi32, #tpu.memory_space<vmem>>
        %dma_start3A_181 = arith.constant 0 : i32
        %dma_start3A_182 = arith.constant 0 : i32
        %dma_start3A_183 = tpu.memref_slice %arg11[%dma_start3A_181, %dma_start3A_182] : memref<10000x16xf32, #tpu.memory_space<vmem_shared>> -> memref<10000x16xf32, #tpu.memory_space<vmem_shared>>
        tpu.enqueue_indirect_dma source(%dma_start3A_183 : memref<10000x16xf32, #tpu.memory_space<vmem_shared>>) target(%dma_start3A_177 : memref<128x16xf32, #tpu.memory_space<vmem>>) offsets(%dma_start3A_180 : memref<128xi32, #tpu.memory_space<vmem>>) semaphore(%arg15 : memref<!tpu.dma_semaphore, #tpu.memory_space<semaphore_mem>>)
        %mul3A_184 = arith.constant 4 : i32
        %mul3A_185 = arith.muli %add3A_161, %mul3A_184 : i32
        %add3A_186 = arith.constant 1 : i32
        %add3A_187 = arith.addi %mul3A_185, %add3A_186 : i32
        %dma_start3A_188 = arith.constant 640 : i32
        %dma_start3A_189 = arith.constant 0 : i32
        %dma_start3A_190 = tpu.memref_slice %arg9[%dma_start3A_188, %dma_start3A_189] : memref<1024x16xf32, #tpu.memory_space<vmem>> -> memref<128x16xf32, #tpu.memory_space<vmem>>
        %dma_start3A_191 = arith.constant 0 : i32
        %dma_start3A_192 = tpu.memref_slice %arg7[%add3A_187, %dma_start3A_191] : memref<80x128xi32, #tpu.memory_space<vmem>> -> memref<1x128xi32, #tpu.memory_space<vmem>>
        %dma_start3A_193 = tpu.memref_squeeze %dma_start3A_192 : memref<1x128xi32, #tpu.memory_space<vmem>> -> memref<128xi32, #tpu.memory_space<vmem>>
        %dma_start3A_194 = arith.constant 0 : i32
        %dma_start3A_195 = arith.constant 0 : i32
        %dma_start3A_196 = tpu.memref_slice %arg11[%dma_start3A_194, %dma_start3A_195] : memref<10000x16xf32, #tpu.memory_space<vmem_shared>> -> memref<10000x16xf32, #tpu.memory_space<vmem_shared>>
        tpu.enqueue_indirect_dma source(%dma_start3A_196 : memref<10000x16xf32, #tpu.memory_space<vmem_shared>>) target(%dma_start3A_190 : memref<128x16xf32, #tpu.memory_space<vmem>>) offsets(%dma_start3A_193 : memref<128xi32, #tpu.memory_space<vmem>>) semaphore(%arg14 : memref<!tpu.dma_semaphore, #tpu.memory_space<semaphore_mem>>)
        %dma_start3A_197 = arith.constant 640 : i32
        %dma_start3A_198 = arith.constant 0 : i32
        %dma_start3A_199 = tpu.memref_slice %arg10[%dma_start3A_197, %dma_start3A_198] : memref<1024x16xf32, #tpu.memory_space<vmem>> -> memref<128x16xf32, #tpu.memory_space<vmem>>
        %dma_start3A_200 = arith.constant 0 : i32
        %dma_start3A_201 = tpu.memref_slice %arg8[%add3A_187, %dma_start3A_200] : memref<80x128xi32, #tpu.memory_space<vmem>> -> memref<1x128xi32, #tpu.memory_space<vmem>>
        %dma_start3A_202 = tpu.memref_squeeze %dma_start3A_201 : memref<1x128xi32, #tpu.memory_space<vmem>> -> memref<128xi32, #tpu.memory_space<vmem>>
        %dma_start3A_203 = arith.constant 0 : i32
        %dma_start3A_204 = arith.constant 0 : i32
        %dma_start3A_205 = tpu.memref_slice %arg11[%dma_start3A_203, %dma_start3A_204] : memref<10000x16xf32, #tpu.memory_space<vmem_shared>> -> memref<10000x16xf32, #tpu.memory_space<vmem_shared>>
        tpu.enqueue_indirect_dma source(%dma_start3A_205 : memref<10000x16xf32, #tpu.memory_space<vmem_shared>>) target(%dma_start3A_199 : memref<128x16xf32, #tpu.memory_space<vmem>>) offsets(%dma_start3A_202 : memref<128xi32, #tpu.memory_space<vmem>>) semaphore(%arg15 : memref<!tpu.dma_semaphore, #tpu.memory_space<semaphore_mem>>)
        %mul3A_206 = arith.constant 4 : i32
        %mul3A_207 = arith.muli %add3A_161, %mul3A_206 : i32
        %add3A_208 = arith.constant 2 : i32
        %add3A_209 = arith.addi %mul3A_207, %add3A_208 : i32
        %dma_start3A_210 = arith.constant 768 : i32
        %dma_start3A_211 = arith.constant 0 : i32
        %dma_start3A_212 = tpu.memref_slice %arg9[%dma_start3A_210, %dma_start3A_211] : memref<1024x16xf32, #tpu.memory_space<vmem>> -> memref<128x16xf32, #tpu.memory_space<vmem>>
        %dma_start3A_213 = arith.constant 0 : i32
        %dma_start3A_214 = tpu.memref_slice %arg7[%add3A_209, %dma_start3A_213] : memref<80x128xi32, #tpu.memory_space<vmem>> -> memref<1x128xi32, #tpu.memory_space<vmem>>
        %dma_start3A_215 = tpu.memref_squeeze %dma_start3A_214 : memref<1x128xi32, #tpu.memory_space<vmem>> -> memref<128xi32, #tpu.memory_space<vmem>>
        %dma_start3A_216 = arith.constant 0 : i32
        %dma_start3A_217 = arith.constant 0 : i32
        %dma_start3A_218 = tpu.memref_slice %arg11[%dma_start3A_216, %dma_start3A_217] : memref<10000x16xf32, #tpu.memory_space<vmem_shared>> -> memref<10000x16xf32, #tpu.memory_space<vmem_shared>>
        tpu.enqueue_indirect_dma source(%dma_start3A_218 : memref<10000x16xf32, #tpu.memory_space<vmem_shared>>) target(%dma_start3A_212 : memref<128x16xf32, #tpu.memory_space<vmem>>) offsets(%dma_start3A_215 : memref<128xi32, #tpu.memory_space<vmem>>) semaphore(%arg14 : memref<!tpu.dma_semaphore, #tpu.memory_space<semaphore_mem>>)
        %dma_start3A_219 = arith.constant 768 : i32
        %dma_start3A_220 = arith.constant 0 : i32
        %dma_start3A_221 = tpu.memref_slice %arg10[%dma_start3A_219, %dma_start3A_220] : memref<1024x16xf32, #tpu.memory_space<vmem>> -> memref<128x16xf32, #tpu.memory_space<vmem>>
        %dma_start3A_222 = arith.constant 0 : i32
        %dma_start3A_223 = tpu.memref_slice %arg8[%add3A_209, %dma_start3A_222] : memref<80x128xi32, #tpu.memory_space<vmem>> -> memref<1x128xi32, #tpu.memory_space<vmem>>
        %dma_start3A_224 = tpu.memref_squeeze %dma_start3A_223 : memref<1x128xi32, #tpu.memory_space<vmem>> -> memref<128xi32, #tpu.memory_space<vmem>>
        %dma_start3A_225 = arith.constant 0 : i32
        %dma_start3A_226 = arith.constant 0 : i32
        %dma_start3A_227 = tpu.memref_slice %arg11[%dma_start3A_225, %dma_start3A_226] : memref<10000x16xf32, #tpu.memory_space<vmem_shared>> -> memref<10000x16xf32, #tpu.memory_space<vmem_shared>>
        tpu.enqueue_indirect_dma source(%dma_start3A_227 : memref<10000x16xf32, #tpu.memory_space<vmem_shared>>) target(%dma_start3A_221 : memref<128x16xf32, #tpu.memory_space<vmem>>) offsets(%dma_start3A_224 : memref<128xi32, #tpu.memory_space<vmem>>) semaphore(%arg15 : memref<!tpu.dma_semaphore, #tpu.memory_space<semaphore_mem>>)
        %mul3A_228 = arith.constant 4 : i32
        %mul3A_229 = arith.muli %add3A_161, %mul3A_228 : i32
        %add3A_230 = arith.constant 3 : i32
        %add3A_231 = arith.addi %mul3A_229, %add3A_230 : i32
        %dma_start3A_232 = arith.constant 896 : i32
        %dma_start3A_233 = arith.constant 0 : i32
        %dma_start3A_234 = tpu.memref_slice %arg9[%dma_start3A_232, %dma_start3A_233] : memref<1024x16xf32, #tpu.memory_space<vmem>> -> memref<128x16xf32, #tpu.memory_space<vmem>>
        %dma_start3A_235 = arith.constant 0 : i32
        %dma_start3A_236 = tpu.memref_slice %arg7[%add3A_231, %dma_start3A_235] : memref<80x128xi32, #tpu.memory_space<vmem>> -> memref<1x128xi32, #tpu.memory_space<vmem>>
        %dma_start3A_237 = tpu.memref_squeeze %dma_start3A_236 : memref<1x128xi32, #tpu.memory_space<vmem>> -> memref<128xi32, #tpu.memory_space<vmem>>
        %dma_start3A_238 = arith.constant 0 : i32
        %dma_start3A_239 = arith.constant 0 : i32
        %dma_start3A_240 = tpu.memref_slice %arg11[%dma_start3A_238, %dma_start3A_239] : memref<10000x16xf32, #tpu.memory_space<vmem_shared>> -> memref<10000x16xf32, #tpu.memory_space<vmem_shared>>
        tpu.enqueue_indirect_dma source(%dma_start3A_240 : memref<10000x16xf32, #tpu.memory_space<vmem_shared>>) target(%dma_start3A_234 : memref<128x16xf32, #tpu.memory_space<vmem>>) offsets(%dma_start3A_237 : memref<128xi32, #tpu.memory_space<vmem>>) semaphore(%arg14 : memref<!tpu.dma_semaphore, #tpu.memory_space<semaphore_mem>>)
        %dma_start3A_241 = arith.constant 896 : i32
        %dma_start3A_242 = arith.constant 0 : i32
        %dma_start3A_243 = tpu.memref_slice %arg10[%dma_start3A_241, %dma_start3A_242] : memref<1024x16xf32, #tpu.memory_space<vmem>> -> memref<128x16xf32, #tpu.memory_space<vmem>>
        %dma_start3A_244 = arith.constant 0 : i32
        %dma_start3A_245 = tpu.memref_slice %arg8[%add3A_231, %dma_start3A_244] : memref<80x128xi32, #tpu.memory_space<vmem>> -> memref<1x128xi32, #tpu.memory_space<vmem>>
        %dma_start3A_246 = tpu.memref_squeeze %dma_start3A_245 : memref<1x128xi32, #tpu.memory_space<vmem>> -> memref<128xi32, #tpu.memory_space<vmem>>
        %dma_start3A_247 = arith.constant 0 : i32
        %dma_start3A_248 = arith.constant 0 : i32
        %dma_start3A_249 = tpu.memref_slice %arg11[%dma_start3A_247, %dma_start3A_248] : memref<10000x16xf32, #tpu.memory_space<vmem_shared>> -> memref<10000x16xf32, #tpu.memory_space<vmem_shared>>
        tpu.enqueue_indirect_dma source(%dma_start3A_249 : memref<10000x16xf32, #tpu.memory_space<vmem_shared>>) target(%dma_start3A_243 : memref<128x16xf32, #tpu.memory_space<vmem>>) offsets(%dma_start3A_246 : memref<128xi32, #tpu.memory_space<vmem>>) semaphore(%arg15 : memref<!tpu.dma_semaphore, #tpu.memory_space<semaphore_mem>>)
        %dma_wait3A_250 = arith.constant 0 : i32
        %dma_wait3A_251 = arith.constant 0 : i32
        %dma_wait3A_252 = tpu.memref_slice %arg9[%dma_wait3A_250, %dma_wait3A_251] : memref<1024x16xf32, #tpu.memory_space<vmem>> -> memref<128x16xf32, #tpu.memory_space<vmem>>
        %dma_wait3A_253 = arith.constant 0 : i32
        %dma_wait3A_254 = tpu.memref_slice %arg7[%add3A_69, %dma_wait3A_253] : memref<80x128xi32, #tpu.memory_space<vmem>> -> memref<1x128xi32, #tpu.memory_space<vmem>>
        %dma_wait3A_255 = tpu.memref_squeeze %dma_wait3A_254 : memref<1x128xi32, #tpu.memory_space<vmem>> -> memref<128xi32, #tpu.memory_space<vmem>>
        %dma_wait3A_256 = arith.constant 0 : i32
        %dma_wait3A_257 = arith.constant 0 : i32
        %dma_wait3A_258 = tpu.memref_slice %arg11[%dma_wait3A_256, %dma_wait3A_257] : memref<10000x16xf32, #tpu.memory_space<vmem_shared>> -> memref<10000x16xf32, #tpu.memory_space<vmem_shared>>
        tpu.wait_indirect_dma semaphore(%arg12 : memref<!tpu.dma_semaphore, #tpu.memory_space<semaphore_mem>>) src(%dma_wait3A_258 : memref<10000x16xf32, #tpu.memory_space<vmem_shared>>) dst(%dma_wait3A_252 : memref<128x16xf32, #tpu.memory_space<vmem>>)
        %dma_wait3A_259 = arith.constant 0 : i32
        %dma_wait3A_260 = arith.constant 0 : i32
        %dma_wait3A_261 = tpu.memref_slice %arg10[%dma_wait3A_259, %dma_wait3A_260] : memref<1024x16xf32, #tpu.memory_space<vmem>> -> memref<128x16xf32, #tpu.memory_space<vmem>>
        %dma_wait3A_262 = arith.constant 0 : i32
        %dma_wait3A_263 = tpu.memref_slice %arg8[%add3A_69, %dma_wait3A_262] : memref<80x128xi32, #tpu.memory_space<vmem>> -> memref<1x128xi32, #tpu.memory_space<vmem>>
        %dma_wait3A_264 = tpu.memref_squeeze %dma_wait3A_263 : memref<1x128xi32, #tpu.memory_space<vmem>> -> memref<128xi32, #tpu.memory_space<vmem>>
        %dma_wait3A_265 = arith.constant 0 : i32
        %dma_wait3A_266 = arith.constant 0 : i32
        %dma_wait3A_267 = tpu.memref_slice %arg11[%dma_wait3A_265, %dma_wait3A_266] : memref<10000x16xf32, #tpu.memory_space<vmem_shared>> -> memref<10000x16xf32, #tpu.memory_space<vmem_shared>>
        tpu.wait_indirect_dma semaphore(%arg13 : memref<!tpu.dma_semaphore, #tpu.memory_space<semaphore_mem>>) src(%dma_wait3A_267 : memref<10000x16xf32, #tpu.memory_space<vmem_shared>>) dst(%dma_wait3A_261 : memref<128x16xf32, #tpu.memory_space<vmem>>)
        %dma_wait3A_268 = arith.constant 128 : i32
        %dma_wait3A_269 = arith.constant 0 : i32
        %dma_wait3A_270 = tpu.memref_slice %arg9[%dma_wait3A_268, %dma_wait3A_269] : memref<1024x16xf32, #tpu.memory_space<vmem>> -> memref<128x16xf32, #tpu.memory_space<vmem>>
        %dma_wait3A_271 = arith.constant 0 : i32
        %dma_wait3A_272 = tpu.memref_slice %arg7[%add3A_90, %dma_wait3A_271] : memref<80x128xi32, #tpu.memory_space<vmem>> -> memref<1x128xi32, #tpu.memory_space<vmem>>
        %dma_wait3A_273 = tpu.memref_squeeze %dma_wait3A_272 : memref<1x128xi32, #tpu.memory_space<vmem>> -> memref<128xi32, #tpu.memory_space<vmem>>
        %dma_wait3A_274 = arith.constant 0 : i32
        %dma_wait3A_275 = arith.constant 0 : i32
        %dma_wait3A_276 = tpu.memref_slice %arg11[%dma_wait3A_274, %dma_wait3A_275] : memref<10000x16xf32, #tpu.memory_space<vmem_shared>> -> memref<10000x16xf32, #tpu.memory_space<vmem_shared>>
        tpu.wait_indirect_dma semaphore(%arg12 : memref<!tpu.dma_semaphore, #tpu.memory_space<semaphore_mem>>) src(%dma_wait3A_276 : memref<10000x16xf32, #tpu.memory_space<vmem_shared>>) dst(%dma_wait3A_270 : memref<128x16xf32, #tpu.memory_space<vmem>>)
        %dma_wait3A_277 = arith.constant 128 : i32
        %dma_wait3A_278 = arith.constant 0 : i32
        %dma_wait3A_279 = tpu.memref_slice %arg10[%dma_wait3A_277, %dma_wait3A_278] : memref<1024x16xf32, #tpu.memory_space<vmem>> -> memref<128x16xf32, #tpu.memory_space<vmem>>
        %dma_wait3A_280 = arith.constant 0 : i32
        %dma_wait3A_281 = tpu.memref_slice %arg8[%add3A_90, %dma_wait3A_280] : memref<80x128xi32, #tpu.memory_space<vmem>> -> memref<1x128xi32, #tpu.memory_space<vmem>>
        %dma_wait3A_282 = tpu.memref_squeeze %dma_wait3A_281 : memref<1x128xi32, #tpu.memory_space<vmem>> -> memref<128xi32, #tpu.memory_space<vmem>>
        %dma_wait3A_283 = arith.constant 0 : i32
        %dma_wait3A_284 = arith.constant 0 : i32
        %dma_wait3A_285 = tpu.memref_slice %arg11[%dma_wait3A_283, %dma_wait3A_284] : memref<10000x16xf32, #tpu.memory_space<vmem_shared>> -> memref<10000x16xf32, #tpu.memory_space<vmem_shared>>
        tpu.wait_indirect_dma semaphore(%arg13 : memref<!tpu.dma_semaphore, #tpu.memory_space<semaphore_mem>>) src(%dma_wait3A_285 : memref<10000x16xf32, #tpu.memory_space<vmem_shared>>) dst(%dma_wait3A_279 : memref<128x16xf32, #tpu.memory_space<vmem>>)
        %dma_wait3A_286 = arith.constant 256 : i32
        %dma_wait3A_287 = arith.constant 0 : i32
        %dma_wait3A_288 = tpu.memref_slice %arg9[%dma_wait3A_286, %dma_wait3A_287] : memref<1024x16xf32, #tpu.memory_space<vmem>> -> memref<128x16xf32, #tpu.memory_space<vmem>>
        %dma_wait3A_289 = arith.constant 0 : i32
        %dma_wait3A_290 = tpu.memref_slice %arg7[%add3A_112, %dma_wait3A_289] : memref<80x128xi32, #tpu.memory_space<vmem>> -> memref<1x128xi32, #tpu.memory_space<vmem>>
        %dma_wait3A_291 = tpu.memref_squeeze %dma_wait3A_290 : memref<1x128xi32, #tpu.memory_space<vmem>> -> memref<128xi32, #tpu.memory_space<vmem>>
        %dma_wait3A_292 = arith.constant 0 : i32
        %dma_wait3A_293 = arith.constant 0 : i32
        %dma_wait3A_294 = tpu.memref_slice %arg11[%dma_wait3A_292, %dma_wait3A_293] : memref<10000x16xf32, #tpu.memory_space<vmem_shared>> -> memref<10000x16xf32, #tpu.memory_space<vmem_shared>>
        tpu.wait_indirect_dma semaphore(%arg12 : memref<!tpu.dma_semaphore, #tpu.memory_space<semaphore_mem>>) src(%dma_wait3A_294 : memref<10000x16xf32, #tpu.memory_space<vmem_shared>>) dst(%dma_wait3A_288 : memref<128x16xf32, #tpu.memory_space<vmem>>)
        %dma_wait3A_295 = arith.constant 256 : i32
        %dma_wait3A_296 = arith.constant 0 : i32
        %dma_wait3A_297 = tpu.memref_slice %arg10[%dma_wait3A_295, %dma_wait3A_296] : memref<1024x16xf32, #tpu.memory_space<vmem>> -> memref<128x16xf32, #tpu.memory_space<vmem>>
        %dma_wait3A_298 = arith.constant 0 : i32
        %dma_wait3A_299 = tpu.memref_slice %arg8[%add3A_112, %dma_wait3A_298] : memref<80x128xi32, #tpu.memory_space<vmem>> -> memref<1x128xi32, #tpu.memory_space<vmem>>
        %dma_wait3A_300 = tpu.memref_squeeze %dma_wait3A_299 : memref<1x128xi32, #tpu.memory_space<vmem>> -> memref<128xi32, #tpu.memory_space<vmem>>
        %dma_wait3A_301 = arith.constant 0 : i32
        %dma_wait3A_302 = arith.constant 0 : i32
        %dma_wait3A_303 = tpu.memref_slice %arg11[%dma_wait3A_301, %dma_wait3A_302] : memref<10000x16xf32, #tpu.memory_space<vmem_shared>> -> memref<10000x16xf32, #tpu.memory_space<vmem_shared>>
        tpu.wait_indirect_dma semaphore(%arg13 : memref<!tpu.dma_semaphore, #tpu.memory_space<semaphore_mem>>) src(%dma_wait3A_303 : memref<10000x16xf32, #tpu.memory_space<vmem_shared>>) dst(%dma_wait3A_297 : memref<128x16xf32, #tpu.memory_space<vmem>>)
        %dma_wait3A_304 = arith.constant 384 : i32
        %dma_wait3A_305 = arith.constant 0 : i32
        %dma_wait3A_306 = tpu.memref_slice %arg9[%dma_wait3A_304, %dma_wait3A_305] : memref<1024x16xf32, #tpu.memory_space<vmem>> -> memref<128x16xf32, #tpu.memory_space<vmem>>
        %dma_wait3A_307 = arith.constant 0 : i32
        %dma_wait3A_308 = tpu.memref_slice %arg7[%add3A_134, %dma_wait3A_307] : memref<80x128xi32, #tpu.memory_space<vmem>> -> memref<1x128xi32, #tpu.memory_space<vmem>>
        %dma_wait3A_309 = tpu.memref_squeeze %dma_wait3A_308 : memref<1x128xi32, #tpu.memory_space<vmem>> -> memref<128xi32, #tpu.memory_space<vmem>>
        %dma_wait3A_310 = arith.constant 0 : i32
        %dma_wait3A_311 = arith.constant 0 : i32
        %dma_wait3A_312 = tpu.memref_slice %arg11[%dma_wait3A_310, %dma_wait3A_311] : memref<10000x16xf32, #tpu.memory_space<vmem_shared>> -> memref<10000x16xf32, #tpu.memory_space<vmem_shared>>
        tpu.wait_indirect_dma semaphore(%arg12 : memref<!tpu.dma_semaphore, #tpu.memory_space<semaphore_mem>>) src(%dma_wait3A_312 : memref<10000x16xf32, #tpu.memory_space<vmem_shared>>) dst(%dma_wait3A_306 : memref<128x16xf32, #tpu.memory_space<vmem>>)
        %dma_wait3A_313 = arith.constant 384 : i32
        %dma_wait3A_314 = arith.constant 0 : i32
        %dma_wait3A_315 = tpu.memref_slice %arg10[%dma_wait3A_313, %dma_wait3A_314] : memref<1024x16xf32, #tpu.memory_space<vmem>> -> memref<128x16xf32, #tpu.memory_space<vmem>>
        %dma_wait3A_316 = arith.constant 0 : i32
        %dma_wait3A_317 = tpu.memref_slice %arg8[%add3A_134, %dma_wait3A_316] : memref<80x128xi32, #tpu.memory_space<vmem>> -> memref<1x128xi32, #tpu.memory_space<vmem>>
        %dma_wait3A_318 = tpu.memref_squeeze %dma_wait3A_317 : memref<1x128xi32, #tpu.memory_space<vmem>> -> memref<128xi32, #tpu.memory_space<vmem>>
        %dma_wait3A_319 = arith.constant 0 : i32
        %dma_wait3A_320 = arith.constant 0 : i32
        %dma_wait3A_321 = tpu.memref_slice %arg11[%dma_wait3A_319, %dma_wait3A_320] : memref<10000x16xf32, #tpu.memory_space<vmem_shared>> -> memref<10000x16xf32, #tpu.memory_space<vmem_shared>>
        tpu.wait_indirect_dma semaphore(%arg13 : memref<!tpu.dma_semaphore, #tpu.memory_space<semaphore_mem>>) src(%dma_wait3A_321 : memref<10000x16xf32, #tpu.memory_space<vmem_shared>>) dst(%dma_wait3A_315 : memref<128x16xf32, #tpu.memory_space<vmem>>)
        %mul3A_322 = arith.constant 2 : i32
        %mul3A_323 = arith.muli %mul3A_322, %scan3A_57 : i32
        %add3A_324 = arith.constant 0 : i32
        %add3A_325 = arith.addi %mul3A_323, %add3A_324 : i32
        %mul3A_326 = arith.constant 512 : i32
        %mul3A_327 = arith.muli %add3A_325, %mul3A_326 : i32
        %add3A_328 = arith.addi %mul3A_12, %mul3A_327 : i32
        %dma_start3A_329 = arith.constant 0 : i32
        %dma_start3A_330 = arith.constant 0 : i32
        %dma_start3A_331 = tpu.memref_slice %arg9[%dma_start3A_329, %dma_start3A_330] : memref<1024x16xf32, #tpu.memory_space<vmem>> -> memref<512x16xf32, #tpu.memory_space<vmem>>
        %dma_start3A_332 = arith.constant 0 : i32
        %dma_start3A_333 = tpu.memref_slice %arg5[%add3A_328, %dma_start3A_332] : memref<327680x16xf32, #tpu.memory_space<hbm>> -> memref<512x16xf32, #tpu.memory_space<hbm>>
        %dma_start3A_334 = arith.constant 0 : i32
        %dma_start3A_335 = tpu.memref_slice %arg5[%add3A_328, %dma_start3A_334] : memref<327680x16xf32, #tpu.memory_space<hbm>> -> memref<512x16xf32, #tpu.memory_space<hbm>>
        %dma_start3A_336 = arith.constant 0 : i32
        %dma_start3A_337 = arith.constant 0 : i32
        %dma_start3A_338 = tpu.memref_slice %arg9[%dma_start3A_336, %dma_start3A_337] : memref<1024x16xf32, #tpu.memory_space<vmem>> -> memref<512x16xf32, #tpu.memory_space<vmem>>
        tpu.enqueue_dma source(%dma_start3A_338 : memref<512x16xf32, #tpu.memory_space<vmem>>) target(%dma_start3A_335 : memref<512x16xf32, #tpu.memory_space<hbm>>) target_semaphore(%arg16 : memref<!tpu.dma_semaphore, #tpu.memory_space<semaphore_mem>>)
        %dma_start3A_339 = arith.constant 0 : i32
        %dma_start3A_340 = arith.constant 0 : i32
        %dma_start3A_341 = tpu.memref_slice %arg10[%dma_start3A_339, %dma_start3A_340] : memref<1024x16xf32, #tpu.memory_space<vmem>> -> memref<512x16xf32, #tpu.memory_space<vmem>>
        %dma_start3A_342 = arith.constant 0 : i32
        %dma_start3A_343 = tpu.memref_slice %arg6[%add3A_328, %dma_start3A_342] : memref<327680x16xf32, #tpu.memory_space<hbm>> -> memref<512x16xf32, #tpu.memory_space<hbm>>
        %dma_start3A_344 = arith.constant 0 : i32
        %dma_start3A_345 = tpu.memref_slice %arg6[%add3A_328, %dma_start3A_344] : memref<327680x16xf32, #tpu.memory_space<hbm>> -> memref<512x16xf32, #tpu.memory_space<hbm>>
        %dma_start3A_346 = arith.constant 0 : i32
        %dma_start3A_347 = arith.constant 0 : i32
        %dma_start3A_348 = tpu.memref_slice %arg10[%dma_start3A_346, %dma_start3A_347] : memref<1024x16xf32, #tpu.memory_space<vmem>> -> memref<512x16xf32, #tpu.memory_space<vmem>>
        tpu.enqueue_dma source(%dma_start3A_348 : memref<512x16xf32, #tpu.memory_space<vmem>>) target(%dma_start3A_345 : memref<512x16xf32, #tpu.memory_space<hbm>>) target_semaphore(%arg16 : memref<!tpu.dma_semaphore, #tpu.memory_space<semaphore_mem>>)
        %dma_wait3A_349 = arith.constant 512 : i32
        %dma_wait3A_350 = arith.constant 0 : i32
        %dma_wait3A_351 = tpu.memref_slice %arg9[%dma_wait3A_349, %dma_wait3A_350] : memref<1024x16xf32, #tpu.memory_space<vmem>> -> memref<128x16xf32, #tpu.memory_space<vmem>>
        %dma_wait3A_352 = arith.constant 0 : i32
        %dma_wait3A_353 = tpu.memref_slice %arg7[%add3A_165, %dma_wait3A_352] : memref<80x128xi32, #tpu.memory_space<vmem>> -> memref<1x128xi32, #tpu.memory_space<vmem>>
        %dma_wait3A_354 = tpu.memref_squeeze %dma_wait3A_353 : memref<1x128xi32, #tpu.memory_space<vmem>> -> memref<128xi32, #tpu.memory_space<vmem>>
        %dma_wait3A_355 = arith.constant 0 : i32
        %dma_wait3A_356 = arith.constant 0 : i32
        %dma_wait3A_357 = tpu.memref_slice %arg11[%dma_wait3A_355, %dma_wait3A_356] : memref<10000x16xf32, #tpu.memory_space<vmem_shared>> -> memref<10000x16xf32, #tpu.memory_space<vmem_shared>>
        tpu.wait_indirect_dma semaphore(%arg14 : memref<!tpu.dma_semaphore, #tpu.memory_space<semaphore_mem>>) src(%dma_wait3A_357 : memref<10000x16xf32, #tpu.memory_space<vmem_shared>>) dst(%dma_wait3A_351 : memref<128x16xf32, #tpu.memory_space<vmem>>)
        %dma_wait3A_358 = arith.constant 512 : i32
        %dma_wait3A_359 = arith.constant 0 : i32
        %dma_wait3A_360 = tpu.memref_slice %arg10[%dma_wait3A_358, %dma_wait3A_359] : memref<1024x16xf32, #tpu.memory_space<vmem>> -> memref<128x16xf32, #tpu.memory_space<vmem>>
        %dma_wait3A_361 = arith.constant 0 : i32
        %dma_wait3A_362 = tpu.memref_slice %arg8[%add3A_165, %dma_wait3A_361] : memref<80x128xi32, #tpu.memory_space<vmem>> -> memref<1x128xi32, #tpu.memory_space<vmem>>
        %dma_wait3A_363 = tpu.memref_squeeze %dma_wait3A_362 : memref<1x128xi32, #tpu.memory_space<vmem>> -> memref<128xi32, #tpu.memory_space<vmem>>
        %dma_wait3A_364 = arith.constant 0 : i32
        %dma_wait3A_365 = arith.constant 0 : i32
        %dma_wait3A_366 = tpu.memref_slice %arg11[%dma_wait3A_364, %dma_wait3A_365] : memref<10000x16xf32, #tpu.memory_space<vmem_shared>> -> memref<10000x16xf32, #tpu.memory_space<vmem_shared>>
        tpu.wait_indirect_dma semaphore(%arg15 : memref<!tpu.dma_semaphore, #tpu.memory_space<semaphore_mem>>) src(%dma_wait3A_366 : memref<10000x16xf32, #tpu.memory_space<vmem_shared>>) dst(%dma_wait3A_360 : memref<128x16xf32, #tpu.memory_space<vmem>>)
        %dma_wait3A_367 = arith.constant 640 : i32
        %dma_wait3A_368 = arith.constant 0 : i32
        %dma_wait3A_369 = tpu.memref_slice %arg9[%dma_wait3A_367, %dma_wait3A_368] : memref<1024x16xf32, #tpu.memory_space<vmem>> -> memref<128x16xf32, #tpu.memory_space<vmem>>
        %dma_wait3A_370 = arith.constant 0 : i32
        %dma_wait3A_371 = tpu.memref_slice %arg7[%add3A_187, %dma_wait3A_370] : memref<80x128xi32, #tpu.memory_space<vmem>> -> memref<1x128xi32, #tpu.memory_space<vmem>>
        %dma_wait3A_372 = tpu.memref_squeeze %dma_wait3A_371 : memref<1x128xi32, #tpu.memory_space<vmem>> -> memref<128xi32, #tpu.memory_space<vmem>>
        %dma_wait3A_373 = arith.constant 0 : i32
        %dma_wait3A_374 = arith.constant 0 : i32
        %dma_wait3A_375 = tpu.memref_slice %arg11[%dma_wait3A_373, %dma_wait3A_374] : memref<10000x16xf32, #tpu.memory_space<vmem_shared>> -> memref<10000x16xf32, #tpu.memory_space<vmem_shared>>
        tpu.wait_indirect_dma semaphore(%arg14 : memref<!tpu.dma_semaphore, #tpu.memory_space<semaphore_mem>>) src(%dma_wait3A_375 : memref<10000x16xf32, #tpu.memory_space<vmem_shared>>) dst(%dma_wait3A_369 : memref<128x16xf32, #tpu.memory_space<vmem>>)
        %dma_wait3A_376 = arith.constant 640 : i32
        %dma_wait3A_377 = arith.constant 0 : i32
        %dma_wait3A_378 = tpu.memref_slice %arg10[%dma_wait3A_376, %dma_wait3A_377] : memref<1024x16xf32, #tpu.memory_space<vmem>> -> memref<128x16xf32, #tpu.memory_space<vmem>>
        %dma_wait3A_379 = arith.constant 0 : i32
        %dma_wait3A_380 = tpu.memref_slice %arg8[%add3A_187, %dma_wait3A_379] : memref<80x128xi32, #tpu.memory_space<vmem>> -> memref<1x128xi32, #tpu.memory_space<vmem>>
        %dma_wait3A_381 = tpu.memref_squeeze %dma_wait3A_380 : memref<1x128xi32, #tpu.memory_space<vmem>> -> memref<128xi32, #tpu.memory_space<vmem>>
        %dma_wait3A_382 = arith.constant 0 : i32
        %dma_wait3A_383 = arith.constant 0 : i32
        %dma_wait3A_384 = tpu.memref_slice %arg11[%dma_wait3A_382, %dma_wait3A_383] : memref<10000x16xf32, #tpu.memory_space<vmem_shared>> -> memref<10000x16xf32, #tpu.memory_space<vmem_shared>>
        tpu.wait_indirect_dma semaphore(%arg15 : memref<!tpu.dma_semaphore, #tpu.memory_space<semaphore_mem>>) src(%dma_wait3A_384 : memref<10000x16xf32, #tpu.memory_space<vmem_shared>>) dst(%dma_wait3A_378 : memref<128x16xf32, #tpu.memory_space<vmem>>)
        %dma_wait3A_385 = arith.constant 768 : i32
        %dma_wait3A_386 = arith.constant 0 : i32
        %dma_wait3A_387 = tpu.memref_slice %arg9[%dma_wait3A_385, %dma_wait3A_386] : memref<1024x16xf32, #tpu.memory_space<vmem>> -> memref<128x16xf32, #tpu.memory_space<vmem>>
        %dma_wait3A_388 = arith.constant 0 : i32
        %dma_wait3A_389 = tpu.memref_slice %arg7[%add3A_209, %dma_wait3A_388] : memref<80x128xi32, #tpu.memory_space<vmem>> -> memref<1x128xi32, #tpu.memory_space<vmem>>
        %dma_wait3A_390 = tpu.memref_squeeze %dma_wait3A_389 : memref<1x128xi32, #tpu.memory_space<vmem>> -> memref<128xi32, #tpu.memory_space<vmem>>
        %dma_wait3A_391 = arith.constant 0 : i32
        %dma_wait3A_392 = arith.constant 0 : i32
        %dma_wait3A_393 = tpu.memref_slice %arg11[%dma_wait3A_391, %dma_wait3A_392] : memref<10000x16xf32, #tpu.memory_space<vmem_shared>> -> memref<10000x16xf32, #tpu.memory_space<vmem_shared>>
        tpu.wait_indirect_dma semaphore(%arg14 : memref<!tpu.dma_semaphore, #tpu.memory_space<semaphore_mem>>) src(%dma_wait3A_393 : memref<10000x16xf32, #tpu.memory_space<vmem_shared>>) dst(%dma_wait3A_387 : memref<128x16xf32, #tpu.memory_space<vmem>>)
        %dma_wait3A_394 = arith.constant 768 : i32
        %dma_wait3A_395 = arith.constant 0 : i32
        %dma_wait3A_396 = tpu.memref_slice %arg10[%dma_wait3A_394, %dma_wait3A_395] : memref<1024x16xf32, #tpu.memory_space<vmem>> -> memref<128x16xf32, #tpu.memory_space<vmem>>
        %dma_wait3A_397 = arith.constant 0 : i32
        %dma_wait3A_398 = tpu.memref_slice %arg8[%add3A_209, %dma_wait3A_397] : memref<80x128xi32, #tpu.memory_space<vmem>> -> memref<1x128xi32, #tpu.memory_space<vmem>>
        %dma_wait3A_399 = tpu.memref_squeeze %dma_wait3A_398 : memref<1x128xi32, #tpu.memory_space<vmem>> -> memref<128xi32, #tpu.memory_space<vmem>>
        %dma_wait3A_400 = arith.constant 0 : i32
        %dma_wait3A_401 = arith.constant 0 : i32
        %dma_wait3A_402 = tpu.memref_slice %arg11[%dma_wait3A_400, %dma_wait3A_401] : memref<10000x16xf32, #tpu.memory_space<vmem_shared>> -> memref<10000x16xf32, #tpu.memory_space<vmem_shared>>
        tpu.wait_indirect_dma semaphore(%arg15 : memref<!tpu.dma_semaphore, #tpu.memory_space<semaphore_mem>>) src(%dma_wait3A_402 : memref<10000x16xf32, #tpu.memory_space<vmem_shared>>) dst(%dma_wait3A_396 : memref<128x16xf32, #tpu.memory_space<vmem>>)
        %dma_wait3A_403 = arith.constant 896 : i32
        %dma_wait3A_404 = arith.constant 0 : i32
        %dma_wait3A_405 = tpu.memref_slice %arg9[%dma_wait3A_403, %dma_wait3A_404] : memref<1024x16xf32, #tpu.memory_space<vmem>> -> memref<128x16xf32, #tpu.memory_space<vmem>>
        %dma_wait3A_406 = arith.constant 0 : i32
        %dma_wait3A_407 = tpu.memref_slice %arg7[%add3A_231, %dma_wait3A_406] : memref<80x128xi32, #tpu.memory_space<vmem>> -> memref<1x128xi32, #tpu.memory_space<vmem>>
        %dma_wait3A_408 = tpu.memref_squeeze %dma_wait3A_407 : memref<1x128xi32, #tpu.memory_space<vmem>> -> memref<128xi32, #tpu.memory_space<vmem>>
        %dma_wait3A_409 = arith.constant 0 : i32
        %dma_wait3A_410 = arith.constant 0 : i32
        %dma_wait3A_411 = tpu.memref_slice %arg11[%dma_wait3A_409, %dma_wait3A_410] : memref<10000x16xf32, #tpu.memory_space<vmem_shared>> -> memref<10000x16xf32, #tpu.memory_space<vmem_shared>>
        tpu.wait_indirect_dma semaphore(%arg14 : memref<!tpu.dma_semaphore, #tpu.memory_space<semaphore_mem>>) src(%dma_wait3A_411 : memref<10000x16xf32, #tpu.memory_space<vmem_shared>>) dst(%dma_wait3A_405 : memref<128x16xf32, #tpu.memory_space<vmem>>)
        %dma_wait3A_412 = arith.constant 896 : i32
        %dma_wait3A_413 = arith.constant 0 : i32
        %dma_wait3A_414 = tpu.memref_slice %arg10[%dma_wait3A_412, %dma_wait3A_413] : memref<1024x16xf32, #tpu.memory_space<vmem>> -> memref<128x16xf32, #tpu.memory_space<vmem>>
        %dma_wait3A_415 = arith.constant 0 : i32
        %dma_wait3A_416 = tpu.memref_slice %arg8[%add3A_231, %dma_wait3A_415] : memref<80x128xi32, #tpu.memory_space<vmem>> -> memref<1x128xi32, #tpu.memory_space<vmem>>
        %dma_wait3A_417 = tpu.memref_squeeze %dma_wait3A_416 : memref<1x128xi32, #tpu.memory_space<vmem>> -> memref<128xi32, #tpu.memory_space<vmem>>
        %dma_wait3A_418 = arith.constant 0 : i32
        %dma_wait3A_419 = arith.constant 0 : i32
        %dma_wait3A_420 = tpu.memref_slice %arg11[%dma_wait3A_418, %dma_wait3A_419] : memref<10000x16xf32, #tpu.memory_space<vmem_shared>> -> memref<10000x16xf32, #tpu.memory_space<vmem_shared>>
        tpu.wait_indirect_dma semaphore(%arg15 : memref<!tpu.dma_semaphore, #tpu.memory_space<semaphore_mem>>) src(%dma_wait3A_420 : memref<10000x16xf32, #tpu.memory_space<vmem_shared>>) dst(%dma_wait3A_414 : memref<128x16xf32, #tpu.memory_space<vmem>>)
        %mul3A_421 = arith.constant 2 : i32
        %mul3A_422 = arith.muli %mul3A_421, %scan3A_57 : i32
        %add3A_423 = arith.constant 1 : i32
        %add3A_424 = arith.addi %mul3A_422, %add3A_423 : i32
        %mul3A_425 = arith.constant 512 : i32
        %mul3A_426 = arith.muli %add3A_424, %mul3A_425 : i32
        %add3A_427 = arith.addi %mul3A_12, %mul3A_426 : i32
        %dma_start3A_428 = arith.constant 512 : i32
        %dma_start3A_429 = arith.constant 0 : i32
        %dma_start3A_430 = tpu.memref_slice %arg9[%dma_start3A_428, %dma_start3A_429] : memref<1024x16xf32, #tpu.memory_space<vmem>> -> memref<512x16xf32, #tpu.memory_space<vmem>>
        %dma_start3A_431 = arith.constant 0 : i32
        %dma_start3A_432 = tpu.memref_slice %arg5[%add3A_427, %dma_start3A_431] : memref<327680x16xf32, #tpu.memory_space<hbm>> -> memref<512x16xf32, #tpu.memory_space<hbm>>
        %dma_start3A_433 = arith.constant 0 : i32
        %dma_start3A_434 = tpu.memref_slice %arg5[%add3A_427, %dma_start3A_433] : memref<327680x16xf32, #tpu.memory_space<hbm>> -> memref<512x16xf32, #tpu.memory_space<hbm>>
        %dma_start3A_435 = arith.constant 512 : i32
        %dma_start3A_436 = arith.constant 0 : i32
        %dma_start3A_437 = tpu.memref_slice %arg9[%dma_start3A_435, %dma_start3A_436] : memref<1024x16xf32, #tpu.memory_space<vmem>> -> memref<512x16xf32, #tpu.memory_space<vmem>>
        tpu.enqueue_dma source(%dma_start3A_437 : memref<512x16xf32, #tpu.memory_space<vmem>>) target(%dma_start3A_434 : memref<512x16xf32, #tpu.memory_space<hbm>>) target_semaphore(%arg17 : memref<!tpu.dma_semaphore, #tpu.memory_space<semaphore_mem>>)
        %dma_start3A_438 = arith.constant 512 : i32
        %dma_start3A_439 = arith.constant 0 : i32
        %dma_start3A_440 = tpu.memref_slice %arg10[%dma_start3A_438, %dma_start3A_439] : memref<1024x16xf32, #tpu.memory_space<vmem>> -> memref<512x16xf32, #tpu.memory_space<vmem>>
        %dma_start3A_441 = arith.constant 0 : i32
        %dma_start3A_442 = tpu.memref_slice %arg6[%add3A_427, %dma_start3A_441] : memref<327680x16xf32, #tpu.memory_space<hbm>> -> memref<512x16xf32, #tpu.memory_space<hbm>>
        %dma_start3A_443 = arith.constant 0 : i32
        %dma_start3A_444 = tpu.memref_slice %arg6[%add3A_427, %dma_start3A_443] : memref<327680x16xf32, #tpu.memory_space<hbm>> -> memref<512x16xf32, #tpu.memory_space<hbm>>
        %dma_start3A_445 = arith.constant 512 : i32
        %dma_start3A_446 = arith.constant 0 : i32
        %dma_start3A_447 = tpu.memref_slice %arg10[%dma_start3A_445, %dma_start3A_446] : memref<1024x16xf32, #tpu.memory_space<vmem>> -> memref<512x16xf32, #tpu.memory_space<vmem>>
        tpu.enqueue_dma source(%dma_start3A_447 : memref<512x16xf32, #tpu.memory_space<vmem>>) target(%dma_start3A_444 : memref<512x16xf32, #tpu.memory_space<hbm>>) target_semaphore(%arg17 : memref<!tpu.dma_semaphore, #tpu.memory_space<semaphore_mem>>)
      }
      %scan3A_17 = arith.constant 10 : i32
      %dma_wait3A = arith.constant 0 : i32
      %dma_wait3A_18 = arith.constant 0 : i32
      %dma_wait3A_19 = tpu.memref_slice %arg9[%dma_wait3A, %dma_wait3A_18] : memref<1024x16xf32, #tpu.memory_space<vmem>> -> memref<512x16xf32, #tpu.memory_space<vmem>>
      %dma_wait3A_20 = arith.constant 0 : i32
      %dma_wait3A_21 = tpu.memref_slice %arg5[%mul3A_12, %dma_wait3A_20] : memref<327680x16xf32, #tpu.memory_space<hbm>> -> memref<512x16xf32, #tpu.memory_space<hbm>>
      %dma_wait3A_22 = arith.constant 0 : i32
      %dma_wait3A_23 = tpu.memref_slice %arg5[%mul3A_12, %dma_wait3A_22] : memref<327680x16xf32, #tpu.memory_space<hbm>> -> memref<512x16xf32, #tpu.memory_space<hbm>>
      %dma_wait3A_24 = arith.constant 0 : i32
      %dma_wait3A_25 = arith.constant 0 : i32
      %dma_wait3A_26 = tpu.memref_slice %arg9[%dma_wait3A_24, %dma_wait3A_25] : memref<1024x16xf32, #tpu.memory_space<vmem>> -> memref<512x16xf32, #tpu.memory_space<vmem>>
      tpu.wait_dma2 semaphore(%arg16 : memref<!tpu.dma_semaphore, #tpu.memory_space<semaphore_mem>>) src(%dma_wait3A_26 : memref<512x16xf32, #tpu.memory_space<vmem>>) dst(%dma_wait3A_23 : memref<512x16xf32, #tpu.memory_space<hbm>>)
      %dma_wait3A_27 = arith.constant 0 : i32
      %dma_wait3A_28 = arith.constant 0 : i32
      %dma_wait3A_29 = tpu.memref_slice %arg10[%dma_wait3A_27, %dma_wait3A_28] : memref<1024x16xf32, #tpu.memory_space<vmem>> -> memref<512x16xf32, #tpu.memory_space<vmem>>
      %dma_wait3A_30 = arith.constant 0 : i32
      %dma_wait3A_31 = tpu.memref_slice %arg6[%mul3A_12, %dma_wait3A_30] : memref<327680x16xf32, #tpu.memory_space<hbm>> -> memref<512x16xf32, #tpu.memory_space<hbm>>
      %dma_wait3A_32 = arith.constant 0 : i32
      %dma_wait3A_33 = tpu.memref_slice %arg6[%mul3A_12, %dma_wait3A_32] : memref<327680x16xf32, #tpu.memory_space<hbm>> -> memref<512x16xf32, #tpu.memory_space<hbm>>
      %dma_wait3A_34 = arith.constant 0 : i32
      %dma_wait3A_35 = arith.constant 0 : i32
      %dma_wait3A_36 = tpu.memref_slice %arg10[%dma_wait3A_34, %dma_wait3A_35] : memref<1024x16xf32, #tpu.memory_space<vmem>> -> memref<512x16xf32, #tpu.memory_space<vmem>>
      tpu.wait_dma2 semaphore(%arg16 : memref<!tpu.dma_semaphore, #tpu.memory_space<semaphore_mem>>) src(%dma_wait3A_36 : memref<512x16xf32, #tpu.memory_space<vmem>>) dst(%dma_wait3A_33 : memref<512x16xf32, #tpu.memory_space<hbm>>)
      %dma_wait3A_37 = arith.constant 512 : i32
      %dma_wait3A_38 = arith.constant 0 : i32
      %dma_wait3A_39 = tpu.memref_slice %arg9[%dma_wait3A_37, %dma_wait3A_38] : memref<1024x16xf32, #tpu.memory_space<vmem>> -> memref<512x16xf32, #tpu.memory_space<vmem>>
      %dma_wait3A_40 = arith.constant 0 : i32
      %dma_wait3A_41 = tpu.memref_slice %arg5[%mul3A_12, %dma_wait3A_40] : memref<327680x16xf32, #tpu.memory_space<hbm>> -> memref<512x16xf32, #tpu.memory_space<hbm>>
      %dma_wait3A_42 = arith.constant 0 : i32
      %dma_wait3A_43 = tpu.memref_slice %arg5[%mul3A_12, %dma_wait3A_42] : memref<327680x16xf32, #tpu.memory_space<hbm>> -> memref<512x16xf32, #tpu.memory_space<hbm>>
      %dma_wait3A_44 = arith.constant 512 : i32
      %dma_wait3A_45 = arith.constant 0 : i32
      %dma_wait3A_46 = tpu.memref_slice %arg9[%dma_wait3A_44, %dma_wait3A_45] : memref<1024x16xf32, #tpu.memory_space<vmem>> -> memref<512x16xf32, #tpu.memory_space<vmem>>
      tpu.wait_dma2 semaphore(%arg17 : memref<!tpu.dma_semaphore, #tpu.memory_space<semaphore_mem>>) src(%dma_wait3A_46 : memref<512x16xf32, #tpu.memory_space<vmem>>) dst(%dma_wait3A_43 : memref<512x16xf32, #tpu.memory_space<hbm>>)
      %dma_wait3A_47 = arith.constant 512 : i32
      %dma_wait3A_48 = arith.constant 0 : i32
      %dma_wait3A_49 = tpu.memref_slice %arg10[%dma_wait3A_47, %dma_wait3A_48] : memref<1024x16xf32, #tpu.memory_space<vmem>> -> memref<512x16xf32, #tpu.memory_space<vmem>>
      %dma_wait3A_50 = arith.constant 0 : i32
      %dma_wait3A_51 = tpu.memref_slice %arg6[%mul3A_12, %dma_wait3A_50] : memref<327680x16xf32, #tpu.memory_space<hbm>> -> memref<512x16xf32, #tpu.memory_space<hbm>>
      %dma_wait3A_52 = arith.constant 0 : i32
      %dma_wait3A_53 = tpu.memref_slice %arg6[%mul3A_12, %dma_wait3A_52] : memref<327680x16xf32, #tpu.memory_space<hbm>> -> memref<512x16xf32, #tpu.memory_space<hbm>>
      %dma_wait3A_54 = arith.constant 512 : i32
      %dma_wait3A_55 = arith.constant 0 : i32
      %dma_wait3A_56 = tpu.memref_slice %arg10[%dma_wait3A_54, %dma_wait3A_55] : memref<1024x16xf32, #tpu.memory_space<vmem>> -> memref<512x16xf32, #tpu.memory_space<vmem>>
      tpu.wait_dma2 semaphore(%arg17 : memref<!tpu.dma_semaphore, #tpu.memory_space<semaphore_mem>>) src(%dma_wait3A_56 : memref<512x16xf32, #tpu.memory_space<vmem>>) dst(%dma_wait3A_53 : memref<512x16xf32, #tpu.memory_space<hbm>>)
    } else {
    }
    return
  }
}

module attributes {stable_mosaic.version = 14 : i64} {
  func.func @_teff_body(%arg0: i32, %arg1: memref<2560x128xi32, #tpu.memory_space<vmem>>, %arg2: memref<2560x128xi32, #tpu.memory_space<vmem>>, %arg3: memref<2560x128xi32, #tpu.memory_space<vmem>>) attributes {dimension_semantics = [#tpu.dimension_semantics<arbitrary>], iteration_bounds = array<i64: 1>, scalar_prefetch = 0 : i64, scratch_operands = 0 : i64, tpu.core_type = #tpu.core_type<tc>, window_params = [{pipeline_mode = #tpu.pipeline_mode<synchronous>, transform_indices = @transform_0, window_bounds = array<i64: 2560, 128>}, {pipeline_mode = #tpu.pipeline_mode<synchronous>, transform_indices = @transform_1, window_bounds = array<i64: 2560, 128>}, {pipeline_mode = #tpu.pipeline_mode<synchronous>, transform_indices = @transform_2, window_bounds = array<i64: 2560, 128>}]} {
    %get3A = arith.constant 0 : index
    %get3A_0 = arith.constant 0 : index
    %get3A_1 = vector.load %arg1[%get3A, %get3A_0] : memref<2560x128xi32, #tpu.memory_space<vmem>>, vector<2560x128xi32>
    %get3A_2 = arith.constant 0 : index
    %get3A_3 = arith.constant 0 : index
    %get3A_4 = vector.load %arg2[%get3A_2, %get3A_3] : memref<2560x128xi32, #tpu.memory_space<vmem>>, vector<2560x128xi32>
    %rem3A = arith.constant 2500 : i32
    %rem3A_5 = vector.broadcast %rem3A : i32 to vector<2560x128xi32>
    %rem3A_6 = arith.remsi %get3A_1, %rem3A_5 : vector<2560x128xi32>
    %sub3A = arith.subi %get3A_1, %rem3A_6 : vector<2560x128xi32>
    %rem3A_7 = arith.constant 2500 : i32
    %rem3A_8 = vector.broadcast %rem3A_7 : i32 to vector<2560x128xi32>
    %rem3A_9 = arith.remsi %get3A_4, %rem3A_8 : vector<2560x128xi32>
    %add3A = arith.addi %sub3A, %rem3A_9 : vector<2560x128xi32>
    %swap3A = arith.constant 0 : index
    %swap3A_10 = arith.constant 0 : index
    %swap3A_11 = vector.load %arg3[%swap3A, %swap3A_10] : memref<2560x128xi32, #tpu.memory_space<vmem>>, vector<2560x128xi32>
    tpu.vector_store %arg3[%swap3A, %swap3A_10], %add3A {strides = array<i32>} : memref<2560x128xi32, #tpu.memory_space<vmem>>, vector<2560x128xi32>,
    return
  }
  func.func @transform_0(%arg0: i32) -> (i32, i32) {
    %c0_i32 = arith.constant 0 : i32
    %c0_i32_0 = arith.constant 0 : i32
    %c0_i32_1 = arith.constant 0 : i32
    return %c0_i32, %c0_i32_0 : i32, i32
  }
  func.func @transform_1(%arg0: i32) -> (i32, i32) {
    %c0_i32 = arith.constant 0 : i32
    %c0_i32_0 = arith.constant 0 : i32
    %c0_i32_1 = arith.constant 0 : i32
    return %c0_i32, %c0_i32_0 : i32, i32
  }
  func.func @transform_2(%arg0: i32) -> (i32, i32) {
    %c0_i32 = arith.constant 0 : i32
    %c0_i32_0 = arith.constant 0 : i32
    %c0_i32_1 = arith.constant 0 : i32
    return %c0_i32, %c0_i32_0 : i32, i32
  }
}

module attributes {stable_mosaic.version = 14 : i64} {
  func.func @_edge_body(%arg0: i32, %arg1: memref<512x128xf32, #tpu.memory_space<vmem>>, %arg2: memref<512x128xf32, #tpu.memory_space<vmem>>, %arg3: memref<64x256xf32, #tpu.memory_space<vmem>>, %arg4: memref<1x256xf32, #tpu.memory_space<vmem>>, %arg5: memref<256x16xf32, #tpu.memory_space<vmem>>, %arg6: memref<1x16xf32, #tpu.memory_space<vmem>>, %arg7: memref<16x16xf32, #tpu.memory_space<vmem>>, %arg8: memref<16x16xf32, #tpu.memory_space<vmem>>, %arg9: memref<32x64xf32, #tpu.memory_space<vmem>>, %arg10: memref<32x16xf32, #tpu.memory_space<vmem>>, %arg11: memref<512x128xf32, #tpu.memory_space<vmem>>) attributes {dimension_semantics = [#tpu.dimension_semantics<arbitrary>], iteration_bounds = array<i64: 80>, scalar_prefetch = 0 : i64, scratch_operands = 0 : i64, tpu.core_type = #tpu.core_type<tc>, window_params = [{transform_indices = @transform_0, window_bounds = array<i64: 512, 128>}, {transform_indices = @transform_1, window_bounds = array<i64: 512, 128>}, {pipeline_mode = #tpu.pipeline_mode<synchronous>, transform_indices = @transform_2, window_bounds = array<i64: 64, 256>}, {pipeline_mode = #tpu.pipeline_mode<synchronous>, transform_indices = @transform_3, window_bounds = array<i64: 1, 256>}, {pipeline_mode = #tpu.pipeline_mode<synchronous>, transform_indices = @transform_4, window_bounds = array<i64: 256, 16>}, {pipeline_mode = #tpu.pipeline_mode<synchronous>, transform_indices = @transform_5, window_bounds = array<i64: 1, 16>}, {pipeline_mode = #tpu.pipeline_mode<synchronous>, transform_indices = @transform_6, window_bounds = array<i64: 16, 16>}, {pipeline_mode = #tpu.pipeline_mode<synchronous>, transform_indices = @transform_7, window_bounds = array<i64: 16, 16>}, {pipeline_mode = #tpu.pipeline_mode<synchronous>, transform_indices = @transform_8, window_bounds = array<i64: 32, 64>}, {pipeline_mode = #tpu.pipeline_mode<synchronous>, transform_indices = @transform_9, window_bounds = array<i64: 32, 16>}, {transform_indices = @transform_10, window_bounds = array<i64: 512, 128>}]} {
    %get3A = arith.constant 0 : index
    %get3A_0 = arith.constant 0 : index
    %get3A_1 = vector.load %arg1[%get3A, %get3A_0] : memref<512x128xf32, #tpu.memory_space<vmem>>, vector<512x128xf32>
    %get3A_2 = arith.constant 0 : index
    %get3A_3 = arith.constant 0 : index
    %get3A_4 = vector.load %arg2[%get3A_2, %get3A_3] : memref<512x128xf32, #tpu.memory_space<vmem>>, vector<512x128xf32>
    %slice3A = vector.extract_strided_slice %get3A_1 {offsets = [0, 0], sizes = [512, 16], strides = [1, 1]} : vector<512x128xf32> to vector<512x16xf32>
    %slice3A_5 = vector.extract_strided_slice %get3A_1 {offsets = [0, 16], sizes = [512, 16], strides = [1, 1]} : vector<512x128xf32> to vector<512x16xf32>
    %slice3A_6 = vector.extract_strided_slice %get3A_1 {offsets = [0, 32], sizes = [512, 16], strides = [1, 1]} : vector<512x128xf32> to vector<512x16xf32>
    %slice3A_7 = vector.extract_strided_slice %get3A_1 {offsets = [0, 48], sizes = [512, 16], strides = [1, 1]} : vector<512x128xf32> to vector<512x16xf32>
    %slice3A_8 = vector.extract_strided_slice %get3A_1 {offsets = [0, 64], sizes = [512, 16], strides = [1, 1]} : vector<512x128xf32> to vector<512x16xf32>
    %slice3A_9 = vector.extract_strided_slice %get3A_1 {offsets = [0, 80], sizes = [512, 16], strides = [1, 1]} : vector<512x128xf32> to vector<512x16xf32>
    %slice3A_10 = vector.extract_strided_slice %get3A_1 {offsets = [0, 96], sizes = [512, 16], strides = [1, 1]} : vector<512x128xf32> to vector<512x16xf32>
    %slice3A_11 = vector.extract_strided_slice %get3A_1 {offsets = [0, 112], sizes = [512, 16], strides = [1, 1]} : vector<512x128xf32> to vector<512x16xf32>
    %concatenate3A = tpu.concatenate %slice3A, %slice3A_5, %slice3A_6, %slice3A_7, %slice3A_8, %slice3A_9, %slice3A_10, %slice3A_11 in 0 : vector<512x16xf32>, vector<512x16xf32>, vector<512x16xf32>, vector<512x16xf32>, vector<512x16xf32>, vector<512x16xf32>, vector<512x16xf32>, vector<512x16xf32> -> vector<4096x16xf32>
    %slice3A_12 = vector.extract_strided_slice %get3A_4 {offsets = [0, 0], sizes = [512, 16], strides = [1, 1]} : vector<512x128xf32> to vector<512x16xf32>
    %slice3A_13 = vector.extract_strided_slice %get3A_4 {offsets = [0, 16], sizes = [512, 16], strides = [1, 1]} : vector<512x128xf32> to vector<512x16xf32>
    %slice3A_14 = vector.extract_strided_slice %get3A_4 {offsets = [0, 32], sizes = [512, 16], strides = [1, 1]} : vector<512x128xf32> to vector<512x16xf32>
    %slice3A_15 = vector.extract_strided_slice %get3A_4 {offsets = [0, 48], sizes = [512, 16], strides = [1, 1]} : vector<512x128xf32> to vector<512x16xf32>
    %slice3A_16 = vector.extract_strided_slice %get3A_4 {offsets = [0, 64], sizes = [512, 16], strides = [1, 1]} : vector<512x128xf32> to vector<512x16xf32>
    %slice3A_17 = vector.extract_strided_slice %get3A_4 {offsets = [0, 80], sizes = [512, 16], strides = [1, 1]} : vector<512x128xf32> to vector<512x16xf32>
    %slice3A_18 = vector.extract_strided_slice %get3A_4 {offsets = [0, 96], sizes = [512, 16], strides = [1, 1]} : vector<512x128xf32> to vector<512x16xf32>
    %slice3A_19 = vector.extract_strided_slice %get3A_4 {offsets = [0, 112], sizes = [512, 16], strides = [1, 1]} : vector<512x128xf32> to vector<512x16xf32>
    %concatenate3A_20 = tpu.concatenate %slice3A_12, %slice3A_13, %slice3A_14, %slice3A_15, %slice3A_16, %slice3A_17, %slice3A_18, %slice3A_19 in 0 : vector<512x16xf32>, vector<512x16xf32>, vector<512x16xf32>, vector<512x16xf32>, vector<512x16xf32>, vector<512x16xf32>, vector<512x16xf32>, vector<512x16xf32> -> vector<4096x16xf32>
    %iota3A = tpu.iota {dimensions = array<i32: 1>} : vector<4096x16xi32>
    %sub3A = arith.subf %concatenate3A, %concatenate3A_20 : vector<4096x16xf32>
    %mul3A = arith.mulf %sub3A, %sub3A : vector<4096x16xf32>
    %concatenate3A_21 = tpu.concatenate %concatenate3A, %concatenate3A_20 in 1 : vector<4096x16xf32>, vector<4096x16xf32> -> vector<4096x32xf32>
    %get3A_22 = arith.constant 0 : index
    %get3A_23 = arith.constant 0 : index
    %get3A_24 = vector.load %arg9[%get3A_22, %get3A_23] : memref<32x64xf32, #tpu.memory_space<vmem>>, vector<32x64xf32>
    %dot_general3A = arith.constant dense<0.000000e+00> : vector<4096x64xf32>
    %dot_general3A_25 = tpu.matmul %concatenate3A_21, %get3A_24, %dot_general3A {dimension_numbers = #tpu.dot_dimension_numbers<[1], [0], [0], [1], [0, 0, 1, 1], [], []>, transpose_lhs_hint = false} : vector<4096x32xf32>, vector<32x64xf32>, vector<4096x64xf32> -> vector<4096x64xf32>
    %slice3A_26 = vector.extract_strided_slice %dot_general3A_25 {offsets = [0, 0], sizes = [4096, 32], strides = [1, 1]} : vector<4096x64xf32> to vector<4096x32xf32>
    %slice3A_27 = vector.extract_strided_slice %dot_general3A_25 {offsets = [0, 32], sizes = [4096, 32], strides = [1, 1]} : vector<4096x64xf32> to vector<4096x32xf32>
    %mul3A_28 = arith.mulf %slice3A_26, %slice3A_27 : vector<4096x32xf32>
    %get3A_29 = arith.constant 0 : index
    %get3A_30 = arith.constant 0 : index
    %get3A_31 = vector.load %arg10[%get3A_29, %get3A_30] : memref<32x16xf32, #tpu.memory_space<vmem>>, vector<32x16xf32>
    %dot_general3A_32 = arith.constant dense<0.000000e+00> : vector<4096x16xf32>
    %dot_general3A_33 = tpu.matmul %mul3A_28, %get3A_31, %dot_general3A_32 {dimension_numbers = #tpu.dot_dimension_numbers<[1], [0], [0], [1], [0, 0, 1, 1], [], []>, transpose_lhs_hint = false} : vector<4096x32xf32>, vector<32x16xf32>, vector<4096x16xf32> -> vector<4096x16xf32>
    %mul3A_34 = arith.mulf %dot_general3A_33, %dot_general3A_33 : vector<4096x16xf32>
    %get3A_35 = arith.constant 0 : index
    %get3A_36 = arith.constant 0 : index
    %get3A_37 = vector.load %arg7[%get3A_35, %get3A_36] : memref<16x16xf32, #tpu.memory_space<vmem>>, vector<16x16xf32>
    %dot_general3A_38 = arith.constant dense<0.000000e+00> : vector<4096x16xf32>
    %dot_general3A_39 = tpu.matmul %mul3A_34, %get3A_37, %dot_general3A_38 {dimension_numbers = #tpu.dot_dimension_numbers<[1], [0], [0], [1], [0, 0, 1, 1], [], []>, transpose_lhs_hint = false} : vector<4096x16xf32>, vector<16x16xf32>, vector<4096x16xf32> -> vector<4096x16xf32>
    %sqrt3A = math.sqrt %dot_general3A_39 : vector<4096x16xf32>
    %eq3A = arith.constant 6 : i32
    %eq3A_40 = vector.broadcast %eq3A : i32 to vector<4096x16xi32>
    %eq3A_41 = arith.cmpi eq, %iota3A, %eq3A_40 : vector<4096x16xi32>
    %lt3A = arith.constant 3 : i32
    %lt3A_42 = vector.broadcast %lt3A : i32 to vector<4096x16xi32>
    %lt3A_43 = arith.cmpi slt, %iota3A, %lt3A_42 : vector<4096x16xi32>
    %jit3A = arith.constant 0.000000e+00 : f32
    %broadcast_in_dim3A = vector.broadcast %jit3A : f32 to vector<4096x16xf32>
    %select_n3A = arith.select %lt3A_43, %mul3A, %broadcast_in_dim3A : vector<4096x16xi1>, vector<4096x16xf32>
    %select_n3A_44 = arith.select %eq3A_41, %sqrt3A, %select_n3A : vector<4096x16xi1>, vector<4096x16xf32>
    %concatenate3A_45 = tpu.concatenate %concatenate3A_21, %dot_general3A_33, %select_n3A_44 in 1 : vector<4096x32xf32>, vector<4096x16xf32>, vector<4096x16xf32> -> vector<4096x64xf32>
    %get3A_46 = arith.constant 0 : index
    %get3A_47 = arith.constant 0 : index
    %get3A_48 = vector.load %arg3[%get3A_46, %get3A_47] : memref<64x256xf32, #tpu.memory_space<vmem>>, vector<64x256xf32>
    %dot_general3A_49 = arith.constant dense<0.000000e+00> : vector<4096x256xf32>
    %dot_general3A_50 = tpu.matmul %concatenate3A_45, %get3A_48, %dot_general3A_49 {dimension_numbers = #tpu.dot_dimension_numbers<[1], [0], [0], [1], [0, 0, 1, 1], [], []>, transpose_lhs_hint = false} : vector<4096x64xf32>, vector<64x256xf32>, vector<4096x256xf32> -> vector<4096x256xf32>
    %get3A_51 = arith.constant 0 : index
    %get3A_52 = arith.constant 0 : index
    %get3A_53 = vector.load %arg4[%get3A_51, %get3A_52] : memref<1x256xf32, #tpu.memory_space<vmem>>, vector<1x256xf32>
    %add3A = vector.broadcast %get3A_53 : vector<1x256xf32> to vector<4096x256xf32>
    %add3A_54 = arith.addf %dot_general3A_50, %add3A : vector<4096x256xf32>
    %tanh3A = math.tanh %add3A_54 : vector<4096x256xf32>
    %get3A_55 = arith.constant 0 : index
    %get3A_56 = arith.constant 0 : index
    %get3A_57 = vector.load %arg5[%get3A_55, %get3A_56] : memref<256x16xf32, #tpu.memory_space<vmem>>, vector<256x16xf32>
    %dot_general3A_58 = arith.constant dense<0.000000e+00> : vector<4096x16xf32>
    %dot_general3A_59 = tpu.matmul %tanh3A, %get3A_57, %dot_general3A_58 {dimension_numbers = #tpu.dot_dimension_numbers<[1], [0], [0], [1], [0, 0, 1, 1], [], []>, transpose_lhs_hint = false} : vector<4096x256xf32>, vector<256x16xf32>, vector<4096x16xf32> -> vector<4096x16xf32>
    %get3A_60 = arith.constant 0 : index
    %get3A_61 = arith.constant 0 : index
    %get3A_62 = vector.load %arg6[%get3A_60, %get3A_61] : memref<1x16xf32, #tpu.memory_space<vmem>>, vector<1x16xf32>
    %add3A_63 = vector.broadcast %get3A_62 : vector<1x16xf32> to vector<4096x16xf32>
    %add3A_64 = arith.addf %dot_general3A_59, %add3A_63 : vector<4096x16xf32>
    %get3A_65 = arith.constant 0 : index
    %get3A_66 = arith.constant 0 : index
    %get3A_67 = vector.load %arg8[%get3A_65, %get3A_66] : memref<16x16xf32, #tpu.memory_space<vmem>>, vector<16x16xf32>
    %dot_general3A_68 = arith.constant dense<0.000000e+00> : vector<4096x16xf32>
    %dot_general3A_69 = tpu.matmul %add3A_64, %get3A_67, %dot_general3A_68 {dimension_numbers = #tpu.dot_dimension_numbers<[1], [0], [0], [1], [0, 0, 1, 1], [], []>, transpose_lhs_hint = false} : vector<4096x16xf32>, vector<16x16xf32>, vector<4096x16xf32> -> vector<4096x16xf32>
    %logistic3A = arith.negf %dot_general3A_69 : vector<4096x16xf32>
    %logistic3A_70 = math.exp %logistic3A : vector<4096x16xf32>
    %logistic3A_71 = arith.constant 1.000000e+00 : f32
    %logistic3A_72 = vector.broadcast %logistic3A_71 : f32 to vector<4096x16xf32>
    %logistic3A_73 = arith.addf %logistic3A_72, %logistic3A_70 : vector<4096x16xf32>
    %logistic3A_74 = arith.divf %logistic3A_72, %logistic3A_73 : vector<4096x16xf32>
    %iota3A_75 = tpu.iota {dimensions = array<i32: 0>} : vector<4096x16xi32>
    %jit3A_76 = arith.constant 512 : i32
    %eq3A_77 = arith.constant 0 : i32
    %eq3A_78 = arith.cmpi eq, %jit3A_76, %eq3A_77 : i32
    %jit3A_79 = arith.constant 1 : i32
    %select_n3A_80 = arith.select %eq3A_78, %jit3A_79, %jit3A_76 : i32
    %rem3A = vector.broadcast %select_n3A_80 : i32 to vector<4096x16xi32>
    %rem3A_81 = arith.remsi %iota3A_75, %rem3A : vector<4096x16xi32>
    %ne3A = arith.constant 0 : i32
    %ne3A_82 = vector.broadcast %ne3A : i32 to vector<4096x16xi32>
    %ne3A_83 = arith.cmpi ne, %rem3A_81, %ne3A_82 : vector<4096x16xi32>
    %lt3A_84 = arith.constant 0 : i32
    %lt3A_85 = vector.broadcast %lt3A_84 : i32 to vector<4096x16xi32>
    %lt3A_86 = arith.cmpi slt, %rem3A_81, %lt3A_85 : vector<4096x16xi32>
    %lt3A_87 = arith.constant 0 : i32
    %lt3A_88 = arith.cmpi slt, %select_n3A_80, %lt3A_87 : i32
    %ne3A_89 = vector.broadcast %lt3A_88 : i1 to vector<4096x16xi1>
    %ne3A_90 = vector.broadcast %ne3A_89 : vector<4096x16xi1> to vector<4096x16xi1>
    %ne3A_91 = arith.xori %lt3A_86, %ne3A_90 : vector<4096x16xi1>
    %and3A = arith.andi %ne3A_91, %ne3A_83 : vector<4096x16xi1>
    %add3A_92 = vector.broadcast %select_n3A_80 : i32 to vector<4096x16xi32>
    %add3A_93 = arith.addi %rem3A_81, %add3A_92 : vector<4096x16xi32>
    %select_n3A_94 = arith.select %and3A, %add3A_93, %rem3A_81 : vector<4096x16xi1>, vector<4096x16xi32>
    %mul3A_95 = arith.constant 8 : i32
    %mul3A_96 = vector.broadcast %mul3A_95 : i32 to vector<4096x16xi32>
    %mul3A_97 = arith.muli %mul3A_96, %select_n3A_94 : vector<4096x16xi32>
    %jit3A_98 = arith.constant 512 : i32
    %div3A = vector.broadcast %jit3A_98 : i32 to vector<4096x16xi32>
    %div3A_99 = arith.divsi %iota3A_75, %div3A : vector<4096x16xi32>
    %sign3A = arith.constant 0 : i32
    %sign3A_100 = vector.broadcast %sign3A : i32 to vector<4096x16xi32>
    %sign3A_101 = arith.cmpi sgt, %iota3A_75, %sign3A_100 : vector<4096x16xi32>
    %sign3A_102 = arith.extui %sign3A_101 : vector<4096x16xi1> to vector<4096x16xi32>
    %sign3A_103 = arith.constant 0 : i32
    %sign3A_104 = vector.broadcast %sign3A_103 : i32 to vector<4096x16xi32>
    %sign3A_105 = arith.cmpi slt, %iota3A_75, %sign3A_104 : vector<4096x16xi32>
    %sign3A_106 = arith.extui %sign3A_105 : vector<4096x16xi1> to vector<4096x16xi32>
    %sign3A_107 = arith.subi %sign3A_102, %sign3A_106 : vector<4096x16xi32>
    %sign3A_108 = arith.constant 0 : i32
    %sign3A_109 = arith.cmpi sgt, %jit3A_98, %sign3A_108 : i32
    %sign3A_110 = arith.extui %sign3A_109 : i1 to i32
    %sign3A_111 = arith.constant 0 : i32
    %sign3A_112 = arith.cmpi slt, %jit3A_98, %sign3A_111 : i32
    %sign3A_113 = arith.extui %sign3A_112 : i1 to i32
    %sign3A_114 = arith.subi %sign3A_110, %sign3A_113 : i32
    %ne3A_115 = vector.broadcast %sign3A_114 : i32 to vector<4096x16xi32>
    %ne3A_116 = arith.cmpi ne, %sign3A_107, %ne3A_115 : vector<4096x16xi32>
    %rem3A_117 = vector.broadcast %jit3A_98 : i32 to vector<4096x16xi32>
    %rem3A_118 = arith.remsi %iota3A_75, %rem3A_117 : vector<4096x16xi32>
    %ne3A_119 = arith.constant 0 : i32
    %ne3A_120 = vector.broadcast %ne3A_119 : i32 to vector<4096x16xi32>
    %ne3A_121 = arith.cmpi ne, %rem3A_118, %ne3A_120 : vector<4096x16xi32>
    %and3A_122 = arith.andi %ne3A_116, %ne3A_121 : vector<4096x16xi1>
    %sub3A_123 = arith.constant 1 : i32
    %sub3A_124 = vector.broadcast %sub3A_123 : i32 to vector<4096x16xi32>
    %sub3A_125 = arith.subi %div3A_99, %sub3A_124 : vector<4096x16xi32>
    %select_n3A_126 = arith.select %and3A_122, %sub3A_125, %div3A_99 : vector<4096x16xi1>, vector<4096x16xi32>
    %add3A_127 = arith.addi %mul3A_97, %select_n3A_126 : vector<4096x16xi32>
    %mul3A_128 = arith.constant 4096 : i32
    %mul3A_129 = arith.muli %arg0, %mul3A_128 : i32
    %add3A_130 = vector.broadcast %mul3A_129 : i32 to vector<4096x16xi32>
    %add3A_131 = arith.addi %add3A_127, %add3A_130 : vector<4096x16xi32>
    %lt3A_132 = arith.constant 13 : i32
    %lt3A_133 = vector.broadcast %lt3A_132 : i32 to vector<4096x16xi32>
    %lt3A_134 = arith.cmpi slt, %iota3A, %lt3A_133 : vector<4096x16xi32>
    %lt3A_135 = arith.constant 320000 : i32
    %lt3A_136 = vector.broadcast %lt3A_135 : i32 to vector<4096x16xi32>
    %lt3A_137 = arith.cmpi slt, %add3A_131, %lt3A_136 : vector<4096x16xi32>
    %and3A_138 = arith.andi %lt3A_134, %lt3A_137 : vector<4096x16xi1>
    %mul3A_139 = arith.mulf %add3A_64, %logistic3A_74 : vector<4096x16xf32>
    %jit3A_140 = arith.constant 0.000000e+00 : f32
    %broadcast_in_dim3A_141 = vector.broadcast %jit3A_140 : f32 to vector<4096x16xf32>
    %select_n3A_142 = arith.select %and3A_138, %mul3A_139, %broadcast_in_dim3A_141 : vector<4096x16xi1>, vector<4096x16xf32>
    %slice3A_143 = vector.extract_strided_slice %select_n3A_142 {offsets = [0, 0], sizes = [512, 16], strides = [1, 1]} : vector<4096x16xf32> to vector<512x16xf32>
    %slice3A_144 = vector.extract_strided_slice %select_n3A_142 {offsets = [512, 0], sizes = [512, 16], strides = [1, 1]} : vector<4096x16xf32> to vector<512x16xf32>
    %slice3A_145 = vector.extract_strided_slice %select_n3A_142 {offsets = [1024, 0], sizes = [512, 16], strides = [1, 1]} : vector<4096x16xf32> to vector<512x16xf32>
    %slice3A_146 = vector.extract_strided_slice %select_n3A_142 {offsets = [1536, 0], sizes = [512, 16], strides = [1, 1]} : vector<4096x16xf32> to vector<512x16xf32>
    %slice3A_147 = vector.extract_strided_slice %select_n3A_142 {offsets = [2048, 0], sizes = [512, 16], strides = [1, 1]} : vector<4096x16xf32> to vector<512x16xf32>
    %slice3A_148 = vector.extract_strided_slice %select_n3A_142 {offsets = [2560, 0], sizes = [512, 16], strides = [1, 1]} : vector<4096x16xf32> to vector<512x16xf32>
    %slice3A_149 = vector.extract_strided_slice %select_n3A_142 {offsets = [3072, 0], sizes = [512, 16], strides = [1, 1]} : vector<4096x16xf32> to vector<512x16xf32>
    %slice3A_150 = vector.extract_strided_slice %select_n3A_142 {offsets = [3584, 0], sizes = [512, 16], strides = [1, 1]} : vector<4096x16xf32> to vector<512x16xf32>
    %concatenate3A_151 = tpu.concatenate %slice3A_143, %slice3A_144, %slice3A_145, %slice3A_146, %slice3A_147, %slice3A_148, %slice3A_149, %slice3A_150 in 1 : vector<512x16xf32>, vector<512x16xf32>, vector<512x16xf32>, vector<512x16xf32>, vector<512x16xf32>, vector<512x16xf32>, vector<512x16xf32>, vector<512x16xf32> -> vector<512x128xf32>
    %swap3A = arith.constant 0 : index
    %swap3A_152 = arith.constant 0 : index
    %swap3A_153 = vector.load %arg11[%swap3A, %swap3A_152] : memref<512x128xf32, #tpu.memory_space<vmem>>, vector<512x128xf32>
    tpu.vector_store %arg11[%swap3A, %swap3A_152], %concatenate3A_151 {strides = array<i32>} : memref<512x128xf32, #tpu.memory_space<vmem>>, vector<512x128xf32>,
    return
  }
  func.func @transform_0(%arg0: i32) -> (i32, i32) {
    %c0_i32 = arith.constant 0 : i32
    %c0_i32_0 = arith.constant 0 : i32
    return %arg0, %c0_i32 : i32, i32
  }
  func.func @transform_1(%arg0: i32) -> (i32, i32) {
    %c0_i32 = arith.constant 0 : i32
    %c0_i32_0 = arith.constant 0 : i32
    return %arg0, %c0_i32 : i32, i32
  }
  func.func @transform_2(%arg0: i32) -> (i32, i32) {
    %c0_i32 = arith.constant 0 : i32
    %c0_i32_0 = arith.constant 0 : i32
    %c0_i32_1 = arith.constant 0 : i32
    return %c0_i32, %c0_i32_0 : i32, i32
  }
  func.func @transform_3(%arg0: i32) -> (i32, i32) {
    %c0_i32 = arith.constant 0 : i32
    %c0_i32_0 = arith.constant 0 : i32
    %c0_i32_1 = arith.constant 0 : i32
    return %c0_i32, %c0_i32_0 : i32, i32
  }
  func.func @transform_4(%arg0: i32) -> (i32, i32) {
    %c0_i32 = arith.constant 0 : i32
    %c0_i32_0 = arith.constant 0 : i32
    %c0_i32_1 = arith.constant 0 : i32
    return %c0_i32, %c0_i32_0 : i32, i32
  }
  func.func @transform_5(%arg0: i32) -> (i32, i32) {
    %c0_i32 = arith.constant 0 : i32
    %c0_i32_0 = arith.constant 0 : i32
    %c0_i32_1 = arith.constant 0 : i32
    return %c0_i32, %c0_i32_0 : i32, i32
  }
  func.func @transform_6(%arg0: i32) -> (i32, i32) {
    %c0_i32 = arith.constant 0 : i32
    %c0_i32_0 = arith.constant 0 : i32
    %c0_i32_1 = arith.constant 0 : i32
    return %c0_i32, %c0_i32_0 : i32, i32
  }
  func.func @transform_7(%arg0: i32) -> (i32, i32) {
    %c0_i32 = arith.constant 0 : i32
    %c0_i32_0 = arith.constant 0 : i32
    %c0_i32_1 = arith.constant 0 : i32
    return %c0_i32, %c0_i32_0 : i32, i32
  }
  func.func @transform_8(%arg0: i32) -> (i32, i32) {
    %c0_i32 = arith.constant 0 : i32
    %c0_i32_0 = arith.constant 0 : i32
    %c0_i32_1 = arith.constant 0 : i32
    return %c0_i32, %c0_i32_0 : i32, i32
  }
  func.func @transform_9(%arg0: i32) -> (i32, i32) {
    %c0_i32 = arith.constant 0 : i32
    %c0_i32_0 = arith.constant 0 : i32
    %c0_i32_1 = arith.constant 0 : i32
    return %c0_i32, %c0_i32_0 : i32, i32
  }
  func.func @transform_10(%arg0: i32) -> (i32, i32) {
    %c0_i32 = arith.constant 0 : i32
    %c0_i32_0 = arith.constant 0 : i32
    return %arg0, %c0_i32 : i32, i32
  }
}

module attributes {stable_mosaic.version = 14 : i64} {
  func.func @_node_body(%arg0: i32, %arg1: memref<2000x16xf32, #tpu.memory_space<vmem>>, %arg2: memref<2x2000x16xf32, #tpu.memory_space<vmem>>, %arg3: memref<26x128xf32, #tpu.memory_space<vmem>>, %arg4: memref<1x128xf32, #tpu.memory_space<vmem>>, %arg5: memref<128x13xf32, #tpu.memory_space<vmem>>, %arg6: memref<1x13xf32, #tpu.memory_space<vmem>>, %arg7: memref<2000x13xf32, #tpu.memory_space<vmem>>) attributes {dimension_semantics = [#tpu.dimension_semantics<arbitrary>], iteration_bounds = array<i64: 5>, scalar_prefetch = 0 : i64, scratch_operands = 0 : i64, tpu.core_type = #tpu.core_type<tc>, window_params = [{transform_indices = @transform_0, window_bounds = array<i64: 2000, 16>}, {transform_indices = @transform_1, window_bounds = array<i64: 2, 2000, 16>}, {pipeline_mode = #tpu.pipeline_mode<synchronous>, transform_indices = @transform_2, window_bounds = array<i64: 26, 128>}, {pipeline_mode = #tpu.pipeline_mode<synchronous>, transform_indices = @transform_3, window_bounds = array<i64: 1, 128>}, {pipeline_mode = #tpu.pipeline_mode<synchronous>, transform_indices = @transform_4, window_bounds = array<i64: 128, 13>}, {pipeline_mode = #tpu.pipeline_mode<synchronous>, transform_indices = @transform_5, window_bounds = array<i64: 1, 13>}, {transform_indices = @transform_6, window_bounds = array<i64: 2000, 13>}]} {
    %get3A = arith.constant 0 : index
    %get3A_0 = arith.constant 0 : index
    %get3A_1 = vector.load %arg1[%get3A, %get3A_0] : memref<2000x16xf32, #tpu.memory_space<vmem>>, vector<2000x16xf32>
    %get3A_2 = arith.constant 0 : index
    %get3A_3 = arith.constant 0 : index
    %get3A_4 = arith.constant 0 : index
    %get3A_5 = vector.load %arg2[%get3A_2, %get3A_3, %get3A_4] : memref<2x2000x16xf32, #tpu.memory_space<vmem>>, vector<1x2000x16xf32>
    %get3A_6 = vector.shape_cast %get3A_5 : vector<1x2000x16xf32> to vector<2000x16xf32>
    %get3A_7 = arith.constant 1 : index
    %get3A_8 = arith.constant 0 : index
    %get3A_9 = arith.constant 0 : index
    %get3A_10 = vector.load %arg2[%get3A_7, %get3A_8, %get3A_9] : memref<2x2000x16xf32, #tpu.memory_space<vmem>>, vector<1x2000x16xf32>
    %get3A_11 = vector.shape_cast %get3A_10 : vector<1x2000x16xf32> to vector<2000x16xf32>
    %add3A = arith.addf %get3A_6, %get3A_11 : vector<2000x16xf32>
    %slice3A = vector.extract_strided_slice %get3A_1 {offsets = [0, 0], sizes = [2000, 13], strides = [1, 1]} : vector<2000x16xf32> to vector<2000x13xf32>
    %slice3A_12 = vector.extract_strided_slice %add3A {offsets = [0, 0], sizes = [2000, 13], strides = [1, 1]} : vector<2000x16xf32> to vector<2000x13xf32>
    %concatenate3A = tpu.concatenate %slice3A, %slice3A_12 in 1 : vector<2000x13xf32>, vector<2000x13xf32> -> vector<2000x26xf32>
    %get3A_13 = arith.constant 0 : index
    %get3A_14 = arith.constant 0 : index
    %get3A_15 = vector.load %arg3[%get3A_13, %get3A_14] : memref<26x128xf32, #tpu.memory_space<vmem>>, vector<26x128xf32>
    %dot_general3A = arith.constant dense<0.000000e+00> : vector<2000x128xf32>
    %dot_general3A_16 = tpu.matmul %concatenate3A, %get3A_15, %dot_general3A {dimension_numbers = #tpu.dot_dimension_numbers<[1], [0], [0], [1], [0, 0, 1, 1], [], []>, transpose_lhs_hint = false} : vector<2000x26xf32>, vector<26x128xf32>, vector<2000x128xf32> -> vector<2000x128xf32>
    %get3A_17 = arith.constant 0 : index
    %get3A_18 = arith.constant 0 : index
    %get3A_19 = vector.load %arg4[%get3A_17, %get3A_18] : memref<1x128xf32, #tpu.memory_space<vmem>>, vector<1x128xf32>
    %add3A_20 = vector.broadcast %get3A_19 : vector<1x128xf32> to vector<2000x128xf32>
    %add3A_21 = arith.addf %dot_general3A_16, %add3A_20 : vector<2000x128xf32>
    %tanh3A = math.tanh %add3A_21 : vector<2000x128xf32>
    %get3A_22 = arith.constant 0 : index
    %get3A_23 = arith.constant 0 : index
    %get3A_24 = vector.load %arg5[%get3A_22, %get3A_23] : memref<128x13xf32, #tpu.memory_space<vmem>>, vector<128x13xf32>
    %dot_general3A_25 = arith.constant dense<0.000000e+00> : vector<2000x13xf32>
    %dot_general3A_26 = tpu.matmul %tanh3A, %get3A_24, %dot_general3A_25 {dimension_numbers = #tpu.dot_dimension_numbers<[1], [0], [0], [1], [0, 0, 1, 1], [], []>, transpose_lhs_hint = false} : vector<2000x128xf32>, vector<128x13xf32>, vector<2000x13xf32> -> vector<2000x13xf32>
    %get3A_27 = arith.constant 0 : index
    %get3A_28 = arith.constant 0 : index
    %get3A_29 = vector.load %arg6[%get3A_27, %get3A_28] : memref<1x13xf32, #tpu.memory_space<vmem>>, vector<1x13xf32>
    %add3A_30 = vector.broadcast %get3A_29 : vector<1x13xf32> to vector<2000x13xf32>
    %add3A_31 = arith.addf %dot_general3A_26, %add3A_30 : vector<2000x13xf32>
    %swap3A = arith.constant 0 : index
    %swap3A_32 = arith.constant 0 : index
    %swap3A_33 = vector.load %arg7[%swap3A, %swap3A_32] : memref<2000x13xf32, #tpu.memory_space<vmem>>, vector<2000x13xf32>
    tpu.vector_store %arg7[%swap3A, %swap3A_32], %add3A_31 {strides = array<i32>} : memref<2000x13xf32, #tpu.memory_space<vmem>>, vector<2000x13xf32>,
    return
  }
  func.func @transform_0(%arg0: i32) -> (i32, i32) {
    %c0_i32 = arith.constant 0 : i32
    %c0_i32_0 = arith.constant 0 : i32
    return %arg0, %c0_i32 : i32, i32
  }
  func.func @transform_1(%arg0: i32) -> (i32, i32, i32) {
    %c0_i32 = arith.constant 0 : i32
    %c0_i32_0 = arith.constant 0 : i32
    %c0_i32_1 = arith.constant 0 : i32
    return %c0_i32, %arg0, %c0_i32_0 : i32, i32, i32
  }
  func.func @transform_2(%arg0: i32) -> (i32, i32) {
    %c0_i32 = arith.constant 0 : i32
    %c0_i32_0 = arith.constant 0 : i32
    %c0_i32_1 = arith.constant 0 : i32
    return %c0_i32, %c0_i32_0 : i32, i32
  }
  func.func @transform_3(%arg0: i32) -> (i32, i32) {
    %c0_i32 = arith.constant 0 : i32
    %c0_i32_0 = arith.constant 0 : i32
    %c0_i32_1 = arith.constant 0 : i32
    return %c0_i32, %c0_i32_0 : i32, i32
  }
  func.func @transform_4(%arg0: i32) -> (i32, i32) {
    %c0_i32 = arith.constant 0 : i32
    %c0_i32_0 = arith.constant 0 : i32
    %c0_i32_1 = arith.constant 0 : i32
    return %c0_i32, %c0_i32_0 : i32, i32
  }
  func.func @transform_5(%arg0: i32) -> (i32, i32) {
    %c0_i32 = arith.constant 0 : i32
    %c0_i32_0 = arith.constant 0 : i32
    %c0_i32_1 = arith.constant 0 : i32
    return %c0_i32, %c0_i32_0 : i32, i32
  }
  func.func @transform_6(%arg0: i32) -> (i32, i32) {
    %c0_i32 = arith.constant 0 : i32
    %c0_i32_0 = arith.constant 0 : i32
    return %arg0, %c0_i32 : i32, i32
  }
}

</mosaic_0001>

<sc_bundles>
// kernel: kernel.10.cloned.1.call-start
scs
__scs_entry_jumppad:
0x0: {  	(pc) =	sbr.rel $0x88, $3  }
0x1: {  	(tag) =	ssettag $0x0;
	lr =	simm.s32 $0x1  }
0x2: {  	[smem:$0x3F93] =	sst lr;
	_ =	strace $0xD0000000  }
0x3: {  	_ = 	snop  }
0x4: {  	_ = 	snop  }
0x5: {  	_ = 	snop  }
0x6: {  	_ = 	snop  }
0x7: {  	_ = 	snop  }
__scs_overlays_trampoline_lowered:
0x8: {  	[smem:$0x3FA2] =	sst s0  }
0x9: {  	[smem:$0x3FA3] =	sst s1  }
0xa: {  	[smem:$0x3FA4] =	sst s2  }
0xb: {  	[smem:$0x3FA5] =	sst s3  }
0xc: {  	[smem:$0x3FA6] =	sst s4  }
0xd: {  	[smem:$0x3FA7] =	sst s5  }
0xe: {  	[smem:$0x3FA8] =	sst s6  }
0xf: {  	[smem:$0x3FA9] =	sst s7  }
0x10: {  	[smem:$0x3FAA] =	sst s8  }
0x11: {  	[smem:$0x3FAB] =	sst s9;
	s0 =	simm.s32 @!p0 $0x0  }
0x12: {  	s1 =	sld [smem:$0x3F91];
	s0 =	simm.s32 @p0 $0x1  }
0x13: {  	[smem:$0x3FAC] =	sst s0;
	s0 =	simm.s32 @!p1 $0x0  }
0x14: {  	s2 =	sld [smem:$0x3F90];
	s0 =	simm.s32 @p1 $0x1  }
0x15: {  	[smem:$0x3FAD] =	sst s0;
	s0 =	simm.s32 @!p2 $0x0  }
0x16: {  	s3 =	sld [smem:$0x3FDB];
	s0 =	simm.s32 @p2 $0x1  }
0x17: {  	s4 =	simm.s32 $0x1BF5;
	[smem:$0x3FAF] =	sst s0  }
0x18: {  	s0 =	sld [smem:$0x3F92];
	_ =	swait.ge [sflag:s4], $0x0  }
0x19: {  	s7 =	sld [smem:$0x3F93]  }
0x1a: {  	s8 =	sadd.s32 $0xFFFFE003, lr  }
0x1b: {  	s9 =	sadd.s32 $0xFFFFFEF7, lr;
	s5 =	simm.s32 $0xFFFFFFFF;
	p2 =	slt.u32 s8, $0xFFFFF086  }
0x1c: {  	p1 =	slt.u32 s9, $0xF7A;
	s5 =	simm.s32 @!p2 $0x0  }
0x1d: {  	s5 =	simm.s32 @p1 $0x1;
	p0 =	seq.s32 s7, s2  }
0x1e: {  	s7 =	smul.u32 @!p0 $0xF7A, s2;
	p2 =	seq.s32 @!p0 s5, $0x0  }
0x1f: {  	s9 =	smul.u32 $0xF7A, s1;
	s8 =	simm.s32 @!p0 $0x1BF5;
	p2 =	por !p2, p0  }
0x20: {  	[sflag:s8] =	ssyncset.s32 @!p0 $0xFFFFF086;
	s6 =	sadd.s32 @!p0 s3, s7;
	s7 =	simm.s32 @!p0 $0x108  }
0x21: {  	s3 =	sadd.s32 s3, s9;
	s6 =	sadd.s32 @!p0 $0x88, s6;
	s7 =	simm.s32 @p2 $0x1082  }
0x22: {  	[simem:s7], [sflag:s8] =	dma.local @!p0 [hbm:s6], $0xF7A  }
0x23: {  	s9 =	sor.u32 $0xD0000000, s2;
	s6 =	simm.s32 $0x108;
	_ =	swait.ge @!p0 [sflag:s8], $0x0  }
0x24: {  	s3 =	sadd.s32 $0x88, s3;
	s6 =	simm.s32 @!p1 $0x1082;
	[sflag:s4] =	ssyncset.s32 $0xFFFFF086  }
0x25: {  	[simem:s6], [sflag:s4] =	dma.local [hbm:s3], $0xF7A  }
0x26: {  	[smem:$0x3F93] =	sst s1;
	(tag) =	ssettag s2;
	_ =	strace s9  }
0x27: {  	s1 =	sld [smem:$0x3FA3]  }
0x28: {  	s2 =	sld [smem:$0x3FA4]  }
0x29: {  	s4 =	sld [smem:$0x3FA6]  }
0x2a: {  	p0 =	seq.s32 s5, $0x0;
	s5 =	sld [smem:$0x3FA7]  }
0x2b: {  	s6 =	sld [smem:$0x3FA8]  }
0x2c: {  	s7 =	sld [smem:$0x3FA9]  }
0x2d: {  	s3 =	simm.s32 $0x108;
	s8 =	sld [smem:$0x3FAA]  }
0x2e: {  	s3 =	simm.s32 @!p0 $0x1082;
	s9 =	sld [smem:$0x3FAB]  }
0x2f: {  	lr =	sadd.s32 s0, s3;
	s0 =	sld [smem:$0x3FA2]  }
0x30: {  	s3 =	sld [smem:$0x3FA5]  }
0x31: {  	[smem:$0x3FAE] =	sst s10  }
0x32: {  	s10 =	sld [smem:$0x3FAC];
	_ =	sdelay $0x3  }
0x33: {  	p0 =	seq.s32 s10, $0x1;
	s10 =	sld [smem:$0x3FAE];
	_ =	sdelay $0x3  }
0x34: {  	[smem:$0x3FAE] =	sst s10  }
0x35: {  	s10 =	sld [smem:$0x3FAD];
	_ =	sdelay $0x3  }
0x36: {  	p1 =	seq.s32 s10, $0x1;
	s10 =	sld [smem:$0x3FAE];
	_ =	sdelay $0x3  }
0x37: {  	[smem:$0x3FAE] =	sst s10  }
0x38: {  	s10 =	sld [smem:$0x3FAF]  }
0x39: {  	_ = 	snop;
	(pc) =	sbr.ind lr, $3  }
0x3a: {  	_ = 	snop  }
0x3b: {  	_ = 	snop  }
0x3c: {  	p2 =	seq.s32 s10, $0x1;
	s10 =	sld [smem:$0x3FAE]  }
0x3d: {  	_ =	shalt  }
0x3e: {  	_ =	shalt  }
0x3f: {  	_ =	shalt  }
0x40: {  	_ =	shalt  }
0x41: {  	_ =	shalt  }
0x42: {  	_ =	shalt  }
0x43: {  	_ =	shalt  }
0x44: {  	_ =	shalt  }
0x45: {  	_ =	shalt  }
0x46: {  	_ =	shalt  }
0x47: {  	_ =	shalt  }
0x48: {  	_ =	shalt  }
0x49: {  	_ =	shalt  }
0x4a: {  	_ =	shalt  }
0x4b: {  	_ =	shalt  }
0x4c: {  	_ =	shalt  }
0x4d: {  	_ =	shalt  }
0x4e: {  	_ =	shalt  }
0x4f: {  	_ =	shalt  }
0x50: {  	_ =	shalt  }
0x51: {  	_ =	shalt  }
0x52: {  	_ =	shalt  }
0x53: {  	_ =	shalt  }
0x54: {  	_ =	shalt  }
0x55: {  	_ =	shalt  }
0x56: {  	_ =	shalt  }
0x57: {  	_ =	shalt  }
0x58: {  	_ =	shalt  }
0x59: {  	_ =	shalt  }
0x5a: {  	_ =	shalt  }
0x5b: {  	_ =	shalt  }
0x5c: {  	_ =	shalt  }
0x5d: {  	_ =	shalt  }
0x5e: {  	_ =	shalt  }
0x5f: {  	_ =	shalt  }
0x60: {  	_ =	shalt  }
0x61: {  	_ =	shalt  }
0x62: {  	_ =	shalt  }
0x63: {  	_ =	shalt  }
0x64: {  	_ =	shalt  }
0x65: {  	_ =	shalt  }
0x66: {  	_ =	shalt  }
0x67: {  	_ =	shalt  }
0x68: {  	_ =	shalt  }
0x69: {  	_ =	shalt  }
0x6a: {  	_ =	shalt  }
0x6b: {  	_ =	shalt  }
0x6c: {  	_ =	shalt  }
0x6d: {  	_ =	shalt  }
0x6e: {  	_ =	shalt  }
0x6f: {  	_ =	shalt  }
0x70: {  	_ =	shalt  }
0x71: {  	_ =	shalt  }
0x72: {  	_ =	shalt  }
0x73: {  	_ =	shalt  }
0x74: {  	_ =	shalt  }
0x75: {  	_ =	shalt  }
0x76: {  	_ =	shalt  }
0x77: {  	_ =	shalt  }
0x78: {  	_ =	shalt  }
0x79: {  	_ =	shalt  }
0x7a: {  	_ =	shalt  }
0x7b: {  	_ =	shalt  }
0x7c: {  	_ =	shalt  }
0x7d: {  	_ =	shalt  }
0x7e: {  	_ =	shalt  }
0x7f: {  	_ =	shalt  }
0x80: {  	_ =	shalt  }
0x81: {  	_ =	shalt  }
0x82: {  	_ =	shalt  }
0x83: {  	_ =	shalt  }
0x84: {  	_ =	shalt  }
0x85: {  	_ =	shalt  }
0x86: {  	_ =	shalt  }
0x87: {  	_ =	shalt  }
.Lfunc_end0:
.L_simem_size_0:
called_computation.1_lowered:
.L_overlay_start_0:
0x88: {  	s2 =	sld [smem:$0x3FD9]  }
0x89: {  	s3 =	sld [smem:$0x3FFE];
	_ =	sdelay $0x1  }
0x8a: {  	s1 =	srdreg.scid  }
0x8b: {  	s0 =	sand.u32 $0x1, s1  }
0x8c: {  	s16 =	sshll.u32 s0, $0xA;
	s2 =	sadd.s32 s3, s2  }
0x8d: {  	s2 =	sadd.s32 s2, s16  }
0x8e: {  	[smem:$0x3FBA] =	sst s2  }
0x8f: {  	_ = 	snop  }
0x90: {  	(tm) =	ssettm $0x1  }
0x91: {  	s17 =	sld [smem:$0x3FFB];
	_ =	sdelay $0x3  }
0x92: {  	_ =	strace s17  }
0x93: {  	s2 =	sld [smem:$0x3FFC];
	_ =	sdelay $0x3  }
0x94: {  	_ =	strace s2  }
0x95: {  	s2 =	sld [smem:$0x3FFD];
	_ =	sdelay $0x3  }
0x96: {  	_ =	strace s2  }
0x97: {  	_ =	strace $0x8FFFFFFF  }
0x98: {  	s18 =	sld [smem:$0x3FDB];
	_ =	sdelay $0x1  }
0x99: {  	s19 =	simm.s32 $_scs_section_size  }
0x9a: {  	s4 =	simm.s32 $_size__tile_overlayer_lowered;
	s5 =	simm.s32 $_tile_overlayer_lowered  }
0x9b: {  	s22 =	simm.s32 $0x1BFF;
	s21 =	sshll.u32 s5, $0x1;
	s2 =	sadd.s32 s19, s18  }
0x9c: {  	s6 =	simm.s32 $0x0;
	s20 =	sshll.u32 s4, $0x1;
	s4 =	sadd.s32 s21, s2  }
0x9d: {  	[timem:s6], [sflag:s22] =	dma.local [hbm:s4], s20  }
0x9e: {  	_ =	swait.ge [sflag:s22], s20  }
0x9f: {  	s3 =	ssub.s32 $0x0, s20;
	[sflag:s22] =	ssyncset.done $0x0  }
0xa0: {  	[sflag:s22] =	ssyncadd.s32 s3;
	_ =	sdelay $0x1  }
0xa1: {  	s23 =	simm.s32 $0x1B8B  }
0xa2: {  	_ =	swait.ge [sflag:s23], $0x1  }
0xa3: {  	[sflag:s23] =	ssyncset.done $0x0  }
0xa4: {  	s25 =	simm.s32 $0x1B8E;
	s24 =	sld [smem:$0x3FFE];
	[sflag:s23] =	ssyncadd.s32 $0xFFFFFFFF  }
0xa5: {  	s26 =	simm.s32 $execute0_lowered;
	[smem:$0x3FD2] =	sst s25  }
0xa6: {  	s4 =	sshll.u32 s26, $0x1;
	_ =	strace $0x80000049;
	[dreg:$0x1] =	wrdreg $0xFFFFFFFF  }
0xa7: {  	s28 =	simm.s32 $_size_execute0_lowered;
	s2 =	sadd.s32 s2, s4;
	[dreg:$0x0] =	wrdreg $0x0  }
0xa8: {  	s4 =	sshll.u32 s28, $0x1;
	[dreg:$0x2] =	wrdreg s2  }
0xa9: {  	[dreg:$0x3] =	wrdreg s4  }
0xaa: {  	[dreg:$0x4] =	wrdreg $0xC0  }
0xab: {  	_ =	task [dreg:s6], $0x5FFFF  }
0xac: {  	[dreg:$0x1] =	wrdreg $0xFFFFFFFF  }
0xad: {  	[dreg:$0x0] =	wrdreg $0x60  }
0xae: {  	[dreg:$0x2] =	wrdreg s24  }
0xaf: {  	[dreg:$0x3] =	wrdreg $0x4C000  }
0xb0: {  	[dreg:$0x4] =	wrdreg $0x9  }
0xb1: {  	_ =	task.clear_ibuf [dreg:s6], $0x5FFFF;
	_ =	strace $0x90000049  }
0xb2: {  	s29 =	simm.s32 $0x9;
	_ =	strace $0x8000004B  }
0xb3: {  	_ =	swait.ge [sflag:s29], $0x1  }
0xb4: {  	[sflag:s29] =	ssyncadd.s32 $0xFFFFFFFF  }
0xb5: {  	_ =	strace $0x9000004B  }
0xb6: {  	_ =	sfence  }
0xb7: {  	s30 =	sld [smem:$0x0];
	_ =	sdelay $0x2  }
0xb8: {  	s31 =	sshll.u32 s1, $0xD;
	s1 =	sshrl.u32 s1, $0x2  }
0xb9: {  	s3 =	sand.u32 $0x4000, s31;
	s1 =	sadd.s32 s1, s30  }
0xba: {  	s0 =	sor.u32 s3, s0;
	s1 =	sshll.u32 s1, $0x11  }
0xbb: {  	s0 =	sor.u32 s1, s0  }
0xbc: {  	s0 =	sadd.s32 $0x8F2B, s0  }
0xbd: {  	[sflag:s0] =	ssyncadd.remote.s32 $0x1  }
0xbe: {  	_ =	sfence.sel $0xFFFF  }
0xbf: {  	[dreg:$0x0] =	wrdreg $0xFFFFFFFF;
	(pc) =	sbr.abs _section_cstart, $3  }
0xc0: {  	[dreg:$0x1] =	wrdreg $0xFFFFFFFF  }
0xc1: {  	_ =	task.clear_ibuf [dreg:s6], $0x2FFFF;
	_ =	strace $0x9FFFFFFF  }
0xc2: {  	(tm) =	ssettm $0x7FFFFFFF  }
0xc3: {  	_ =	shalt  }
tec
execute0_lowered:
.L_overlay_start_1:
0x0: {  	(tag) =	ssettag $0x1  }
0x1: {  	s4 =	rddreg [dreg:$0x0]  }
0x2: {  	s2 =	rddreg [dreg:$0x1]  }
0x3: {  	s0 =	rddreg [dreg:$0x2];
	s1 =	stileid.u32  }
0x4: {  	s3 =	simm.s32 $0x0;
	s6 =	srdreg.scid;
	s5 =	smul.u32 $0x2710, s1  }
0x5: {  	s16 =	simm.s32 $0x3400;
	s17 =	simm.s32 $0x3C00;
	s7 =	smul.u32 $0x4E2, s1  }
0x6: {  	s18 =	simm.s32 $0x4400;
	s19 =	simm.s32 $0x1;
	s29 =	smul.u32 $0x2400, s1  }
0x7: {  	s20 =	simm.s32 $0x0;
	[smem:$0x7FF] =	sst s3;
	s30 =	smul.u32 $0x580, s1  }
0x8: {  	s6 =	sand.u32 $0x1, s6;
	s10 =	sadd.s32 $0x1C000, s4;
	s31 =	smul.u32 $0x4800, s1  }
0x9: {  	s9 =	sadd.s32 $0x12000, s4;
	s28 =	sshll.u32 s1, $0x6;
	s15 =	smul.u32 $0x5800, s1  }
0xa: {  	_ =	strace $0x8000004A;
	s8 =	smul.u32 $0x4E20, s6;
	s11 =	ssub.s32 $0x2, s6  }
0xb: {  	p0 =	seq.s32 s6, $0x1;
	s12 =	sshrl.u32 s5, $0x3;
	s26 =	sshrl.u32 s11, $0x1  }
0xc: {  	s14 =	sadd.s32 s5, s2;
	s5 =	sor.u32 $0x1C02, s28;
	s6 =	sadd.s32 s9, s30  }
0xd: {  	s7 =	sadd.s32 s7, s8;
	s12 =	sadd.s32 s12, s4;
	s11 =	ssub.s32 s11, s26  }
.Ltmp0:
0xe: {  	s13 =	sadd.s32 s7, s4;
	s4 =	sadd.s32 $0x3000, s12;
	(pc) =	sbr.rel .LBB2_1-.Ltmp0, $4  }
0xf: {  	s7 =	sshrl.u32 s29, $0x3;
	s12 =	sadd.s32 s31, s10;
	s10 =	sadd.s32 s15, s10  }
0x10: {  	s15 =	simm.s32 $0x80;
	s7 =	sadd.s32 s9, s7;
	s8 =	sadd.s32 $0x8000, s13  }
0x11: {  	s9 =	smax.u32 s11, $0x1;
	s11 =	sadd.s32 $0x58000, s12;
	s12 =	sshrl.u32 s14, $0x3  }
0x12: {  	s13 =	simm.s32 $0x2;
	s14 =	simm.s32 $0x2C00;
	s7 =	sadd.s32 $0x5800, s7  }
.LBB2_7:
0x13: {  	s22 =	sadd.s32 s22, s11;
	[sflag:s19] =	ssyncadd.s32 $0xFFFFF800  }
0x14: {  	[tilespmem:s14], [sflag:$0x2] =	stream.linear.gather [hbm4b:s22+s3], $0x2000, $0x38;
	[tilespmem:$0x7310] =	vst v63  }
0x15: {  	_ =	swait.ge [sflag:s13], $0x2000  }
0x16: {  	[sflag:s13] =	ssyncset.done $0x0  }
0x17: {  	s29 =	sadd.s32 $0xFFFFFE80, s21;
	[sflag:s13] =	ssyncadd.s32 $0xFFFFE000  }
0x18: {  	[spmem:s2] =	stream.indirect.scatter.add.f32 [tilespmem:s14], [sflag:$0x1], $0x10, s29, s15, $0xb8;
	[tilespmem:$0x7310] =	vst v63  }
0x19: {  	s30 =	sadd.s32 $0xFFFFFF00, s21  }
0x1a: {  	[spmem:s2] =	stream.indirect.scatter.add.f32 [tilespmem:s16], [sflag:$0x1], $0x10, s30, s15, $0xb8;
	[tilespmem:$0x7310] =	vst v63  }
0x1b: {  	s31 =	sadd.s32 $0xFFFFFF80, s21  }
0x1c: {  	[spmem:s2] =	stream.indirect.scatter.add.f32 [tilespmem:s17], [sflag:$0x1], $0x10, s31, s15, $0xb8;
	[tilespmem:$0x7310] =	vst v63  }
0x1d: {  	_ = 	snop  }
0x1e: {  	[spmem:s2] =	stream.indirect.scatter.add.f32 [tilespmem:s18], [sflag:$0x1], $0x10, s21, s15, $0xb8;
	[tilespmem:$0x7310] =	vst v63  }
0x1f: {  	_ =	swait.ge [sflag:s19], $0x800  }
0x20: {  	[sflag:s19] =	ssyncset.done $0x0  }
0x21: {  	[sflag:s19] =	ssyncadd.s32 $0xFFFFF800  }
0x22: {  	_ =	swait.ge [sflag:s19], $0x800  }
0x23: {  	[sflag:s19] =	ssyncset.done $0x0  }
0x24: {  	[sflag:s19] =	ssyncadd.s32 $0xFFFFF800  }
0x25: {  	_ =	swait.ge [sflag:s19], $0x800  }
0x26: {  	[sflag:s19] =	ssyncset.done $0x0  }
0x27: {  	[sflag:s19] =	ssyncadd.s32 $0xFFFFF800  }
0x28: {  	_ =	swait.ge [sflag:s19], $0x800  }
0x29: {  	[sflag:s19] =	ssyncset.done $0x0  }
0x2a: {  	[sflag:s19] =	ssyncadd.s32 $0xFFFFF800  }
.LBB2_8:
0x2b: {  	s20 =	sadd.s32 $0x1, s20  }
0x2c: {  	p1 =	sne.s32 s20, s9  }
.Ltmp1:
0x2d: {  	[bflag:$0x0] =	sbarrier.arrive $0xFFFF;
	(pc) =	sbr.rel @!p1 .LBB2_9-.Ltmp1, $4  }
0x2e: {  	[hbm:s8], [sflag:s5] =	dma.local [spmem:s12], $0x4E2  }
0x2f: {  	_ =	swait.ge [sflag:s13], $0x4E2  }
0x30: {  	[sflag:s13] =	ssyncset.done $0x0  }
0x31: {  	[sflag:s13] =	ssyncadd.s32 $0xFFFFFB1E  }
.LBB2_1:
0x32: {  	[spmem:s12], [sflag:s5] =	dma.local [hbm:s4], $0x4E2  }
.Ltmp2:
0x33: {  	_ =	swait.ge [sflag:s13], $0x4E2;
	(pc) =	sbr.rel @!p0 .LBB2_2-.Ltmp2, $4  }
0x34: {  	[sflag:s13] =	ssyncset.done $0x0  }
0x35: {  	[sflag:s13] =	ssyncadd.s32 $0xFFFFFB1E  }
0x36: {  	[bflag:$0x0] =	sbarrier.arrive $0xFFFF  }
0x37: {  	s21 =	simm.s32 $0x0  }
0x38: {  	[tilespmem:s21], [sflag:$0x2] =	stream.linear.gather [hbm4b:s7+s21], $0x2400, $0x38;
	[tilespmem:$0x7310] =	vst v63  }
0x39: {  	_ =	swait.ge [sflag:s13], $0x2400  }
0x3a: {  	[sflag:s13] =	ssyncset.done $0x0  }
0x3b: {  	s26 =	sadd.s32 $0x0, s11;
	[sflag:s13] =	ssyncadd.s32 $0xFFFFDC00  }
0x3c: {  	[tilespmem:s14], [sflag:$0x2] =	stream.linear.gather [hbm4b:s26+s3], $0x2000, $0x38;
	[tilespmem:$0x7310] =	vst v63  }
0x3d: {  	_ =	swait.ge [sflag:s13], $0x2000  }
0x3e: {  	[sflag:s13] =	ssyncset.done $0x0  }
0x3f: {  	s28 =	simm.s32 $0x0;
	[sflag:s13] =	ssyncadd.s32 $0xFFFFE000  }
0x40: {  	[spmem:s2] =	stream.indirect.scatter.add.f32 [tilespmem:s14], [sflag:$0x1], $0x10, s28, s15, $0xb8;
	[tilespmem:$0x7310] =	vst v63  }
0x41: {  	s29 =	simm.s32 $0x80  }
0x42: {  	[spmem:s2] =	stream.indirect.scatter.add.f32 [tilespmem:s16], [sflag:$0x1], $0x10, s29, s15, $0xb8;
	[tilespmem:$0x7310] =	vst v63  }
0x43: {  	s30 =	simm.s32 $0x100  }
0x44: {  	[spmem:s2] =	stream.indirect.scatter.add.f32 [tilespmem:s17], [sflag:$0x1], $0x10, s30, s15, $0xb8;
	[tilespmem:$0x7310] =	vst v63  }
0x45: {  	s31 =	simm.s32 $0x180  }
0x46: {  	[spmem:s2] =	stream.indirect.scatter.add.f32 [tilespmem:s18], [sflag:$0x1], $0x10, s31, s15, $0xb8;
	[tilespmem:$0x7310] =	vst v63  }
0x47: {  	_ =	swait.ge [sflag:s19], $0x800  }
0x48: {  	[sflag:s19] =	ssyncset.done $0x0  }
0x49: {  	[sflag:s19] =	ssyncadd.s32 $0xFFFFF800  }
0x4a: {  	_ =	swait.ge [sflag:s19], $0x800  }
0x4b: {  	[sflag:s19] =	ssyncset.done $0x0  }
0x4c: {  	[sflag:s19] =	ssyncadd.s32 $0xFFFFF800  }
0x4d: {  	_ =	swait.ge [sflag:s19], $0x800  }
0x4e: {  	[sflag:s19] =	ssyncset.done $0x0  }
0x4f: {  	[sflag:s19] =	ssyncadd.s32 $0xFFFFF800  }
0x50: {  	s22 =	simm.s32 $0x400;
	_ =	swait.ge [sflag:s19], $0x800  }
0x51: {  	s23 =	simm.s32 $0x800;
	s21 =	simm.s32 $0x380;
	[sflag:s19] =	ssyncset.done $0x0  }
.LBB2_6:
0x52: {  	s24 =	sadd.s32 s22, s11  }
0x53: {  	[sflag:s19] =	ssyncadd.s32 $0xFFFFF800;
	s22 =	smov.u32 s23;
	s25 =	sadd.s32 $0x400, s23  }
0x54: {  	[tilespmem:s14], [sflag:$0x2] =	stream.linear.gather [hbm4b:s24+s3], $0x2000, $0x38;
	[tilespmem:$0x7310] =	vst v63  }
0x55: {  	p1 =	sne.s32 s23, $0x4400;
	_ =	swait.ge [sflag:s13], $0x2000  }
0x56: {  	[sflag:s13] =	ssyncset.done $0x0  }
0x57: {  	s23 =	sadd.s32 $0xFFFFFE80, s21;
	[sflag:s13] =	ssyncadd.s32 $0xFFFFE000  }
0x58: {  	[spmem:s2] =	stream.indirect.scatter.add.f32 [tilespmem:s14], [sflag:$0x1], $0x10, s23, s15, $0xb8;
	[tilespmem:$0x7310] =	vst v63  }
0x59: {  	s23 =	sadd.s32 $0xFFFFFF00, s21  }
0x5a: {  	[spmem:s2] =	stream.indirect.scatter.add.f32 [tilespmem:s16], [sflag:$0x1], $0x10, s23, s15, $0xb8;
	[tilespmem:$0x7310] =	vst v63  }
0x5b: {  	s23 =	sadd.s32 $0xFFFFFF80, s21  }
0x5c: {  	[spmem:s2] =	stream.indirect.scatter.add.f32 [tilespmem:s17], [sflag:$0x1], $0x10, s23, s15, $0xb8;
	[tilespmem:$0x7310] =	vst v63  }
0x5d: {  	_ = 	snop  }
0x5e: {  	[spmem:s2] =	stream.indirect.scatter.add.f32 [tilespmem:s18], [sflag:$0x1], $0x10, s21, s15, $0xb8;
	[tilespmem:$0x7310] =	vst v63  }
0x5f: {  	_ =	swait.ge [sflag:s19], $0x800  }
0x60: {  	[sflag:s19] =	ssyncset.done $0x0  }
0x61: {  	[sflag:s19] =	ssyncadd.s32 $0xFFFFF800  }
0x62: {  	_ =	swait.ge [sflag:s19], $0x800  }
0x63: {  	[sflag:s19] =	ssyncset.done $0x0  }
0x64: {  	[sflag:s19] =	ssyncadd.s32 $0xFFFFF800  }
.Ltmp3:
0x65: {  	_ =	swait.ge [sflag:s19], $0x800;
	(pc) =	sbr.rel @p1 .LBB2_6-.Ltmp3, $4  }
0x66: {  	[sflag:s19] =	ssyncset.done $0x0  }
0x67: {  	[sflag:s19] =	ssyncadd.s32 $0xFFFFF800  }
0x68: {  	_ =	swait.ge [sflag:s19], $0x800  }
0x69: {  	s23 =	smov.u32 s25;
	s21 =	sadd.s32 $0x200, s21;
	[sflag:s19] =	ssyncset.done $0x0  }
.Ltmp4:
0x6a: {  	_ = 	snop;
	(pc) =	sbr.rel .LBB2_7-.Ltmp4, $1  }
0x6b: {  	_ =	sdelay $0x3  }
.LBB2_2:
0x6c: {  	[tilespmem:s21], [sflag:$0x2] =	stream.linear.gather [hbm4b:s6+s21], $0x2C00, $0x38;
	[tilespmem:$0x7310] =	vst v63  }
0x6d: {  	_ =	swait.ge [sflag:s13], $0x2C00  }
0x6e: {  	[sflag:s13] =	ssyncset.done $0x0  }
0x6f: {  	s26 =	sadd.s32 $0x0, s10;
	[sflag:s13] =	ssyncadd.s32 $0xFFFFD400  }
0x70: {  	[tilespmem:s14], [sflag:$0x2] =	stream.linear.gather [hbm4b:s26+s3], $0x2000, $0x38;
	[tilespmem:$0x7310] =	vst v63  }
0x71: {  	_ =	swait.ge [sflag:s13], $0x2000  }
0x72: {  	[sflag:s13] =	ssyncset.done $0x0  }
0x73: {  	s28 =	simm.s32 $0x0;
	[sflag:s13] =	ssyncadd.s32 $0xFFFFE000  }
0x74: {  	[spmem:s2] =	stream.indirect.scatter.add.f32 [tilespmem:s14], [sflag:$0x1], $0x10, s28, s15, $0xb8;
	[tilespmem:$0x7310] =	vst v63  }
0x75: {  	s29 =	simm.s32 $0x80  }
0x76: {  	[spmem:s2] =	stream.indirect.scatter.add.f32 [tilespmem:s16], [sflag:$0x1], $0x10, s29, s15, $0xb8;
	[tilespmem:$0x7310] =	vst v63  }
0x77: {  	s30 =	simm.s32 $0x100  }
0x78: {  	[spmem:s2] =	stream.indirect.scatter.add.f32 [tilespmem:s17], [sflag:$0x1], $0x10, s30, s15, $0xb8;
	[tilespmem:$0x7310] =	vst v63  }
0x79: {  	s31 =	simm.s32 $0x180  }
0x7a: {  	[spmem:s2] =	stream.indirect.scatter.add.f32 [tilespmem:s18], [sflag:$0x1], $0x10, s31, s15, $0xb8;
	[tilespmem:$0x7310] =	vst v63  }
0x7b: {  	_ =	swait.ge [sflag:s19], $0x800  }
0x7c: {  	[sflag:s19] =	ssyncset.done $0x0  }
0x7d: {  	[sflag:s19] =	ssyncadd.s32 $0xFFFFF800  }
0x7e: {  	_ =	swait.ge [sflag:s19], $0x800  }
0x7f: {  	[sflag:s19] =	ssyncset.done $0x0  }
0x80: {  	[sflag:s19] =	ssyncadd.s32 $0xFFFFF800  }
0x81: {  	_ =	swait.ge [sflag:s19], $0x800  }
0x82: {  	[sflag:s19] =	ssyncset.done $0x0  }
0x83: {  	[sflag:s19] =	ssyncadd.s32 $0xFFFFF800  }
0x84: {  	s22 =	simm.s32 $0x400;
	_ =	swait.ge [sflag:s19], $0x800  }
0x85: {  	s23 =	simm.s32 $0x800;
	s21 =	simm.s32 $0x380;
	[sflag:s19] =	ssyncset.done $0x0  }
.LBB2_3:
0x86: {  	s24 =	sadd.s32 s22, s10  }
0x87: {  	[sflag:s19] =	ssyncadd.s32 $0xFFFFF800;
	s22 =	smov.u32 s23;
	s25 =	sadd.s32 $0x400, s23  }
0x88: {  	[tilespmem:s14], [sflag:$0x2] =	stream.linear.gather [hbm4b:s24+s3], $0x2000, $0x38;
	[tilespmem:$0x7310] =	vst v63  }
0x89: {  	p1 =	seq.s32 s23, $0x5400;
	_ =	swait.ge [sflag:s13], $0x2000  }
0x8a: {  	[sflag:s13] =	ssyncset.done $0x0  }
0x8b: {  	s23 =	sadd.s32 $0xFFFFFE80, s21;
	[sflag:s13] =	ssyncadd.s32 $0xFFFFE000  }
0x8c: {  	[spmem:s2] =	stream.indirect.scatter.add.f32 [tilespmem:s14], [sflag:$0x1], $0x10, s23, s15, $0xb8;
	[tilespmem:$0x7310] =	vst v63  }
0x8d: {  	s23 =	sadd.s32 $0xFFFFFF00, s21  }
0x8e: {  	[spmem:s2] =	stream.indirect.scatter.add.f32 [tilespmem:s16], [sflag:$0x1], $0x10, s23, s15, $0xb8;
	[tilespmem:$0x7310] =	vst v63  }
0x8f: {  	s23 =	sadd.s32 $0xFFFFFF80, s21  }
0x90: {  	[spmem:s2] =	stream.indirect.scatter.add.f32 [tilespmem:s17], [sflag:$0x1], $0x10, s23, s15, $0xb8;
	[tilespmem:$0x7310] =	vst v63  }
0x91: {  	_ = 	snop  }
0x92: {  	[spmem:s2] =	stream.indirect.scatter.add.f32 [tilespmem:s18], [sflag:$0x1], $0x10, s21, s15, $0xb8;
	[tilespmem:$0x7310] =	vst v63  }
0x93: {  	_ =	swait.ge [sflag:s19], $0x800  }
0x94: {  	[sflag:s19] =	ssyncset.done $0x0  }
0x95: {  	[sflag:s19] =	ssyncadd.s32 $0xFFFFF800  }
0x96: {  	_ =	swait.ge [sflag:s19], $0x800  }
0x97: {  	[sflag:s19] =	ssyncset.done $0x0  }
0x98: {  	[sflag:s19] =	ssyncadd.s32 $0xFFFFF800  }
.Ltmp5:
0x99: {  	_ =	swait.ge [sflag:s19], $0x800;
	(pc) =	sbr.rel @!p1 .LBB2_3-.Ltmp5, $4  }
0x9a: {  	[sflag:s19] =	ssyncset.done $0x0  }
0x9b: {  	[sflag:s19] =	ssyncadd.s32 $0xFFFFF800  }
0x9c: {  	_ =	swait.ge [sflag:s19], $0x800  }
0x9d: {  	s23 =	smov.u32 s25;
	s21 =	sadd.s32 $0x200, s21;
	[sflag:s19] =	ssyncset.done $0x0  }
0x9e: {  	s22 =	sadd.s32 s22, s10;
	[sflag:s19] =	ssyncadd.s32 $0xFFFFF800  }
0x9f: {  	[tilespmem:s14], [sflag:$0x2] =	stream.linear.gather [hbm4b:s22+s3], $0x2000, $0x38;
	[tilespmem:$0x7310] =	vst v63  }
0xa0: {  	_ =	swait.ge [sflag:s13], $0x2000  }
0xa1: {  	[sflag:s13] =	ssyncset.done $0x0  }
0xa2: {  	s29 =	sadd.s32 $0xFFFFFE80, s21;
	[sflag:s13] =	ssyncadd.s32 $0xFFFFE000  }
0xa3: {  	[spmem:s2] =	stream.indirect.scatter.add.f32 [tilespmem:s14], [sflag:$0x1], $0x10, s29, s15, $0xb8;
	[tilespmem:$0x7310] =	vst v63  }
0xa4: {  	s30 =	sadd.s32 $0xFFFFFF00, s21  }
0xa5: {  	[spmem:s2] =	stream.indirect.scatter.add.f32 [tilespmem:s16], [sflag:$0x1], $0x10, s30, s15, $0xb8;
	[tilespmem:$0x7310] =	vst v63  }
0xa6: {  	s31 =	sadd.s32 $0xFFFFFF80, s21  }
0xa7: {  	[spmem:s2] =	stream.indirect.scatter.add.f32 [tilespmem:s17], [sflag:$0x1], $0x10, s31, s15, $0xb8;
	[tilespmem:$0x7310] =	vst v63  }
0xa8: {  	_ = 	snop  }
0xa9: {  	[spmem:s2] =	stream.indirect.scatter.add.f32 [tilespmem:s18], [sflag:$0x1], $0x10, s21, s15, $0xb8;
	[tilespmem:$0x7310] =	vst v63  }
0xaa: {  	_ =	swait.ge [sflag:s19], $0x800  }
0xab: {  	[sflag:s19] =	ssyncset.done $0x0  }
0xac: {  	[sflag:s19] =	ssyncadd.s32 $0xFFFFF800  }
0xad: {  	_ =	swait.ge [sflag:s19], $0x800  }
0xae: {  	[sflag:s19] =	ssyncset.done $0x0  }
0xaf: {  	[sflag:s19] =	ssyncadd.s32 $0xFFFFF800  }
0xb0: {  	_ =	swait.ge [sflag:s19], $0x800  }
.Ltmp6:
0xb1: {  	[sflag:s19] =	ssyncset.done $0x0;
	(pc) =	sbr.rel .LBB2_8-.Ltmp6, $4  }
0xb2: {  	[sflag:s19] =	ssyncadd.s32 $0xFFFFF800  }
0xb3: {  	_ =	swait.ge [sflag:s19], $0x800  }
0xb4: {  	[sflag:s19] =	ssyncset.done $0x0  }
0xb5: {  	[sflag:s19] =	ssyncadd.s32 $0xFFFFF800  }
.LBB2_9:
0xb6: {  	_ =	sfence.sel $0x180000  }
0xb7: {  	[bflag:$0x0] =	sbarrier.arrive $0xFFFF  }
0xb8: {  	p0 =	sne.s32 s1, $0x0;
	_ =	strace $0x9000004A  }
0xb9: {  	s0 =	sadd.s32 @!p0 $0x100000, s0;
	[bflag:$0x2] =	sbarrier.arrive $0xFFFF  }
0xba: {  	[sflag:s0] =	ssyncadd.tile.s32 @!p0 $0x1;
	_ =	shalt  }
.Lfunc_end2:
_tile_overlayer_lowered:
.L_overlay_start_2:
0xbb: {  	(tag) =	ssettag $0x2  }
0xbc: {  	s0 =	rddreg [dreg:$0x0];
	s2 =	stileid.u32  }
0xbd: {  	s1 =	rddreg [dreg:$0x1];
	p0 =	sne.s32 s2, $0x0  }
0xbe: {  	s3 =	rddreg [dreg:$0x2];
	[bflag:$0x3] =	sbarrier.arrive $0xFFFF;
	s2 =	simm.s32 @!p0 $0x1C02  }
0xbf: {  	[timem:s3], [sflag:s2] =	dma.local @!p0 [hbm:s0], s1  }
0xc0: {  	s0 =	simm.s32 @!p0 $0x2  }
0xc1: {  	_ =	swait.ge @!p0 [sflag:s0], s1  }
0xc2: {  	s1 =	ssub.s32 @!p0 $0x0, s1;
	[sflag:s0] =	ssyncset.done @!p0 $0x0  }
0xc3: {  	[sflag:s0] =	ssyncadd.s32 @!p0 s1  }
0xc4: {  	[bflag:$0x3] =	sbarrier.arrive $0xFFFF  }
0xc5: {  	_ =	shalt  }

// kernel: kernel.7.cloned.1.call-start
scs
__scs_entry_jumppad:
0x0: {  	(pc) =	sbr.rel $0x88, $3  }
0x1: {  	(tag) =	ssettag $0x0;
	lr =	simm.s32 $0x1  }
0x2: {  	[smem:$0x3F93] =	sst lr;
	_ =	strace $0xD0000000  }
0x3: {  	_ = 	snop  }
0x4: {  	_ = 	snop  }
0x5: {  	_ = 	snop  }
0x6: {  	_ = 	snop  }
0x7: {  	_ = 	snop  }
__scs_overlays_trampoline_lowered:
0x8: {  	[smem:$0x3FA2] =	sst s0  }
0x9: {  	[smem:$0x3FA3] =	sst s1  }
0xa: {  	[smem:$0x3FA4] =	sst s2  }
0xb: {  	[smem:$0x3FA5] =	sst s3  }
0xc: {  	[smem:$0x3FA6] =	sst s4  }
0xd: {  	[smem:$0x3FA7] =	sst s5  }
0xe: {  	[smem:$0x3FA8] =	sst s6  }
0xf: {  	[smem:$0x3FA9] =	sst s7  }
0x10: {  	[smem:$0x3FAA] =	sst s8  }
0x11: {  	[smem:$0x3FAB] =	sst s9;
	s0 =	simm.s32 @!p0 $0x0  }
0x12: {  	s1 =	sld [smem:$0x3F91];
	s0 =	simm.s32 @p0 $0x1  }
0x13: {  	[smem:$0x3FAC] =	sst s0;
	s0 =	simm.s32 @!p1 $0x0  }
0x14: {  	s2 =	sld [smem:$0x3F90];
	s0 =	simm.s32 @p1 $0x1  }
0x15: {  	[smem:$0x3FAD] =	sst s0;
	s0 =	simm.s32 @!p2 $0x0  }
0x16: {  	s3 =	sld [smem:$0x3FDB];
	s0 =	simm.s32 @p2 $0x1  }
0x17: {  	s4 =	simm.s32 $0x1BF5;
	[smem:$0x3FAF] =	sst s0  }
0x18: {  	s0 =	sld [smem:$0x3F92];
	_ =	swait.ge [sflag:s4], $0x0  }
0x19: {  	s7 =	sld [smem:$0x3F93]  }
0x1a: {  	s8 =	sadd.s32 $0xFFFFE003, lr  }
0x1b: {  	s9 =	sadd.s32 $0xFFFFFEF7, lr;
	s5 =	simm.s32 $0xFFFFFFFF;
	p2 =	slt.u32 s8, $0xFFFFF086  }
0x1c: {  	p1 =	slt.u32 s9, $0xF7A;
	s5 =	simm.s32 @!p2 $0x0  }
0x1d: {  	s5 =	simm.s32 @p1 $0x1;
	p0 =	seq.s32 s7, s2  }
0x1e: {  	s7 =	smul.u32 @!p0 $0xF7A, s2;
	p2 =	seq.s32 @!p0 s5, $0x0  }
0x1f: {  	s9 =	smul.u32 $0xF7A, s1;
	s8 =	simm.s32 @!p0 $0x1BF5;
	p2 =	por !p2, p0  }
0x20: {  	[sflag:s8] =	ssyncset.s32 @!p0 $0xFFFFF086;
	s6 =	sadd.s32 @!p0 s3, s7;
	s7 =	simm.s32 @!p0 $0x108  }
0x21: {  	s3 =	sadd.s32 s3, s9;
	s6 =	sadd.s32 @!p0 $0x88, s6;
	s7 =	simm.s32 @p2 $0x1082  }
0x22: {  	[simem:s7], [sflag:s8] =	dma.local @!p0 [hbm:s6], $0xF7A  }
0x23: {  	s9 =	sor.u32 $0xD0000000, s2;
	s6 =	simm.s32 $0x108;
	_ =	swait.ge @!p0 [sflag:s8], $0x0  }
0x24: {  	s3 =	sadd.s32 $0x88, s3;
	s6 =	simm.s32 @!p1 $0x1082;
	[sflag:s4] =	ssyncset.s32 $0xFFFFF086  }
0x25: {  	[simem:s6], [sflag:s4] =	dma.local [hbm:s3], $0xF7A  }
0x26: {  	[smem:$0x3F93] =	sst s1;
	(tag) =	ssettag s2;
	_ =	strace s9  }
0x27: {  	s1 =	sld [smem:$0x3FA3]  }
0x28: {  	s2 =	sld [smem:$0x3FA4]  }
0x29: {  	s4 =	sld [smem:$0x3FA6]  }
0x2a: {  	p0 =	seq.s32 s5, $0x0;
	s5 =	sld [smem:$0x3FA7]  }
0x2b: {  	s6 =	sld [smem:$0x3FA8]  }
0x2c: {  	s7 =	sld [smem:$0x3FA9]  }
0x2d: {  	s3 =	simm.s32 $0x108;
	s8 =	sld [smem:$0x3FAA]  }
0x2e: {  	s3 =	simm.s32 @!p0 $0x1082;
	s9 =	sld [smem:$0x3FAB]  }
0x2f: {  	lr =	sadd.s32 s0, s3;
	s0 =	sld [smem:$0x3FA2]  }
0x30: {  	s3 =	sld [smem:$0x3FA5]  }
0x31: {  	[smem:$0x3FAE] =	sst s10  }
0x32: {  	s10 =	sld [smem:$0x3FAC];
	_ =	sdelay $0x3  }
0x33: {  	p0 =	seq.s32 s10, $0x1;
	s10 =	sld [smem:$0x3FAE];
	_ =	sdelay $0x3  }
0x34: {  	[smem:$0x3FAE] =	sst s10  }
0x35: {  	s10 =	sld [smem:$0x3FAD];
	_ =	sdelay $0x3  }
0x36: {  	p1 =	seq.s32 s10, $0x1;
	s10 =	sld [smem:$0x3FAE];
	_ =	sdelay $0x3  }
0x37: {  	[smem:$0x3FAE] =	sst s10  }
0x38: {  	s10 =	sld [smem:$0x3FAF]  }
0x39: {  	_ = 	snop;
	(pc) =	sbr.ind lr, $3  }
0x3a: {  	_ = 	snop  }
0x3b: {  	_ = 	snop  }
0x3c: {  	p2 =	seq.s32 s10, $0x1;
	s10 =	sld [smem:$0x3FAE]  }
0x3d: {  	_ =	shalt  }
0x3e: {  	_ =	shalt  }
0x3f: {  	_ =	shalt  }
0x40: {  	_ =	shalt  }
0x41: {  	_ =	shalt  }
0x42: {  	_ =	shalt  }
0x43: {  	_ =	shalt  }
0x44: {  	_ =	shalt  }
0x45: {  	_ =	shalt  }
0x46: {  	_ =	shalt  }
0x47: {  	_ =	shalt  }
0x48: {  	_ =	shalt  }
0x49: {  	_ =	shalt  }
0x4a: {  	_ =	shalt  }
0x4b: {  	_ =	shalt  }
0x4c: {  	_ =	shalt  }
0x4d: {  	_ =	shalt  }
0x4e: {  	_ =	shalt  }
0x4f: {  	_ =	shalt  }
0x50: {  	_ =	shalt  }
0x51: {  	_ =	shalt  }
0x52: {  	_ =	shalt  }
0x53: {  	_ =	shalt  }
0x54: {  	_ =	shalt  }
0x55: {  	_ =	shalt  }
0x56: {  	_ =	shalt  }
0x57: {  	_ =	shalt  }
0x58: {  	_ =	shalt  }
0x59: {  	_ =	shalt  }
0x5a: {  	_ =	shalt  }
0x5b: {  	_ =	shalt  }
0x5c: {  	_ =	shalt  }
0x5d: {  	_ =	shalt  }
0x5e: {  	_ =	shalt  }
0x5f: {  	_ =	shalt  }
0x60: {  	_ =	shalt  }
0x61: {  	_ =	shalt  }
0x62: {  	_ =	shalt  }
0x63: {  	_ =	shalt  }
0x64: {  	_ =	shalt  }
0x65: {  	_ =	shalt  }
0x66: {  	_ =	shalt  }
0x67: {  	_ =	shalt  }
0x68: {  	_ =	shalt  }
0x69: {  	_ =	shalt  }
0x6a: {  	_ =	shalt  }
0x6b: {  	_ =	shalt  }
0x6c: {  	_ =	shalt  }
0x6d: {  	_ =	shalt  }
0x6e: {  	_ =	shalt  }
0x6f: {  	_ =	shalt  }
0x70: {  	_ =	shalt  }
0x71: {  	_ =	shalt  }
0x72: {  	_ =	shalt  }
0x73: {  	_ =	shalt  }
0x74: {  	_ =	shalt  }
0x75: {  	_ =	shalt  }
0x76: {  	_ =	shalt  }
0x77: {  	_ =	shalt  }
0x78: {  	_ =	shalt  }
0x79: {  	_ =	shalt  }
0x7a: {  	_ =	shalt  }
0x7b: {  	_ =	shalt  }
0x7c: {  	_ =	shalt  }
0x7d: {  	_ =	shalt  }
0x7e: {  	_ =	shalt  }
0x7f: {  	_ =	shalt  }
0x80: {  	_ =	shalt  }
0x81: {  	_ =	shalt  }
0x82: {  	_ =	shalt  }
0x83: {  	_ =	shalt  }
0x84: {  	_ =	shalt  }
0x85: {  	_ =	shalt  }
0x86: {  	_ =	shalt  }
0x87: {  	_ =	shalt  }
.Lfunc_end0:
.L_simem_size_0:
called_computation_lowered:
.L_overlay_start_0:
0x88: {  	s2 =	sld [smem:$0x3FD9]  }
0x89: {  	s3 =	sld [smem:$0x3FFE];
	_ =	sdelay $0x1  }
0x8a: {  	s1 =	srdreg.scid  }
0x8b: {  	s0 =	sand.u32 $0x1, s1  }
0x8c: {  	s16 =	sshll.u32 s0, $0xA;
	s2 =	sadd.s32 s3, s2  }
0x8d: {  	s2 =	sadd.s32 s2, s16  }
0x8e: {  	[smem:$0x3FBA] =	sst s2  }
0x8f: {  	_ = 	snop  }
0x90: {  	(tm) =	ssettm $0x1  }
0x91: {  	s17 =	sld [smem:$0x3FFB];
	_ =	sdelay $0x3  }
0x92: {  	_ =	strace s17  }
0x93: {  	s2 =	sld [smem:$0x3FFC];
	_ =	sdelay $0x3  }
0x94: {  	_ =	strace s2  }
0x95: {  	s2 =	sld [smem:$0x3FFD];
	_ =	sdelay $0x3  }
0x96: {  	_ =	strace s2  }
0x97: {  	_ =	strace $0x8FFFFFFF  }
0x98: {  	s18 =	sld [smem:$0x3FDB];
	_ =	sdelay $0x1  }
0x99: {  	s19 =	simm.s32 $_scs_section_size  }
0x9a: {  	s4 =	simm.s32 $_size__tile_overlayer_lowered;
	s5 =	simm.s32 $_tile_overlayer_lowered  }
0x9b: {  	s22 =	simm.s32 $0x1BFF;
	s21 =	sshll.u32 s5, $0x1;
	s2 =	sadd.s32 s19, s18  }
0x9c: {  	s6 =	simm.s32 $0x0;
	s20 =	sshll.u32 s4, $0x1;
	s4 =	sadd.s32 s21, s2  }
0x9d: {  	[timem:s6], [sflag:s22] =	dma.local [hbm:s4], s20  }
0x9e: {  	_ =	swait.ge [sflag:s22], s20  }
0x9f: {  	s3 =	ssub.s32 $0x0, s20;
	[sflag:s22] =	ssyncset.done $0x0  }
0xa0: {  	[sflag:s22] =	ssyncadd.s32 s3;
	_ =	sdelay $0x1  }
0xa1: {  	s23 =	simm.s32 $0x1B8B  }
0xa2: {  	_ =	swait.ge [sflag:s23], $0x1  }
0xa3: {  	[sflag:s23] =	ssyncset.done $0x0  }
0xa4: {  	s25 =	simm.s32 $0x1B8E;
	s24 =	sld [smem:$0x3FFE];
	[sflag:s23] =	ssyncadd.s32 $0xFFFFFFFF  }
0xa5: {  	s26 =	simm.s32 $execute0_lowered;
	[smem:$0x3FD2] =	sst s25  }
0xa6: {  	s4 =	sshll.u32 s26, $0x1;
	_ =	strace $0x80000046;
	[dreg:$0x1] =	wrdreg $0xFFFFFFFF  }
0xa7: {  	s28 =	simm.s32 $_size_execute0_lowered;
	s2 =	sadd.s32 s2, s4;
	[dreg:$0x0] =	wrdreg $0x0  }
0xa8: {  	s4 =	sshll.u32 s28, $0x1;
	[dreg:$0x2] =	wrdreg s2  }
0xa9: {  	[dreg:$0x3] =	wrdreg s4  }
0xaa: {  	[dreg:$0x4] =	wrdreg $0xC0  }
0xab: {  	_ =	task [dreg:s6], $0x5FFFF  }
0xac: {  	[dreg:$0x1] =	wrdreg $0xFFFFFFFF  }
0xad: {  	[dreg:$0x0] =	wrdreg $0x60  }
0xae: {  	[dreg:$0x2] =	wrdreg s24  }
0xaf: {  	[dreg:$0x3] =	wrdreg $0xD0000  }
0xb0: {  	[dreg:$0x4] =	wrdreg $0x9  }
0xb1: {  	_ =	task.clear_ibuf [dreg:s6], $0x5FFFF;
	_ =	strace $0x90000046  }
0xb2: {  	s29 =	simm.s32 $0x9;
	_ =	strace $0x80000048  }
0xb3: {  	_ =	swait.ge [sflag:s29], $0x1  }
0xb4: {  	[sflag:s29] =	ssyncadd.s32 $0xFFFFFFFF  }
0xb5: {  	_ =	strace $0x90000048  }
0xb6: {  	_ =	sfence  }
0xb7: {  	s30 =	sld [smem:$0x0];
	_ =	sdelay $0x2  }
0xb8: {  	s31 =	sshll.u32 s1, $0xD;
	s1 =	sshrl.u32 s1, $0x2  }
0xb9: {  	s3 =	sand.u32 $0x4000, s31;
	s1 =	sadd.s32 s1, s30  }
0xba: {  	s0 =	sor.u32 s3, s0;
	s1 =	sshll.u32 s1, $0x11  }
0xbb: {  	s0 =	sor.u32 s1, s0  }
0xbc: {  	s0 =	sadd.s32 $0x8F2B, s0  }
0xbd: {  	[sflag:s0] =	ssyncadd.remote.s32 $0x1  }
0xbe: {  	_ =	sfence.sel $0xFFFF  }
0xbf: {  	[dreg:$0x0] =	wrdreg $0xFFFFFFFF;
	(pc) =	sbr.abs _section_cstart, $3  }
0xc0: {  	[dreg:$0x1] =	wrdreg $0xFFFFFFFF  }
0xc1: {  	_ =	task.clear_ibuf [dreg:s6], $0x2FFFF;
	_ =	strace $0x9FFFFFFF  }
0xc2: {  	(tm) =	ssettm $0x7FFFFFFF  }
0xc3: {  	_ =	shalt  }
tec
execute0_lowered:
.L_overlay_start_1:
0x0: {  	(tag) =	ssettag $0x1  }
0x1: {  	s0 =	rddreg [dreg:$0x0]  }
0x2: {  	s2 =	rddreg [dreg:$0x1];
	s11 =	stileid.u32;
	s3 =	simm.s32 $0x0  }
0x3: {  	s5 =	srdreg.scid;
	s12 =	simm.s32 $0x7;
	s28 =	simm.s32 $0x7000  }
0x4: {  	s29 =	simm.s32 $0xB000;
	s30 =	simm.s32 $0x7800;
	s1 =	smul.u32 $0x2710, s11  }
0x5: {  	s31 =	simm.s32 $0xB800;
	[smem:$0x7FF] =	sst s3;
	s6 =	smul.u32 $0x5000, s11  }
0x6: {  	s5 =	sand.u32 $0x1, s5;
	s7 =	sadd.s32 $0x3000, s0;
	s10 =	smul.u32 $0x2800, s11  }
0x7: {  	s8 =	sadd.s32 $0x12000, s0;
	s16 =	sshll.u32 s11, $0x6;
	s17 =	smul.u32 $0x500, s11  }
0x8: {  	s11 =	simm.s32 $0x0;
	_ =	strace $0x80000047;
	s9 =	ssub.s32 $0x2, s5  }
0x9: {  	p0 =	seq.s32 s5, $0x1;
	s4 =	sshrl.u32 s1, $0x3;
	s15 =	sshrl.u32 s9, $0x1  }
0xa: {  	s1 =	sadd.s32 s1, s2;
	s10 =	sshrl.u32 s10, $0x3;
	s19 =	sadd.s32 s7, s17  }
0xb: {  	s20 =	sadd.s32 s8, s17;
	s17 =	simm.s32 $0x8800;
	s4 =	sadd.s32 s4, s0  }
0xc: {  	s0 =	sadd.s32 s6, s0;
	s6 =	ssub.s32 s9, s15;
	[dreg:$0x5] =	wrdreg s19  }
0xd: {  	s18 =	sadd.s32 $0x5000, s10;
	[dreg:$0x6] =	wrdreg s20;
	s26 =	sshrl.u32 s1, $0x3  }
0xe: {  	s19 =	simm.s32 $0x5000;
	s4 =	sadd.s32 $0xD000, s4;
	[dreg:$0xe] =	wrdreg s26  }
0xf: {  	s20 =	simm.s32 $0x9000;
	s21 =	sadd.s32 s7, s18;
	[dreg:$0x3] =	wrdreg s4  }
0x10: {  	s1 =	simm.s32 $0xC000;
	s22 =	smax.u32 s6, $0x1;
	[dreg:$0x7] =	wrdreg s21  }
0x11: {  	s9 =	simm.s32 $0x3;
	s23 =	sadd.s32 $0xBC000, s0;
	[dreg:$0x9] =	wrdreg s22  }
0x12: {  	s24 =	sadd.s32 $0x1C000, s0;
	s25 =	sadd.s32 $0x10C000, s0;
	[dreg:$0xa] =	wrdreg s23  }
0x13: {  	s0 =	sadd.s32 $0x6C000, s0;
	s26 =	simm.s32 $0xA800;
	[dreg:$0xb] =	wrdreg s24  }
0x14: {  	s6 =	simm.s32 $0xC800;
	s7 =	simm.s32 $0x1;
	[dreg:$0xc] =	wrdreg s25  }
.Ltmp0:
0x15: {  	s4 =	sor.u32 $0x1C07, s16;
	[dreg:$0xd] =	wrdreg s0;
	(pc) =	sbr.rel .LBB2_1-.Ltmp0, $4  }
0x16: {  	s21 =	simm.s32 $0x5800;
	s22 =	simm.s32 $0x9800;
	s23 =	simm.s32 $0x6000  }
0x17: {  	s24 =	simm.s32 $0xA000;
	s25 =	simm.s32 $0x6800;
	s0 =	simm.s32 $0x8000  }
0x18: {  	[dreg:$0x4] =	wrdreg s4;
	s4 =	sadd.s32 s8, s18;
	s18 =	simm.s32 $0x80  }
0x19: {  	s8 =	simm.s32 $0x2;
	[dreg:$0x8] =	wrdreg s4;
	s4 =	simm.s32 $0x4  }
.LBB2_7:
0x1a: {  	[hbm4b:s10+s3] =	stream.linear.scatter [tilespmem:s29], [sflag:$0x6], $0x2000, $0x38;
	[tilespmem:$0xF710] =	vst v63  }
0x1b: {  	s5 =	simm.s32 @!p2 $0x5  }
0x1c: {  	_ =	swait.ge @!p2 [sflag:s5], $0x2000  }
0x1d: {  	[sflag:s5] =	ssyncset.done @!p2 $0x0  }
0x1e: {  	[sflag:s5] =	ssyncadd.s32 @!p2 $0xFFFFE000  }
0x1f: {  	_ =	swait.ge @!p2 [sflag:s5], $0x2000  }
0x20: {  	[sflag:s5] =	ssyncset.done @!p2 $0x0  }
0x21: {  	[sflag:s5] =	ssyncadd.s32 @!p2 $0xFFFFE000;
	s5 =	sshra.s32 s14, $0x2  }
0x22: {  	[tilespmem:s19], [sflag:$0x1] =	stream.indirect.gather [spmem:s2], $0x10, s5, s18, $0xb8;
	[tilespmem:$0xF710] =	vst v63  }
0x23: {  	s13 =	sadd.s32 $0x2800, s5  }
0x24: {  	[tilespmem:s20], [sflag:$0x2] =	stream.indirect.gather [spmem:s2], $0x10, s13, s18, $0xb8;
	[tilespmem:$0xF710] =	vst v63  }
0x25: {  	s14 =	sadd.s32 $0x80, s5  }
0x26: {  	[tilespmem:s21], [sflag:$0x1] =	stream.indirect.gather [spmem:s2], $0x10, s14, s18, $0xb8;
	[tilespmem:$0xF710] =	vst v63  }
0x27: {  	s15 =	sadd.s32 $0x2880, s5  }
0x28: {  	[tilespmem:s22], [sflag:$0x2] =	stream.indirect.gather [spmem:s2], $0x10, s15, s18, $0xb8;
	[tilespmem:$0xF710] =	vst v63  }
0x29: {  	s16 =	sadd.s32 $0x100, s5  }
0x2a: {  	[tilespmem:s23], [sflag:$0x1] =	stream.indirect.gather [spmem:s2], $0x10, s16, s18, $0xb8;
	[tilespmem:$0xF710] =	vst v63  }
0x2b: {  	s13 =	sadd.s32 $0x2900, s5  }
0x2c: {  	[tilespmem:s24], [sflag:$0x2] =	stream.indirect.gather [spmem:s2], $0x10, s13, s18, $0xb8;
	[tilespmem:$0xF710] =	vst v63  }
0x2d: {  	s14 =	sadd.s32 $0x180, s5  }
0x2e: {  	[tilespmem:s25], [sflag:$0x1] =	stream.indirect.gather [spmem:s2], $0x10, s14, s18, $0xb8;
	[tilespmem:$0xF710] =	vst v63  }
0x2f: {  	s10 =	simm.s32 @!p2 $0x6;
	s15 =	sadd.s32 $0x2980, s5  }
0x30: {  	[tilespmem:s26], [sflag:$0x2] =	stream.indirect.gather [spmem:s2], $0x10, s15, s18, $0xb8;
	[tilespmem:$0xF710] =	vst v63  }
0x31: {  	_ =	swait.ge @!p2 [sflag:s10], $0x2000  }
0x32: {  	[sflag:s10] =	ssyncset.done @!p2 $0x0  }
0x33: {  	[sflag:s10] =	ssyncadd.s32 @!p2 $0xFFFFE000  }
0x34: {  	_ =	swait.ge @!p2 [sflag:s10], $0x2000  }
0x35: {  	[sflag:s10] =	ssyncset.done @!p2 $0x0  }
0x36: {  	s16 =	sadd.s32 $0x200, s5;
	[sflag:s10] =	ssyncadd.s32 @!p2 $0xFFFFE000  }
0x37: {  	[tilespmem:s28], [sflag:$0x3] =	stream.indirect.gather [spmem:s2], $0x10, s16, s18, $0xb8;
	[tilespmem:$0xF710] =	vst v63  }
0x38: {  	s13 =	sadd.s32 $0x2A00, s5  }
0x39: {  	[tilespmem:s29], [sflag:$0x4] =	stream.indirect.gather [spmem:s2], $0x10, s13, s18, $0xb8;
	[tilespmem:$0xF710] =	vst v63  }
0x3a: {  	s14 =	sadd.s32 $0x280, s5  }
0x3b: {  	[tilespmem:s30], [sflag:$0x3] =	stream.indirect.gather [spmem:s2], $0x10, s14, s18, $0xb8;
	[tilespmem:$0xF710] =	vst v63  }
0x3c: {  	s15 =	sadd.s32 $0x2A80, s5  }
0x3d: {  	[tilespmem:s31], [sflag:$0x4] =	stream.indirect.gather [spmem:s2], $0x10, s15, s18, $0xb8;
	[tilespmem:$0xF710] =	vst v63  }
0x3e: {  	s16 =	sadd.s32 $0x300, s5  }
0x3f: {  	[tilespmem:s0], [sflag:$0x3] =	stream.indirect.gather [spmem:s2], $0x10, s16, s18, $0xb8;
	[tilespmem:$0xF710] =	vst v63  }
0x40: {  	s13 =	sadd.s32 $0x2B00, s5  }
0x41: {  	[tilespmem:s1], [sflag:$0x4] =	stream.indirect.gather [spmem:s2], $0x10, s13, s18, $0xb8;
	[tilespmem:$0xF710] =	vst v63  }
0x42: {  	s14 =	sadd.s32 $0x380, s5  }
0x43: {  	[tilespmem:s17], [sflag:$0x3] =	stream.indirect.gather [spmem:s2], $0x10, s14, s18, $0xb8;
	[tilespmem:$0xF710] =	vst v63  }
0x44: {  	s5 =	sadd.s32 $0x2B80, s5  }
0x45: {  	[tilespmem:s6], [sflag:$0x4] =	stream.indirect.gather [spmem:s2], $0x10, s5, s18, $0xb8;
	[tilespmem:$0xF710] =	vst v63  }
0x46: {  	_ =	swait.ge [sflag:s7], $0x800  }
0x47: {  	[sflag:s7] =	ssyncset.done $0x0  }
0x48: {  	[sflag:s7] =	ssyncadd.s32 $0xFFFFF800  }
0x49: {  	_ =	swait.ge [sflag:s8], $0x800  }
0x4a: {  	[sflag:s8] =	ssyncset.done $0x0  }
0x4b: {  	[sflag:s8] =	ssyncadd.s32 $0xFFFFF800  }
0x4c: {  	_ =	swait.ge [sflag:s7], $0x800  }
0x4d: {  	[sflag:s7] =	ssyncset.done $0x0  }
0x4e: {  	[sflag:s7] =	ssyncadd.s32 $0xFFFFF800  }
0x4f: {  	_ =	swait.ge [sflag:s8], $0x800  }
0x50: {  	[sflag:s8] =	ssyncset.done $0x0  }
0x51: {  	[sflag:s8] =	ssyncadd.s32 $0xFFFFF800  }
0x52: {  	_ =	swait.ge [sflag:s7], $0x800  }
0x53: {  	[sflag:s7] =	ssyncset.done $0x0  }
0x54: {  	[sflag:s7] =	ssyncadd.s32 $0xFFFFF800  }
0x55: {  	_ =	swait.ge [sflag:s8], $0x800  }
0x56: {  	[sflag:s8] =	ssyncset.done $0x0  }
0x57: {  	[sflag:s8] =	ssyncadd.s32 $0xFFFFF800  }
0x58: {  	_ =	swait.ge [sflag:s7], $0x800  }
0x59: {  	[sflag:s7] =	ssyncset.done $0x0  }
0x5a: {  	[sflag:s7] =	ssyncadd.s32 $0xFFFFF800  }
0x5b: {  	_ =	swait.ge [sflag:s8], $0x800  }
0x5c: {  	[sflag:s8] =	ssyncset.done $0x0  }
0x5d: {  	[sflag:s8] =	ssyncadd.s32 $0xFFFFF800  }
0x5e: {  	[hbm4b:s12+s3] =	stream.linear.scatter [tilespmem:s19], [sflag:$0x5], $0x2000, $0x38;
	[tilespmem:$0xF710] =	vst v63  }
0x5f: {  	s15 =	sadd.s32 $0x800, s11  }
0x60: {  	[hbm4b:s15+s3] =	stream.linear.scatter [tilespmem:s20], [sflag:$0x5], $0x2000, $0x38;
	[tilespmem:$0xF710] =	vst v63  }
0x61: {  	_ =	swait.ge [sflag:s9], $0x800  }
0x62: {  	[sflag:s9] =	ssyncset.done $0x0  }
0x63: {  	[sflag:s9] =	ssyncadd.s32 $0xFFFFF800  }
0x64: {  	_ =	swait.ge [sflag:s4], $0x800  }
0x65: {  	[sflag:s4] =	ssyncset.done $0x0  }
0x66: {  	[sflag:s4] =	ssyncadd.s32 $0xFFFFF800  }
0x67: {  	_ =	swait.ge [sflag:s9], $0x800  }
0x68: {  	[sflag:s9] =	ssyncset.done $0x0  }
0x69: {  	[sflag:s9] =	ssyncadd.s32 $0xFFFFF800  }
0x6a: {  	_ =	swait.ge [sflag:s4], $0x800  }
0x6b: {  	[sflag:s4] =	ssyncset.done $0x0  }
0x6c: {  	[sflag:s4] =	ssyncadd.s32 $0xFFFFF800  }
0x6d: {  	_ =	swait.ge [sflag:s9], $0x800  }
0x6e: {  	[sflag:s9] =	ssyncset.done $0x0  }
0x6f: {  	[sflag:s9] =	ssyncadd.s32 $0xFFFFF800  }
0x70: {  	_ =	swait.ge [sflag:s4], $0x800  }
0x71: {  	[sflag:s4] =	ssyncset.done $0x0  }
0x72: {  	[sflag:s4] =	ssyncadd.s32 $0xFFFFF800  }
0x73: {  	_ =	swait.ge [sflag:s9], $0x800  }
0x74: {  	[sflag:s9] =	ssyncset.done $0x0  }
0x75: {  	[sflag:s9] =	ssyncadd.s32 $0xFFFFF800  }
0x76: {  	_ =	swait.ge [sflag:s4], $0x800  }
0x77: {  	[sflag:s4] =	ssyncset.done $0x0  }
0x78: {  	s16 =	sadd.s32 $0x400, s12;
	[sflag:s4] =	ssyncadd.s32 $0xFFFFF800  }
0x79: {  	[hbm4b:s16+s3] =	stream.linear.scatter [tilespmem:s28], [sflag:$0x6], $0x2000, $0x38;
	[tilespmem:$0xF710] =	vst v63  }
0x7a: {  	s5 =	sadd.s32 $0x400, s15;
	s11 =	rddreg [dreg:$0xf]  }
0x7b: {  	[hbm4b:s5+s3] =	stream.linear.scatter [tilespmem:s29], [sflag:$0x6], $0x2000, $0x38;
	[tilespmem:$0xF710] =	vst v63  }
.LBB2_8:
0x7c: {  	s5 =	simm.s32 $0x5  }
0x7d: {  	_ =	swait.ge [sflag:s5], $0x2000  }
0x7e: {  	[sflag:s5] =	ssyncset.done $0x0  }
0x7f: {  	[sflag:s5] =	ssyncadd.s32 $0xFFFFE000  }
0x80: {  	_ =	swait.ge [sflag:s5], $0x2000  }
0x81: {  	[sflag:s5] =	ssyncset.done $0x0  }
0x82: {  	s10 =	simm.s32 $0x6;
	[sflag:s5] =	ssyncadd.s32 $0xFFFFE000  }
0x83: {  	_ =	swait.ge [sflag:s10], $0x2000  }
0x84: {  	[sflag:s10] =	ssyncset.done $0x0  }
0x85: {  	[sflag:s10] =	ssyncadd.s32 $0xFFFFE000  }
0x86: {  	_ =	swait.ge [sflag:s10], $0x2000  }
0x87: {  	s11 =	sadd.s32 $0x1, s11;
	s16 =	rddreg [dreg:$0x9]  }
0x88: {  	p1 =	sne.s32 s11, s16  }
.Ltmp1:
0x89: {  	_ = 	snop;
	(pc) =	sbr.rel @!p1 .LBB2_9-.Ltmp1, $3  }
0x8a: {  	_ =	sdelay $0x1  }
0x8b: {  	[sflag:s10] =	ssyncset.done $0x0  }
0x8c: {  	s12 =	simm.s32 $0x7;
	[sflag:s10] =	ssyncadd.s32 $0xFFFFE000  }
.LBB2_1:
0x8d: {  	[dreg:$0xf] =	wrdreg s11  }
0x8e: {  	s5 =	rddreg [dreg:$0x3]  }
0x8f: {  	s10 =	rddreg [dreg:$0x4]  }
0x90: {  	s16 =	rddreg [dreg:$0xe]  }
0x91: {  	[spmem:s16], [sflag:s10] =	dma.local [hbm:s5], $0x4E2  }
.Ltmp2:
0x92: {  	_ =	swait.ge [sflag:s12], $0x4E2;
	(pc) =	sbr.rel @!p0 .LBB2_2-.Ltmp2, $4  }
0x93: {  	[sflag:s12] =	ssyncset.done $0x0  }
0x94: {  	[sflag:s12] =	ssyncadd.s32 $0xFFFFFB1E  }
0x95: {  	[bflag:$0x0] =	sbarrier.arrive $0xFFFF  }
0x96: {  	s5 =	simm.s32 $0x0  }
0x97: {  	s10 =	rddreg [dreg:$0x7]  }
0x98: {  	[tilespmem:s5], [sflag:$0x7] =	stream.linear.gather [hbm4b:s10+s5], $0x2800, $0x38;
	[tilespmem:$0xF710] =	vst v63  }
0x99: {  	_ =	swait.ge [sflag:s12], $0x2800  }
0x9a: {  	[sflag:s12] =	ssyncset.done $0x0  }
0x9b: {  	s11 =	simm.s32 $0x2800;
	s16 =	rddreg [dreg:$0x8];
	[sflag:s12] =	ssyncadd.s32 $0xFFFFD800  }
0x9c: {  	[tilespmem:s11], [sflag:$0x7] =	stream.linear.gather [hbm4b:s16+s5], $0x2800, $0x38;
	[tilespmem:$0xF710] =	vst v63  }
0x9d: {  	_ =	swait.ge [sflag:s12], $0x2800  }
0x9e: {  	p1 =	por $0x1, $0x1;
	[sflag:s12] =	ssyncset.done $0x0  }
0x9f: {  	s5 =	simm.s32 @!p1 $0x5;
	[sflag:s12] =	ssyncadd.s32 $0xFFFFD800  }
0xa0: {  	_ =	swait.ge @!p1 [sflag:s5], $0x2000  }
0xa1: {  	[sflag:s5] =	ssyncset.done @!p1 $0x0  }
0xa2: {  	[sflag:s5] =	ssyncadd.s32 @!p1 $0xFFFFE000  }
0xa3: {  	_ =	swait.ge @!p1 [sflag:s5], $0x2000  }
0xa4: {  	[sflag:s5] =	ssyncset.done @!p1 $0x0  }
0xa5: {  	s13 =	simm.s32 $0x0;
	[sflag:s5] =	ssyncadd.s32 @!p1 $0xFFFFE000  }
0xa6: {  	[tilespmem:s19], [sflag:$0x1] =	stream.indirect.gather [spmem:s2], $0x10, s13, s18, $0xb8;
	[tilespmem:$0xF710] =	vst v63  }
0xa7: {  	s14 =	simm.s32 $0x2800  }
0xa8: {  	[tilespmem:s20], [sflag:$0x2] =	stream.indirect.gather [spmem:s2], $0x10, s14, s18, $0xb8;
	[tilespmem:$0xF710] =	vst v63  }
0xa9: {  	s15 =	simm.s32 $0x80  }
0xaa: {  	[tilespmem:s21], [sflag:$0x1] =	stream.indirect.gather [spmem:s2], $0x10, s15, s18, $0xb8;
	[tilespmem:$0xF710] =	vst v63  }
0xab: {  	s16 =	simm.s32 $0x2880  }
0xac: {  	[tilespmem:s22], [sflag:$0x2] =	stream.indirect.gather [spmem:s2], $0x10, s16, s18, $0xb8;
	[tilespmem:$0xF710] =	vst v63  }
0xad: {  	s10 =	simm.s32 $0x100  }
0xae: {  	[tilespmem:s23], [sflag:$0x1] =	stream.indirect.gather [spmem:s2], $0x10, s10, s18, $0xb8;
	[tilespmem:$0xF710] =	vst v63  }
0xaf: {  	s11 =	simm.s32 $0x2900  }
0xb0: {  	[tilespmem:s24], [sflag:$0x2] =	stream.indirect.gather [spmem:s2], $0x10, s11, s18, $0xb8;
	[tilespmem:$0xF710] =	vst v63  }
0xb1: {  	s12 =	simm.s32 $0x180  }
0xb2: {  	[tilespmem:s25], [sflag:$0x1] =	stream.indirect.gather [spmem:s2], $0x10, s12, s18, $0xb8;
	[tilespmem:$0xF710] =	vst v63  }
0xb3: {  	s13 =	simm.s32 $0x2980;
	s10 =	simm.s32 @!p1 $0x6  }
0xb4: {  	[tilespmem:s26], [sflag:$0x2] =	stream.indirect.gather [spmem:s2], $0x10, s13, s18, $0xb8;
	[tilespmem:$0xF710] =	vst v63  }
0xb5: {  	_ =	swait.ge @!p1 [sflag:s10], $0x2000  }
0xb6: {  	[sflag:s10] =	ssyncset.done @!p1 $0x0  }
0xb7: {  	[sflag:s10] =	ssyncadd.s32 @!p1 $0xFFFFE000  }
0xb8: {  	_ =	swait.ge @!p1 [sflag:s10], $0x2000  }
0xb9: {  	[sflag:s10] =	ssyncset.done @!p1 $0x0  }
0xba: {  	s14 =	simm.s32 $0x200;
	[sflag:s10] =	ssyncadd.s32 @!p1 $0xFFFFE000  }
0xbb: {  	[tilespmem:s28], [sflag:$0x3] =	stream.indirect.gather [spmem:s2], $0x10, s14, s18, $0xb8;
	[tilespmem:$0xF710] =	vst v63  }
0xbc: {  	s15 =	simm.s32 $0x2A00  }
0xbd: {  	[tilespmem:s29], [sflag:$0x4] =	stream.indirect.gather [spmem:s2], $0x10, s15, s18, $0xb8;
	[tilespmem:$0xF710] =	vst v63  }
0xbe: {  	s16 =	simm.s32 $0x280  }
0xbf: {  	[tilespmem:s30], [sflag:$0x3] =	stream.indirect.gather [spmem:s2], $0x10, s16, s18, $0xb8;
	[tilespmem:$0xF710] =	vst v63  }
0xc0: {  	s10 =	simm.s32 $0x2A80  }
0xc1: {  	[tilespmem:s31], [sflag:$0x4] =	stream.indirect.gather [spmem:s2], $0x10, s10, s18, $0xb8;
	[tilespmem:$0xF710] =	vst v63  }
0xc2: {  	s11 =	simm.s32 $0x300  }
0xc3: {  	[tilespmem:s0], [sflag:$0x3] =	stream.indirect.gather [spmem:s2], $0x10, s11, s18, $0xb8;
	[tilespmem:$0xF710] =	vst v63  }
0xc4: {  	s12 =	simm.s32 $0x2B00  }
0xc5: {  	[tilespmem:s1], [sflag:$0x4] =	stream.indirect.gather [spmem:s2], $0x10, s12, s18, $0xb8;
	[tilespmem:$0xF710] =	vst v63  }
0xc6: {  	s13 =	simm.s32 $0x380  }
0xc7: {  	[tilespmem:s17], [sflag:$0x3] =	stream.indirect.gather [spmem:s2], $0x10, s13, s18, $0xb8;
	[tilespmem:$0xF710] =	vst v63  }
0xc8: {  	s14 =	simm.s32 $0x2B80  }
0xc9: {  	[tilespmem:s6], [sflag:$0x4] =	stream.indirect.gather [spmem:s2], $0x10, s14, s18, $0xb8;
	[tilespmem:$0xF710] =	vst v63  }
0xca: {  	_ =	swait.ge [sflag:s7], $0x800  }
0xcb: {  	[sflag:s7] =	ssyncset.done $0x0  }
0xcc: {  	[sflag:s7] =	ssyncadd.s32 $0xFFFFF800  }
0xcd: {  	_ =	swait.ge [sflag:s8], $0x800  }
0xce: {  	[sflag:s8] =	ssyncset.done $0x0  }
0xcf: {  	[sflag:s8] =	ssyncadd.s32 $0xFFFFF800  }
0xd0: {  	_ =	swait.ge [sflag:s7], $0x800  }
0xd1: {  	[sflag:s7] =	ssyncset.done $0x0  }
0xd2: {  	[sflag:s7] =	ssyncadd.s32 $0xFFFFF800  }
0xd3: {  	_ =	swait.ge [sflag:s8], $0x800  }
0xd4: {  	[sflag:s8] =	ssyncset.done $0x0  }
0xd5: {  	[sflag:s8] =	ssyncadd.s32 $0xFFFFF800  }
0xd6: {  	_ =	swait.ge [sflag:s7], $0x800  }
0xd7: {  	[sflag:s7] =	ssyncset.done $0x0  }
0xd8: {  	[sflag:s7] =	ssyncadd.s32 $0xFFFFF800  }
0xd9: {  	_ =	swait.ge [sflag:s8], $0x800  }
0xda: {  	[sflag:s8] =	ssyncset.done $0x0  }
0xdb: {  	[sflag:s8] =	ssyncadd.s32 $0xFFFFF800  }
0xdc: {  	_ =	swait.ge [sflag:s7], $0x800  }
0xdd: {  	[sflag:s7] =	ssyncset.done $0x0  }
0xde: {  	[sflag:s7] =	ssyncadd.s32 $0xFFFFF800  }
0xdf: {  	_ =	swait.ge [sflag:s8], $0x800  }
0xe0: {  	[sflag:s8] =	ssyncset.done $0x0  }
0xe1: {  	s15 =	rddreg [dreg:$0xd];
	[sflag:s8] =	ssyncadd.s32 $0xFFFFF800  }
0xe2: {  	[hbm4b:s15+s3] =	stream.linear.scatter [tilespmem:s19], [sflag:$0x5], $0x2000, $0x38;
	[tilespmem:$0xF710] =	vst v63  }
0xe3: {  	s11 =	rddreg [dreg:$0xc]  }
0xe4: {  	[hbm4b:s11+s3] =	stream.linear.scatter [tilespmem:s20], [sflag:$0x5], $0x2000, $0x38;
	[tilespmem:$0xF710] =	vst v63  }
0xe5: {  	_ =	swait.ge [sflag:s9], $0x800  }
0xe6: {  	[sflag:s9] =	ssyncset.done $0x0  }
0xe7: {  	[sflag:s9] =	ssyncadd.s32 $0xFFFFF800  }
0xe8: {  	_ =	swait.ge [sflag:s4], $0x800  }
0xe9: {  	[sflag:s4] =	ssyncset.done $0x0  }
0xea: {  	[sflag:s4] =	ssyncadd.s32 $0xFFFFF800  }
0xeb: {  	_ =	swait.ge [sflag:s9], $0x800  }
0xec: {  	[sflag:s9] =	ssyncset.done $0x0  }
0xed: {  	[sflag:s9] =	ssyncadd.s32 $0xFFFFF800  }
0xee: {  	_ =	swait.ge [sflag:s4], $0x800  }
0xef: {  	[sflag:s4] =	ssyncset.done $0x0  }
0xf0: {  	[sflag:s4] =	ssyncadd.s32 $0xFFFFF800  }
0xf1: {  	_ =	swait.ge [sflag:s9], $0x800  }
0xf2: {  	[sflag:s9] =	ssyncset.done $0x0  }
0xf3: {  	[sflag:s9] =	ssyncadd.s32 $0xFFFFF800  }
0xf4: {  	_ =	swait.ge [sflag:s4], $0x800  }
0xf5: {  	[sflag:s4] =	ssyncset.done $0x0  }
0xf6: {  	[sflag:s4] =	ssyncadd.s32 $0xFFFFF800  }
0xf7: {  	_ =	swait.ge [sflag:s9], $0x800  }
0xf8: {  	[sflag:s9] =	ssyncset.done $0x0  }
0xf9: {  	[sflag:s9] =	ssyncadd.s32 $0xFFFFF800  }
0xfa: {  	p2 =	por $0x0, $0x0;
	s13 =	simm.s32 $0x2000;
	_ =	swait.ge [sflag:s4], $0x800  }
0xfb: {  	s14 =	simm.s32 $0x1000;
	s16 =	sadd.s32 $0x400, s15;
	[sflag:s4] =	ssyncset.done $0x0  }
0xfc: {  	s10 =	sadd.s32 $0x400, s11;
	s12 =	sadd.s32 $0x800, s15;
	[sflag:s4] =	ssyncadd.s32 $0xFFFFF800  }
0xfd: {  	[hbm4b:s16+s3] =	stream.linear.scatter [tilespmem:s28], [sflag:$0x6], $0x2000, $0x38;
	[tilespmem:$0xF710] =	vst v63  }
.LBB2_6:
0xfe: {  	s15 =	simm.s32 @!p2 $0x5;
	s11 =	sadd.s32 $0x800, s11  }
0xff: {  	s16 =	smov.u32 s13;
	s13 =	sadd.s32 $0x1000, s13;
	s5 =	smov.u32 s12  }
0x100: {  	[hbm4b:s10+s3] =	stream.linear.scatter [tilespmem:s29], [sflag:$0x6], $0x2000, $0x38;
	[tilespmem:$0xF710] =	vst v63  }
0x101: {  	p1 =	sne.s32 s13, $0xA000;
	_ =	swait.ge @!p2 [sflag:s15], $0x2000  }
0x102: {  	[sflag:s15] =	ssyncset.done @!p2 $0x0  }
0x103: {  	[sflag:s15] =	ssyncadd.s32 @!p2 $0xFFFFE000  }
0x104: {  	_ =	swait.ge @!p2 [sflag:s15], $0x2000  }
0x105: {  	[sflag:s15] =	ssyncset.done @!p2 $0x0  }
0x106: {  	s10 =	sshra.s32 s14, $0x2;
	s14 =	smov.u32 s16;
	[sflag:s15] =	ssyncadd.s32 @!p2 $0xFFFFE000  }
0x107: {  	[tilespmem:s19], [sflag:$0x1] =	stream.indirect.gather [spmem:s2], $0x10, s10, s18, $0xb8;
	[tilespmem:$0xF710] =	vst v63  }
0x108: {  	s15 =	sadd.s32 $0x2800, s10  }
0x109: {  	[tilespmem:s20], [sflag:$0x2] =	stream.indirect.gather [spmem:s2], $0x10, s15, s18, $0xb8;
	[tilespmem:$0xF710] =	vst v63  }
0x10a: {  	s15 =	sadd.s32 $0x80, s10  }
0x10b: {  	[tilespmem:s21], [sflag:$0x1] =	stream.indirect.gather [spmem:s2], $0x10, s15, s18, $0xb8;
	[tilespmem:$0xF710] =	vst v63  }
0x10c: {  	s15 =	sadd.s32 $0x2880, s10  }
0x10d: {  	[tilespmem:s22], [sflag:$0x2] =	stream.indirect.gather [spmem:s2], $0x10, s15, s18, $0xb8;
	[tilespmem:$0xF710] =	vst v63  }
0x10e: {  	s15 =	sadd.s32 $0x100, s10  }
0x10f: {  	[tilespmem:s23], [sflag:$0x1] =	stream.indirect.gather [spmem:s2], $0x10, s15, s18, $0xb8;
	[tilespmem:$0xF710] =	vst v63  }
0x110: {  	s15 =	sadd.s32 $0x2900, s10  }
0x111: {  	[tilespmem:s24], [sflag:$0x2] =	stream.indirect.gather [spmem:s2], $0x10, s15, s18, $0xb8;
	[tilespmem:$0xF710] =	vst v63  }
0x112: {  	s15 =	sadd.s32 $0x180, s10  }
0x113: {  	[tilespmem:s25], [sflag:$0x1] =	stream.indirect.gather [spmem:s2], $0x10, s15, s18, $0xb8;
	[tilespmem:$0xF710] =	vst v63  }
0x114: {  	s16 =	simm.s32 @!p2 $0x6;
	s15 =	sadd.s32 $0x2980, s10  }
0x115: {  	[tilespmem:s26], [sflag:$0x2] =	stream.indirect.gather [spmem:s2], $0x10, s15, s18, $0xb8;
	[tilespmem:$0xF710] =	vst v63  }
0x116: {  	_ =	swait.ge @!p2 [sflag:s16], $0x2000  }
0x117: {  	[sflag:s16] =	ssyncset.done @!p2 $0x0  }
0x118: {  	[sflag:s16] =	ssyncadd.s32 @!p2 $0xFFFFE000  }
0x119: {  	_ =	swait.ge @!p2 [sflag:s16], $0x2000  }
0x11a: {  	[sflag:s16] =	ssyncset.done @!p2 $0x0  }
0x11b: {  	s15 =	sadd.s32 $0x200, s10;
	[sflag:s16] =	ssyncadd.s32 @!p2 $0xFFFFE000  }
0x11c: {  	[tilespmem:s28], [sflag:$0x3] =	stream.indirect.gather [spmem:s2], $0x10, s15, s18, $0xb8;
	[tilespmem:$0xF710] =	vst v63  }
0x11d: {  	s15 =	sadd.s32 $0x2A00, s10  }
0x11e: {  	[tilespmem:s29], [sflag:$0x4] =	stream.indirect.gather [spmem:s2], $0x10, s15, s18, $0xb8;
	[tilespmem:$0xF710] =	vst v63  }
0x11f: {  	s15 =	sadd.s32 $0x280, s10  }
0x120: {  	[tilespmem:s30], [sflag:$0x3] =	stream.indirect.gather [spmem:s2], $0x10, s15, s18, $0xb8;
	[tilespmem:$0xF710] =	vst v63  }
0x121: {  	s15 =	sadd.s32 $0x2A80, s10  }
0x122: {  	[tilespmem:s31], [sflag:$0x4] =	stream.indirect.gather [spmem:s2], $0x10, s15, s18, $0xb8;
	[tilespmem:$0xF710] =	vst v63  }
0x123: {  	s15 =	sadd.s32 $0x300, s10  }
0x124: {  	[tilespmem:s0], [sflag:$0x3] =	stream.indirect.gather [spmem:s2], $0x10, s15, s18, $0xb8;
	[tilespmem:$0xF710] =	vst v63  }
0x125: {  	s15 =	sadd.s32 $0x2B00, s10  }
0x126: {  	[tilespmem:s1], [sflag:$0x4] =	stream.indirect.gather [spmem:s2], $0x10, s15, s18, $0xb8;
	[tilespmem:$0xF710] =	vst v63  }
0x127: {  	s15 =	sadd.s32 $0x380, s10  }
0x128: {  	[tilespmem:s17], [sflag:$0x3] =	stream.indirect.gather [spmem:s2], $0x10, s15, s18, $0xb8;
	[tilespmem:$0xF710] =	vst v63  }
0x129: {  	s10 =	sadd.s32 $0x2B80, s10  }
0x12a: {  	[tilespmem:s6], [sflag:$0x4] =	stream.indirect.gather [spmem:s2], $0x10, s10, s18, $0xb8;
	[tilespmem:$0xF710] =	vst v63  }
0x12b: {  	_ =	swait.ge [sflag:s7], $0x800  }
0x12c: {  	[sflag:s7] =	ssyncset.done $0x0  }
0x12d: {  	[sflag:s7] =	ssyncadd.s32 $0xFFFFF800  }
0x12e: {  	_ =	swait.ge [sflag:s8], $0x800  }
0x12f: {  	[sflag:s8] =	ssyncset.done $0x0  }
0x130: {  	[sflag:s8] =	ssyncadd.s32 $0xFFFFF800  }
0x131: {  	_ =	swait.ge [sflag:s7], $0x800  }
0x132: {  	[sflag:s7] =	ssyncset.done $0x0  }
0x133: {  	[sflag:s7] =	ssyncadd.s32 $0xFFFFF800  }
0x134: {  	_ =	swait.ge [sflag:s8], $0x800  }
0x135: {  	[sflag:s8] =	ssyncset.done $0x0  }
0x136: {  	[sflag:s8] =	ssyncadd.s32 $0xFFFFF800  }
0x137: {  	_ =	swait.ge [sflag:s7], $0x800  }
0x138: {  	[sflag:s7] =	ssyncset.done $0x0  }
0x139: {  	[sflag:s7] =	ssyncadd.s32 $0xFFFFF800  }
0x13a: {  	_ =	swait.ge [sflag:s8], $0x800  }
0x13b: {  	[sflag:s8] =	ssyncset.done $0x0  }
0x13c: {  	[sflag:s8] =	ssyncadd.s32 $0xFFFFF800  }
0x13d: {  	_ =	swait.ge [sflag:s7], $0x800  }
0x13e: {  	[sflag:s7] =	ssyncset.done $0x0  }
0x13f: {  	[sflag:s7] =	ssyncadd.s32 $0xFFFFF800  }
0x140: {  	_ =	swait.ge [sflag:s8], $0x800  }
0x141: {  	[sflag:s8] =	ssyncset.done $0x0  }
0x142: {  	[sflag:s8] =	ssyncadd.s32 $0xFFFFF800  }
0x143: {  	[hbm4b:s12+s3] =	stream.linear.scatter [tilespmem:s19], [sflag:$0x5], $0x2000, $0x38;
	[tilespmem:$0xF710] =	vst v63  }
0x144: {  	_ = 	snop  }
0x145: {  	[hbm4b:s11+s3] =	stream.linear.scatter [tilespmem:s20], [sflag:$0x5], $0x2000, $0x38;
	[tilespmem:$0xF710] =	vst v63  }
0x146: {  	_ =	swait.ge [sflag:s9], $0x800  }
0x147: {  	[sflag:s9] =	ssyncset.done $0x0  }
0x148: {  	[sflag:s9] =	ssyncadd.s32 $0xFFFFF800  }
0x149: {  	_ =	swait.ge [sflag:s4], $0x800  }
0x14a: {  	[sflag:s4] =	ssyncset.done $0x0  }
0x14b: {  	[sflag:s4] =	ssyncadd.s32 $0xFFFFF800  }
0x14c: {  	_ =	swait.ge [sflag:s9], $0x800  }
0x14d: {  	[sflag:s9] =	ssyncset.done $0x0  }
0x14e: {  	[sflag:s9] =	ssyncadd.s32 $0xFFFFF800  }
0x14f: {  	_ =	swait.ge [sflag:s4], $0x800  }
0x150: {  	[sflag:s4] =	ssyncset.done $0x0  }
0x151: {  	[sflag:s4] =	ssyncadd.s32 $0xFFFFF800  }
0x152: {  	_ =	swait.ge [sflag:s9], $0x800  }
0x153: {  	[sflag:s9] =	ssyncset.done $0x0  }
0x154: {  	[sflag:s9] =	ssyncadd.s32 $0xFFFFF800  }
0x155: {  	_ =	swait.ge [sflag:s4], $0x800  }
0x156: {  	[sflag:s4] =	ssyncset.done $0x0  }
0x157: {  	[sflag:s4] =	ssyncadd.s32 $0xFFFFF800  }
0x158: {  	_ =	swait.ge [sflag:s9], $0x800  }
0x159: {  	[sflag:s9] =	ssyncset.done $0x0  }
.Ltmp3:
0x15a: {  	[sflag:s9] =	ssyncadd.s32 $0xFFFFF800;
	(pc) =	sbr.rel @p1 .LBB2_6-.Ltmp3, $4  }
0x15b: {  	_ =	swait.ge [sflag:s4], $0x800  }
0x15c: {  	s10 =	sadd.s32 $0x400, s11;
	s12 =	sadd.s32 $0x800, s12;
	[sflag:s4] =	ssyncset.done $0x0  }
0x15d: {  	s5 =	sadd.s32 $0x400, s5;
	p2 =	seq.s32 s14, $0x0;
	[sflag:s4] =	ssyncadd.s32 $0xFFFFF800  }
0x15e: {  	[hbm4b:s5+s3] =	stream.linear.scatter [tilespmem:s28], [sflag:$0x6], $0x2000, $0x38;
	[tilespmem:$0xF710] =	vst v63  }
.Ltmp4:
0x15f: {  	_ = 	snop;
	(pc) =	sbr.rel .LBB2_7-.Ltmp4, $1  }
0x160: {  	_ =	sdelay $0x3  }
.LBB2_2:
0x161: {  	s10 =	rddreg [dreg:$0x5]  }
0x162: {  	[tilespmem:s5], [sflag:$0x7] =	stream.linear.gather [hbm4b:s10+s5], $0x2800, $0x38;
	[tilespmem:$0xF710] =	vst v63  }
0x163: {  	_ =	swait.ge [sflag:s12], $0x2800  }
0x164: {  	[sflag:s12] =	ssyncset.done $0x0  }
0x165: {  	s11 =	simm.s32 $0x2800;
	s16 =	rddreg [dreg:$0x6];
	[sflag:s12] =	ssyncadd.s32 $0xFFFFD800  }
0x166: {  	[tilespmem:s11], [sflag:$0x7] =	stream.linear.gather [hbm4b:s16+s5], $0x2800, $0x38;
	[tilespmem:$0xF710] =	vst v63  }
0x167: {  	_ =	swait.ge [sflag:s12], $0x2800  }
0x168: {  	p1 =	por $0x1, $0x1;
	[sflag:s12] =	ssyncset.done $0x0  }
0x169: {  	s5 =	simm.s32 @!p1 $0x5;
	[sflag:s12] =	ssyncadd.s32 $0xFFFFD800  }
0x16a: {  	_ =	swait.ge @!p1 [sflag:s5], $0x2000  }
0x16b: {  	[sflag:s5] =	ssyncset.done @!p1 $0x0  }
0x16c: {  	[sflag:s5] =	ssyncadd.s32 @!p1 $0xFFFFE000  }
0x16d: {  	_ =	swait.ge @!p1 [sflag:s5], $0x2000  }
0x16e: {  	[sflag:s5] =	ssyncset.done @!p1 $0x0  }
0x16f: {  	s13 =	simm.s32 $0x0;
	[sflag:s5] =	ssyncadd.s32 @!p1 $0xFFFFE000  }
0x170: {  	[tilespmem:s19], [sflag:$0x1] =	stream.indirect.gather [spmem:s2], $0x10, s13, s18, $0xb8;
	[tilespmem:$0xF710] =	vst v63  }
0x171: {  	s14 =	simm.s32 $0x2800  }
0x172: {  	[tilespmem:s20], [sflag:$0x2] =	stream.indirect.gather [spmem:s2], $0x10, s14, s18, $0xb8;
	[tilespmem:$0xF710] =	vst v63  }
0x173: {  	s15 =	simm.s32 $0x80  }
0x174: {  	[tilespmem:s21], [sflag:$0x1] =	stream.indirect.gather [spmem:s2], $0x10, s15, s18, $0xb8;
	[tilespmem:$0xF710] =	vst v63  }
0x175: {  	s16 =	simm.s32 $0x2880  }
0x176: {  	[tilespmem:s22], [sflag:$0x2] =	stream.indirect.gather [spmem:s2], $0x10, s16, s18, $0xb8;
	[tilespmem:$0xF710] =	vst v63  }
0x177: {  	s10 =	simm.s32 $0x100  }
0x178: {  	[tilespmem:s23], [sflag:$0x1] =	stream.indirect.gather [spmem:s2], $0x10, s10, s18, $0xb8;
	[tilespmem:$0xF710] =	vst v63  }
0x179: {  	s11 =	simm.s32 $0x2900  }
0x17a: {  	[tilespmem:s24], [sflag:$0x2] =	stream.indirect.gather [spmem:s2], $0x10, s11, s18, $0xb8;
	[tilespmem:$0xF710] =	vst v63  }
0x17b: {  	s12 =	simm.s32 $0x180  }
0x17c: {  	[tilespmem:s25], [sflag:$0x1] =	stream.indirect.gather [spmem:s2], $0x10, s12, s18, $0xb8;
	[tilespmem:$0xF710] =	vst v63  }
0x17d: {  	s13 =	simm.s32 $0x2980;
	s10 =	simm.s32 @!p1 $0x6  }
0x17e: {  	[tilespmem:s26], [sflag:$0x2] =	stream.indirect.gather [spmem:s2], $0x10, s13, s18, $0xb8;
	[tilespmem:$0xF710] =	vst v63  }
0x17f: {  	_ =	swait.ge @!p1 [sflag:s10], $0x2000  }
0x180: {  	[sflag:s10] =	ssyncset.done @!p1 $0x0  }
0x181: {  	[sflag:s10] =	ssyncadd.s32 @!p1 $0xFFFFE000  }
0x182: {  	_ =	swait.ge @!p1 [sflag:s10], $0x2000  }
0x183: {  	[sflag:s10] =	ssyncset.done @!p1 $0x0  }
0x184: {  	s14 =	simm.s32 $0x200;
	[sflag:s10] =	ssyncadd.s32 @!p1 $0xFFFFE000  }
0x185: {  	[tilespmem:s28], [sflag:$0x3] =	stream.indirect.gather [spmem:s2], $0x10, s14, s18, $0xb8;
	[tilespmem:$0xF710] =	vst v63  }
0x186: {  	s15 =	simm.s32 $0x2A00  }
0x187: {  	[tilespmem:s29], [sflag:$0x4] =	stream.indirect.gather [spmem:s2], $0x10, s15, s18, $0xb8;
	[tilespmem:$0xF710] =	vst v63  }
0x188: {  	s16 =	simm.s32 $0x280  }
0x189: {  	[tilespmem:s30], [sflag:$0x3] =	stream.indirect.gather [spmem:s2], $0x10, s16, s18, $0xb8;
	[tilespmem:$0xF710] =	vst v63  }
0x18a: {  	s10 =	simm.s32 $0x2A80  }
0x18b: {  	[tilespmem:s31], [sflag:$0x4] =	stream.indirect.gather [spmem:s2], $0x10, s10, s18, $0xb8;
	[tilespmem:$0xF710] =	vst v63  }
0x18c: {  	s11 =	simm.s32 $0x300  }
0x18d: {  	[tilespmem:s0], [sflag:$0x3] =	stream.indirect.gather [spmem:s2], $0x10, s11, s18, $0xb8;
	[tilespmem:$0xF710] =	vst v63  }
0x18e: {  	s12 =	simm.s32 $0x2B00  }
0x18f: {  	[tilespmem:s1], [sflag:$0x4] =	stream.indirect.gather [spmem:s2], $0x10, s12, s18, $0xb8;
	[tilespmem:$0xF710] =	vst v63  }
0x190: {  	s13 =	simm.s32 $0x380  }
0x191: {  	[tilespmem:s17], [sflag:$0x3] =	stream.indirect.gather [spmem:s2], $0x10, s13, s18, $0xb8;
	[tilespmem:$0xF710] =	vst v63  }
0x192: {  	s14 =	simm.s32 $0x2B80  }
0x193: {  	[tilespmem:s6], [sflag:$0x4] =	stream.indirect.gather [spmem:s2], $0x10, s14, s18, $0xb8;
	[tilespmem:$0xF710] =	vst v63  }
0x194: {  	_ =	swait.ge [sflag:s7], $0x800  }
0x195: {  	[sflag:s7] =	ssyncset.done $0x0  }
0x196: {  	[sflag:s7] =	ssyncadd.s32 $0xFFFFF800  }
0x197: {  	_ =	swait.ge [sflag:s8], $0x800  }
0x198: {  	[sflag:s8] =	ssyncset.done $0x0  }
0x199: {  	[sflag:s8] =	ssyncadd.s32 $0xFFFFF800  }
0x19a: {  	_ =	swait.ge [sflag:s7], $0x800  }
0x19b: {  	[sflag:s7] =	ssyncset.done $0x0  }
0x19c: {  	[sflag:s7] =	ssyncadd.s32 $0xFFFFF800  }
0x19d: {  	_ =	swait.ge [sflag:s8], $0x800  }
0x19e: {  	[sflag:s8] =	ssyncset.done $0x0  }
0x19f: {  	[sflag:s8] =	ssyncadd.s32 $0xFFFFF800  }
0x1a0: {  	_ =	swait.ge [sflag:s7], $0x800  }
0x1a1: {  	[sflag:s7] =	ssyncset.done $0x0  }
0x1a2: {  	[sflag:s7] =	ssyncadd.s32 $0xFFFFF800  }
0x1a3: {  	_ =	swait.ge [sflag:s8], $0x800  }
0x1a4: {  	[sflag:s8] =	ssyncset.done $0x0  }
0x1a5: {  	[sflag:s8] =	ssyncadd.s32 $0xFFFFF800  }
0x1a6: {  	_ =	swait.ge [sflag:s7], $0x800  }
0x1a7: {  	[sflag:s7] =	ssyncset.done $0x0  }
0x1a8: {  	[sflag:s7] =	ssyncadd.s32 $0xFFFFF800  }
0x1a9: {  	_ =	swait.ge [sflag:s8], $0x800  }
0x1aa: {  	[sflag:s8] =	ssyncset.done $0x0  }
0x1ab: {  	s15 =	rddreg [dreg:$0xb];
	[sflag:s8] =	ssyncadd.s32 $0xFFFFF800  }
0x1ac: {  	[hbm4b:s15+s3] =	stream.linear.scatter [tilespmem:s19], [sflag:$0x5], $0x2000, $0x38;
	[tilespmem:$0xF710] =	vst v63  }
0x1ad: {  	s11 =	rddreg [dreg:$0xa]  }
0x1ae: {  	[hbm4b:s11+s3] =	stream.linear.scatter [tilespmem:s20], [sflag:$0x5], $0x2000, $0x38;
	[tilespmem:$0xF710] =	vst v63  }
0x1af: {  	_ =	swait.ge [sflag:s9], $0x800  }
0x1b0: {  	[sflag:s9] =	ssyncset.done $0x0  }
0x1b1: {  	[sflag:s9] =	ssyncadd.s32 $0xFFFFF800  }
0x1b2: {  	_ =	swait.ge [sflag:s4], $0x800  }
0x1b3: {  	[sflag:s4] =	ssyncset.done $0x0  }
0x1b4: {  	[sflag:s4] =	ssyncadd.s32 $0xFFFFF800  }
0x1b5: {  	_ =	swait.ge [sflag:s9], $0x800  }
0x1b6: {  	[sflag:s9] =	ssyncset.done $0x0  }
0x1b7: {  	[sflag:s9] =	ssyncadd.s32 $0xFFFFF800  }
0x1b8: {  	_ =	swait.ge [sflag:s4], $0x800  }
0x1b9: {  	[sflag:s4] =	ssyncset.done $0x0  }
0x1ba: {  	[sflag:s4] =	ssyncadd.s32 $0xFFFFF800  }
0x1bb: {  	_ =	swait.ge [sflag:s9], $0x800  }
0x1bc: {  	[sflag:s9] =	ssyncset.done $0x0  }
0x1bd: {  	[sflag:s9] =	ssyncadd.s32 $0xFFFFF800  }
0x1be: {  	_ =	swait.ge [sflag:s4], $0x800  }
0x1bf: {  	[sflag:s4] =	ssyncset.done $0x0  }
0x1c0: {  	[sflag:s4] =	ssyncadd.s32 $0xFFFFF800  }
0x1c1: {  	_ =	swait.ge [sflag:s9], $0x800  }
0x1c2: {  	[sflag:s9] =	ssyncset.done $0x0  }
0x1c3: {  	[sflag:s9] =	ssyncadd.s32 $0xFFFFF800  }
0x1c4: {  	p2 =	por $0x0, $0x0;
	s13 =	simm.s32 $0x2000;
	_ =	swait.ge [sflag:s4], $0x800  }
0x1c5: {  	s14 =	simm.s32 $0x1000;
	s16 =	sadd.s32 $0x400, s15;
	[sflag:s4] =	ssyncset.done $0x0  }
0x1c6: {  	s10 =	sadd.s32 $0x400, s11;
	s12 =	sadd.s32 $0x800, s15;
	[sflag:s4] =	ssyncadd.s32 $0xFFFFF800  }
0x1c7: {  	[hbm4b:s16+s3] =	stream.linear.scatter [tilespmem:s28], [sflag:$0x6], $0x2000, $0x38;
	[tilespmem:$0xF710] =	vst v63  }
.LBB2_3:
0x1c8: {  	s16 =	simm.s32 @!p2 $0x5;
	s11 =	sadd.s32 $0x800, s11  }
0x1c9: {  	s15 =	smov.u32 s13;
	s13 =	sadd.s32 $0x1000, s13;
	s5 =	smov.u32 s12  }
0x1ca: {  	[hbm4b:s10+s3] =	stream.linear.scatter [tilespmem:s29], [sflag:$0x6], $0x2000, $0x38;
	[tilespmem:$0xF710] =	vst v63  }
0x1cb: {  	p1 =	seq.s32 s13, $0xA000;
	_ =	swait.ge @!p2 [sflag:s16], $0x2000  }
0x1cc: {  	[sflag:s16] =	ssyncset.done @!p2 $0x0  }
0x1cd: {  	[sflag:s16] =	ssyncadd.s32 @!p2 $0xFFFFE000  }
0x1ce: {  	_ =	swait.ge @!p2 [sflag:s16], $0x2000  }
0x1cf: {  	[sflag:s16] =	ssyncset.done @!p2 $0x0  }
0x1d0: {  	s10 =	sshra.s32 s14, $0x2;
	s14 =	smov.u32 s15;
	[sflag:s16] =	ssyncadd.s32 @!p2 $0xFFFFE000  }
0x1d1: {  	[tilespmem:s19], [sflag:$0x1] =	stream.indirect.gather [spmem:s2], $0x10, s10, s18, $0xb8;
	[tilespmem:$0xF710] =	vst v63  }
0x1d2: {  	s15 =	sadd.s32 $0x2800, s10  }
0x1d3: {  	[tilespmem:s20], [sflag:$0x2] =	stream.indirect.gather [spmem:s2], $0x10, s15, s18, $0xb8;
	[tilespmem:$0xF710] =	vst v63  }
0x1d4: {  	s15 =	sadd.s32 $0x80, s10  }
0x1d5: {  	[tilespmem:s21], [sflag:$0x1] =	stream.indirect.gather [spmem:s2], $0x10, s15, s18, $0xb8;
	[tilespmem:$0xF710] =	vst v63  }
0x1d6: {  	s15 =	sadd.s32 $0x2880, s10  }
0x1d7: {  	[tilespmem:s22], [sflag:$0x2] =	stream.indirect.gather [spmem:s2], $0x10, s15, s18, $0xb8;
	[tilespmem:$0xF710] =	vst v63  }
0x1d8: {  	s15 =	sadd.s32 $0x100, s10  }
0x1d9: {  	[tilespmem:s23], [sflag:$0x1] =	stream.indirect.gather [spmem:s2], $0x10, s15, s18, $0xb8;
	[tilespmem:$0xF710] =	vst v63  }
0x1da: {  	s15 =	sadd.s32 $0x2900, s10  }
0x1db: {  	[tilespmem:s24], [sflag:$0x2] =	stream.indirect.gather [spmem:s2], $0x10, s15, s18, $0xb8;
	[tilespmem:$0xF710] =	vst v63  }
0x1dc: {  	s15 =	sadd.s32 $0x180, s10  }
0x1dd: {  	[tilespmem:s25], [sflag:$0x1] =	stream.indirect.gather [spmem:s2], $0x10, s15, s18, $0xb8;
	[tilespmem:$0xF710] =	vst v63  }
0x1de: {  	s16 =	simm.s32 @!p2 $0x6;
	s15 =	sadd.s32 $0x2980, s10  }
0x1df: {  	[tilespmem:s26], [sflag:$0x2] =	stream.indirect.gather [spmem:s2], $0x10, s15, s18, $0xb8;
	[tilespmem:$0xF710] =	vst v63  }
0x1e0: {  	_ =	swait.ge @!p2 [sflag:s16], $0x2000  }
0x1e1: {  	[sflag:s16] =	ssyncset.done @!p2 $0x0  }
0x1e2: {  	[sflag:s16] =	ssyncadd.s32 @!p2 $0xFFFFE000  }
0x1e3: {  	_ =	swait.ge @!p2 [sflag:s16], $0x2000  }
0x1e4: {  	[sflag:s16] =	ssyncset.done @!p2 $0x0  }
0x1e5: {  	s15 =	sadd.s32 $0x200, s10;
	[sflag:s16] =	ssyncadd.s32 @!p2 $0xFFFFE000  }
0x1e6: {  	[tilespmem:s28], [sflag:$0x3] =	stream.indirect.gather [spmem:s2], $0x10, s15, s18, $0xb8;
	[tilespmem:$0xF710] =	vst v63  }
0x1e7: {  	s15 =	sadd.s32 $0x2A00, s10  }
0x1e8: {  	[tilespmem:s29], [sflag:$0x4] =	stream.indirect.gather [spmem:s2], $0x10, s15, s18, $0xb8;
	[tilespmem:$0xF710] =	vst v63  }
0x1e9: {  	s15 =	sadd.s32 $0x280, s10  }
0x1ea: {  	[tilespmem:s30], [sflag:$0x3] =	stream.indirect.gather [spmem:s2], $0x10, s15, s18, $0xb8;
	[tilespmem:$0xF710] =	vst v63  }
0x1eb: {  	s15 =	sadd.s32 $0x2A80, s10  }
0x1ec: {  	[tilespmem:s31], [sflag:$0x4] =	stream.indirect.gather [spmem:s2], $0x10, s15, s18, $0xb8;
	[tilespmem:$0xF710] =	vst v63  }
0x1ed: {  	s15 =	sadd.s32 $0x300, s10  }
0x1ee: {  	[tilespmem:s0], [sflag:$0x3] =	stream.indirect.gather [spmem:s2], $0x10, s15, s18, $0xb8;
	[tilespmem:$0xF710] =	vst v63  }
0x1ef: {  	s15 =	sadd.s32 $0x2B00, s10  }
0x1f0: {  	[tilespmem:s1], [sflag:$0x4] =	stream.indirect.gather [spmem:s2], $0x10, s15, s18, $0xb8;
	[tilespmem:$0xF710] =	vst v63  }
0x1f1: {  	s15 =	sadd.s32 $0x380, s10  }
0x1f2: {  	[tilespmem:s17], [sflag:$0x3] =	stream.indirect.gather [spmem:s2], $0x10, s15, s18, $0xb8;
	[tilespmem:$0xF710] =	vst v63  }
0x1f3: {  	s10 =	sadd.s32 $0x2B80, s10  }
0x1f4: {  	[tilespmem:s6], [sflag:$0x4] =	stream.indirect.gather [spmem:s2], $0x10, s10, s18, $0xb8;
	[tilespmem:$0xF710] =	vst v63  }
0x1f5: {  	_ =	swait.ge [sflag:s7], $0x800  }
0x1f6: {  	[sflag:s7] =	ssyncset.done $0x0  }
0x1f7: {  	[sflag:s7] =	ssyncadd.s32 $0xFFFFF800  }
0x1f8: {  	_ =	swait.ge [sflag:s8], $0x800  }
0x1f9: {  	[sflag:s8] =	ssyncset.done $0x0  }
0x1fa: {  	[sflag:s8] =	ssyncadd.s32 $0xFFFFF800  }
0x1fb: {  	_ =	swait.ge [sflag:s7], $0x800  }
0x1fc: {  	[sflag:s7] =	ssyncset.done $0x0  }
0x1fd: {  	[sflag:s7] =	ssyncadd.s32 $0xFFFFF800  }
0x1fe: {  	_ =	swait.ge [sflag:s8], $0x800  }
0x1ff: {  	[sflag:s8] =	ssyncset.done $0x0  }
0x200: {  	[sflag:s8] =	ssyncadd.s32 $0xFFFFF800  }
0x201: {  	_ =	swait.ge [sflag:s7], $0x800  }
0x202: {  	[sflag:s7] =	ssyncset.done $0x0  }
0x203: {  	[sflag:s7] =	ssyncadd.s32 $0xFFFFF800  }
0x204: {  	_ =	swait.ge [sflag:s8], $0x800  }
0x205: {  	[sflag:s8] =	ssyncset.done $0x0  }
0x206: {  	[sflag:s8] =	ssyncadd.s32 $0xFFFFF800  }
0x207: {  	_ =	swait.ge [sflag:s7], $0x800  }
0x208: {  	[sflag:s7] =	ssyncset.done $0x0  }
0x209: {  	[sflag:s7] =	ssyncadd.s32 $0xFFFFF800  }
0x20a: {  	_ =	swait.ge [sflag:s8], $0x800  }
0x20b: {  	[sflag:s8] =	ssyncset.done $0x0  }
0x20c: {  	[sflag:s8] =	ssyncadd.s32 $0xFFFFF800  }
0x20d: {  	[hbm4b:s12+s3] =	stream.linear.scatter [tilespmem:s19], [sflag:$0x5], $0x2000, $0x38;
	[tilespmem:$0xF710] =	vst v63  }
0x20e: {  	_ = 	snop  }
0x20f: {  	[hbm4b:s11+s3] =	stream.linear.scatter [tilespmem:s20], [sflag:$0x5], $0x2000, $0x38;
	[tilespmem:$0xF710] =	vst v63  }
0x210: {  	_ =	swait.ge [sflag:s9], $0x800  }
0x211: {  	[sflag:s9] =	ssyncset.done $0x0  }
0x212: {  	[sflag:s9] =	ssyncadd.s32 $0xFFFFF800  }
0x213: {  	_ =	swait.ge [sflag:s4], $0x800  }
0x214: {  	[sflag:s4] =	ssyncset.done $0x0  }
0x215: {  	[sflag:s4] =	ssyncadd.s32 $0xFFFFF800  }
0x216: {  	_ =	swait.ge [sflag:s9], $0x800  }
0x217: {  	[sflag:s9] =	ssyncset.done $0x0  }
0x218: {  	[sflag:s9] =	ssyncadd.s32 $0xFFFFF800  }
0x219: {  	_ =	swait.ge [sflag:s4], $0x800  }
0x21a: {  	[sflag:s4] =	ssyncset.done $0x0  }
0x21b: {  	[sflag:s4] =	ssyncadd.s32 $0xFFFFF800  }
0x21c: {  	_ =	swait.ge [sflag:s9], $0x800  }
0x21d: {  	[sflag:s9] =	ssyncset.done $0x0  }
0x21e: {  	[sflag:s9] =	ssyncadd.s32 $0xFFFFF800  }
0x21f: {  	_ =	swait.ge [sflag:s4], $0x800  }
0x220: {  	[sflag:s4] =	ssyncset.done $0x0  }
0x221: {  	[sflag:s4] =	ssyncadd.s32 $0xFFFFF800  }
0x222: {  	_ =	swait.ge [sflag:s9], $0x800  }
0x223: {  	[sflag:s9] =	ssyncset.done $0x0  }
.Ltmp5:
0x224: {  	[sflag:s9] =	ssyncadd.s32 $0xFFFFF800;
	(pc) =	sbr.rel @!p1 .LBB2_3-.Ltmp5, $4  }
0x225: {  	_ =	swait.ge [sflag:s4], $0x800  }
0x226: {  	s10 =	sadd.s32 $0x400, s11;
	s12 =	sadd.s32 $0x800, s12;
	[sflag:s4] =	ssyncset.done $0x0  }
0x227: {  	s5 =	sadd.s32 $0x400, s5;
	p2 =	seq.s32 s14, $0x0;
	[sflag:s4] =	ssyncadd.s32 $0xFFFFF800  }
0x228: {  	[hbm4b:s5+s3] =	stream.linear.scatter [tilespmem:s28], [sflag:$0x6], $0x2000, $0x38;
	[tilespmem:$0xF710] =	vst v63  }
0x229: {  	[hbm4b:s10+s3] =	stream.linear.scatter [tilespmem:s29], [sflag:$0x6], $0x2000, $0x38;
	[tilespmem:$0xF710] =	vst v63  }
0x22a: {  	s5 =	simm.s32 @!p2 $0x5  }
0x22b: {  	_ =	swait.ge @!p2 [sflag:s5], $0x2000  }
0x22c: {  	[sflag:s5] =	ssyncset.done @!p2 $0x0  }
0x22d: {  	[sflag:s5] =	ssyncadd.s32 @!p2 $0xFFFFE000  }
0x22e: {  	_ =	swait.ge @!p2 [sflag:s5], $0x2000  }
0x22f: {  	[sflag:s5] =	ssyncset.done @!p2 $0x0  }
0x230: {  	[sflag:s5] =	ssyncadd.s32 @!p2 $0xFFFFE000;
	s5 =	sshra.s32 s14, $0x2  }
0x231: {  	[tilespmem:s19], [sflag:$0x1] =	stream.indirect.gather [spmem:s2], $0x10, s5, s18, $0xb8;
	[tilespmem:$0xF710] =	vst v63  }
0x232: {  	s13 =	sadd.s32 $0x2800, s5  }
0x233: {  	[tilespmem:s20], [sflag:$0x2] =	stream.indirect.gather [spmem:s2], $0x10, s13, s18, $0xb8;
	[tilespmem:$0xF710] =	vst v63  }
0x234: {  	s14 =	sadd.s32 $0x80, s5  }
0x235: {  	[tilespmem:s21], [sflag:$0x1] =	stream.indirect.gather [spmem:s2], $0x10, s14, s18, $0xb8;
	[tilespmem:$0xF710] =	vst v63  }
0x236: {  	s15 =	sadd.s32 $0x2880, s5  }
0x237: {  	[tilespmem:s22], [sflag:$0x2] =	stream.indirect.gather [spmem:s2], $0x10, s15, s18, $0xb8;
	[tilespmem:$0xF710] =	vst v63  }
0x238: {  	s16 =	sadd.s32 $0x100, s5  }
0x239: {  	[tilespmem:s23], [sflag:$0x1] =	stream.indirect.gather [spmem:s2], $0x10, s16, s18, $0xb8;
	[tilespmem:$0xF710] =	vst v63  }
0x23a: {  	s13 =	sadd.s32 $0x2900, s5  }
0x23b: {  	[tilespmem:s24], [sflag:$0x2] =	stream.indirect.gather [spmem:s2], $0x10, s13, s18, $0xb8;
	[tilespmem:$0xF710] =	vst v63  }
0x23c: {  	s14 =	sadd.s32 $0x180, s5  }
0x23d: {  	[tilespmem:s25], [sflag:$0x1] =	stream.indirect.gather [spmem:s2], $0x10, s14, s18, $0xb8;
	[tilespmem:$0xF710] =	vst v63  }
0x23e: {  	s10 =	simm.s32 @!p2 $0x6;
	s15 =	sadd.s32 $0x2980, s5  }
0x23f: {  	[tilespmem:s26], [sflag:$0x2] =	stream.indirect.gather [spmem:s2], $0x10, s15, s18, $0xb8;
	[tilespmem:$0xF710] =	vst v63  }
0x240: {  	_ =	swait.ge @!p2 [sflag:s10], $0x2000  }
0x241: {  	[sflag:s10] =	ssyncset.done @!p2 $0x0  }
0x242: {  	[sflag:s10] =	ssyncadd.s32 @!p2 $0xFFFFE000  }
0x243: {  	_ =	swait.ge @!p2 [sflag:s10], $0x2000  }
0x244: {  	[sflag:s10] =	ssyncset.done @!p2 $0x0  }
0x245: {  	s16 =	sadd.s32 $0x200, s5;
	[sflag:s10] =	ssyncadd.s32 @!p2 $0xFFFFE000  }
0x246: {  	[tilespmem:s28], [sflag:$0x3] =	stream.indirect.gather [spmem:s2], $0x10, s16, s18, $0xb8;
	[tilespmem:$0xF710] =	vst v63  }
0x247: {  	s13 =	sadd.s32 $0x2A00, s5  }
0x248: {  	[tilespmem:s29], [sflag:$0x4] =	stream.indirect.gather [spmem:s2], $0x10, s13, s18, $0xb8;
	[tilespmem:$0xF710] =	vst v63  }
0x249: {  	s14 =	sadd.s32 $0x280, s5  }
0x24a: {  	[tilespmem:s30], [sflag:$0x3] =	stream.indirect.gather [spmem:s2], $0x10, s14, s18, $0xb8;
	[tilespmem:$0xF710] =	vst v63  }
0x24b: {  	s15 =	sadd.s32 $0x2A80, s5  }
0x24c: {  	[tilespmem:s31], [sflag:$0x4] =	stream.indirect.gather [spmem:s2], $0x10, s15, s18, $0xb8;
	[tilespmem:$0xF710] =	vst v63  }
0x24d: {  	s16 =	sadd.s32 $0x300, s5  }
0x24e: {  	[tilespmem:s0], [sflag:$0x3] =	stream.indirect.gather [spmem:s2], $0x10, s16, s18, $0xb8;
	[tilespmem:$0xF710] =	vst v63  }
0x24f: {  	s13 =	sadd.s32 $0x2B00, s5  }
0x250: {  	[tilespmem:s1], [sflag:$0x4] =	stream.indirect.gather [spmem:s2], $0x10, s13, s18, $0xb8;
	[tilespmem:$0xF710] =	vst v63  }
0x251: {  	s14 =	sadd.s32 $0x380, s5  }
0x252: {  	[tilespmem:s17], [sflag:$0x3] =	stream.indirect.gather [spmem:s2], $0x10, s14, s18, $0xb8;
	[tilespmem:$0xF710] =	vst v63  }
0x253: {  	s5 =	sadd.s32 $0x2B80, s5  }
0x254: {  	[tilespmem:s6], [sflag:$0x4] =	stream.indirect.gather [spmem:s2], $0x10, s5, s18, $0xb8;
	[tilespmem:$0xF710] =	vst v63  }
0x255: {  	_ =	swait.ge [sflag:s7], $0x800  }
0x256: {  	[sflag:s7] =	ssyncset.done $0x0  }
0x257: {  	[sflag:s7] =	ssyncadd.s32 $0xFFFFF800  }
0x258: {  	_ =	swait.ge [sflag:s8], $0x800  }
0x259: {  	[sflag:s8] =	ssyncset.done $0x0  }
0x25a: {  	[sflag:s8] =	ssyncadd.s32 $0xFFFFF800  }
0x25b: {  	_ =	swait.ge [sflag:s7], $0x800  }
0x25c: {  	[sflag:s7] =	ssyncset.done $0x0  }
0x25d: {  	[sflag:s7] =	ssyncadd.s32 $0xFFFFF800  }
0x25e: {  	_ =	swait.ge [sflag:s8], $0x800  }
0x25f: {  	[sflag:s8] =	ssyncset.done $0x0  }
0x260: {  	[sflag:s8] =	ssyncadd.s32 $0xFFFFF800  }
0x261: {  	_ =	swait.ge [sflag:s7], $0x800  }
0x262: {  	[sflag:s7] =	ssyncset.done $0x0  }
0x263: {  	[sflag:s7] =	ssyncadd.s32 $0xFFFFF800  }
0x264: {  	_ =	swait.ge [sflag:s8], $0x800  }
0x265: {  	[sflag:s8] =	ssyncset.done $0x0  }
0x266: {  	[sflag:s8] =	ssyncadd.s32 $0xFFFFF800  }
0x267: {  	_ =	swait.ge [sflag:s7], $0x800  }
0x268: {  	[sflag:s7] =	ssyncset.done $0x0  }
0x269: {  	[sflag:s7] =	ssyncadd.s32 $0xFFFFF800  }
0x26a: {  	_ =	swait.ge [sflag:s8], $0x800  }
0x26b: {  	[sflag:s8] =	ssyncset.done $0x0  }
0x26c: {  	[sflag:s8] =	ssyncadd.s32 $0xFFFFF800  }
0x26d: {  	[hbm4b:s12+s3] =	stream.linear.scatter [tilespmem:s19], [sflag:$0x5], $0x2000, $0x38;
	[tilespmem:$0xF710] =	vst v63  }
0x26e: {  	s15 =	sadd.s32 $0x800, s11  }
0x26f: {  	[hbm4b:s15+s3] =	stream.linear.scatter [tilespmem:s20], [sflag:$0x5], $0x2000, $0x38;
	[tilespmem:$0xF710] =	vst v63  }
0x270: {  	_ =	swait.ge [sflag:s9], $0x800  }
0x271: {  	[sflag:s9] =	ssyncset.done $0x0  }
0x272: {  	[sflag:s9] =	ssyncadd.s32 $0xFFFFF800  }
0x273: {  	_ =	swait.ge [sflag:s4], $0x800  }
0x274: {  	[sflag:s4] =	ssyncset.done $0x0  }
0x275: {  	[sflag:s4] =	ssyncadd.s32 $0xFFFFF800  }
0x276: {  	_ =	swait.ge [sflag:s9], $0x800  }
0x277: {  	[sflag:s9] =	ssyncset.done $0x0  }
0x278: {  	[sflag:s9] =	ssyncadd.s32 $0xFFFFF800  }
0x279: {  	_ =	swait.ge [sflag:s4], $0x800  }
0x27a: {  	[sflag:s4] =	ssyncset.done $0x0  }
0x27b: {  	[sflag:s4] =	ssyncadd.s32 $0xFFFFF800  }
0x27c: {  	_ =	swait.ge [sflag:s9], $0x800  }
0x27d: {  	[sflag:s9] =	ssyncset.done $0x0  }
0x27e: {  	[sflag:s9] =	ssyncadd.s32 $0xFFFFF800  }
0x27f: {  	_ =	swait.ge [sflag:s4], $0x800  }
0x280: {  	[sflag:s4] =	ssyncset.done $0x0  }
0x281: {  	[sflag:s4] =	ssyncadd.s32 $0xFFFFF800  }
0x282: {  	_ =	swait.ge [sflag:s9], $0x800  }
0x283: {  	[sflag:s9] =	ssyncset.done $0x0  }
0x284: {  	[sflag:s9] =	ssyncadd.s32 $0xFFFFF800  }
0x285: {  	_ =	swait.ge [sflag:s4], $0x800  }
.Ltmp6:
0x286: {  	[sflag:s4] =	ssyncset.done $0x0;
	(pc) =	sbr.rel .LBB2_8-.Ltmp6, $4  }
0x287: {  	s16 =	sadd.s32 $0x400, s12;
	[sflag:s4] =	ssyncadd.s32 $0xFFFFF800  }
0x288: {  	[hbm4b:s16+s3] =	stream.linear.scatter [tilespmem:s28], [sflag:$0x6], $0x2000, $0x38;
	[tilespmem:$0xF710] =	vst v63  }
0x289: {  	s5 =	sadd.s32 $0x400, s15;
	s11 =	rddreg [dreg:$0xf]  }
0x28a: {  	[hbm4b:s5+s3] =	stream.linear.scatter [tilespmem:s29], [sflag:$0x6], $0x2000, $0x38;
	[tilespmem:$0xF710] =	vst v63  }
.LBB2_9:
0x28b: {  	_ =	sfence.sel $0x180000  }
0x28c: {  	[bflag:$0x0] =	sbarrier.arrive $0xFFFF  }
0x28d: {  	_ =	strace $0x90000047  }
0x28e: {  	s0 =	stileid.u32;
	[bflag:$0x2] =	sbarrier.arrive $0xFFFF  }
0x28f: {  	p0 =	sne.s32 s0, $0x0;
	s0 =	rddreg [dreg:$0x2]  }
0x290: {  	s0 =	sadd.s32 @!p0 $0x100000, s0  }
0x291: {  	[sflag:s0] =	ssyncadd.tile.s32 @!p0 $0x1;
	_ =	shalt  }
.Lfunc_end2:
_tile_overlayer_lowered:
.L_overlay_start_2:
0x292: {  	(tag) =	ssettag $0x2  }
0x293: {  	s0 =	rddreg [dreg:$0x0];
	s2 =	stileid.u32  }
0x294: {  	s1 =	rddreg [dreg:$0x1];
	p0 =	sne.s32 s2, $0x0  }
0x295: {  	s3 =	rddreg [dreg:$0x2];
	[bflag:$0x3] =	sbarrier.arrive $0xFFFF;
	s2 =	simm.s32 @!p0 $0x1C07  }
0x296: {  	[timem:s3], [sflag:s2] =	dma.local @!p0 [hbm:s0], s1  }
0x297: {  	s0 =	simm.s32 @!p0 $0x7  }
0x298: {  	_ =	swait.ge @!p0 [sflag:s0], s1  }
0x299: {  	s1 =	ssub.s32 @!p0 $0x0, s1;
	[sflag:s0] =	ssyncset.done @!p0 $0x0  }
0x29a: {  	[sflag:s0] =	ssyncadd.s32 @!p0 s1  }
0x29b: {  	[bflag:$0x3] =	sbarrier.arrive $0xFFFF  }
0x29c: {  	_ =	shalt  }

</sc_bundles>
